<compile_context>
chip_gen: v7x
topology: tpu7x:2x2x1
jax: 0.10.2.dev20260603
libtpu: 0.0.44.dev20260713+nightly
codegen_flags: <defaults>
</compile_context>

<pallas_src>
import jax
import jax.numpy as jnp
from jax import lax
from jax.experimental import pallas as pl
from jax.experimental.pallas import tpu as pltpu
from jax.experimental.pallas import tpu_sc as plsc

N = 10000
D = 256
E = 160000

ROWS_MM = 1000
ROWS_SM = 16

NC = 2
NS = 16
NW = NC * NS
EPW = E // NW
CH = 40
NCHUNK = EPW // CH

RB = 80
NBLK = 125
NBLK_IT = 63
BLK_W = RB * N
SP_SZ = BLK_W + 128
DUMP = BLK_W
EPT = E // NS
EPT_PAD = 10240
NROW128 = EPT_PAD // 128
ZSPAN = SP_SZ // NS
Z_FULL = ZSPAN // 5008
Z_REM = ZSPAN - Z_FULL * 5008
CSPAN = BLK_W // NS
BNC = 5000

NEG = -9e15


def _matmul_body(x_ref, w_ref, o_ref, rn_ref):
    xb = jnp.dot(x_ref[...], w_ref[...], preferred_element_type=jnp.float32)
    o_ref[...] = xb
    rn_ref[...] = 1.0 / jnp.sqrt(jnp.sum(xb * xb, axis=1, keepdims=True))


def _project(x, W):
    return pl.pallas_call(
        _matmul_body,
        grid=(N // ROWS_MM,),
        in_specs=[
            pl.BlockSpec((ROWS_MM, D), lambda i: (i, 0)),
            pl.BlockSpec((D, D), lambda i: (0, 0)),
        ],
        out_specs=[
            pl.BlockSpec((ROWS_MM, D), lambda i: (i, 0)),
            pl.BlockSpec((ROWS_MM, 1), lambda i: (i, 0)),
        ],
        out_shape=[
            jax.ShapeDtypeStruct((N, D), jnp.float32),
            jax.ShapeDtypeStruct((N, 1), jnp.float32),
        ],
    )(x, W)


def _score_body(x_hbm, rn_hbm, src_hbm, dst_hbm, a_hbm, s_hbm,
                sidx, didx, xs_b, xd_b, rs_b, rd_b, s_buf, sm, a_buf,
                sem_s, sem_d, sem_rs, sem_rd):
    wid = lax.axis_index("s") * NC + lax.axis_index("c")
    base = wid * EPW
    pltpu.sync_copy(src_hbm.at[pl.ds(base, EPW)], sidx)
    pltpu.sync_copy(dst_hbm.at[pl.ds(base, EPW)], didx)
    pltpu.sync_copy(a_hbm, a_buf)
    iota = lax.iota(jnp.int32, 16)
    zero_v = jnp.zeros((16,), jnp.float32)

    def bf16_round(v):
        u = plsc.bitcast(v, jnp.int32)
        u = (u + 0x7FFF + ((u >> 16) & 1)) & (-65536)
        return plsc.bitcast(u, jnp.float32)

    ab_v = [bf16_round(a_buf[pl.ds(k * 16, 16)]) for k in range(16)]

    def chunk(c, _):
        off = c * CH
        cp1 = pltpu.async_copy(x_hbm.at[sidx.at[pl.ds(off, CH)]], xs_b, sem_s)
        cp2 = pltpu.async_copy(x_hbm.at[didx.at[pl.ds(off, CH)]], xd_b, sem_d)
        cp3 = pltpu.async_copy(rn_hbm.at[sidx.at[pl.ds(off, CH)]],
                               rs_b.at[pl.ds(0, CH)], sem_rs)
        cp4 = pltpu.async_copy(rn_hbm.at[didx.at[pl.ds(off, CH)]],
                               rd_b.at[pl.ds(0, CH)], sem_rd)
        cp1.wait()
        cp2.wait()

        cp3.wait()
        cp4.wait()

        def edge(e, _):
            acc = zero_v
            rv = (rs_b[pl.ds(e, 16)] * rd_b[pl.ds(e, 16)])[0]
            for k in range(16):
                xs = xs_b[e, pl.ds(k * 16, 16)]
                xd = xd_b[e, pl.ds(k * 16, 16)]
                h = jnp.maximum(xs * xd, 0.0) * rv
                acc = acc + bf16_round(h) * ab_v[k]
            sm[pl.ds(e * 16, 16)] = acc
            return 0

        lax.fori_loop(0, CH, edge, 0, unroll=False)

        for g in range(CH // 16 + 1):
            gbase = (g * 16 + iota) * 16
            tot = zero_v
            for k in range(16):
                tot = tot + plsc.load_gather(sm, [gbase + k])
            sel = jnp.where(tot > 0, tot, NEG)
            s_buf[pl.ds(off + g * 16, 16)] = sel
        return 0

    lax.fori_loop(0, NCHUNK, chunk, 0, unroll=False)
    pltpu.sync_copy(s_buf.at[pl.ds(0, EPW)], s_hbm.at[pl.ds(base, EPW)])


def _score_sc(x, rn, src, dst, a_vec):
    mesh = plsc.VectorSubcoreMesh(core_axis_name="c", subcore_axis_name="s")
    f = pl.kernel(
        _score_body,
        out_type=jax.ShapeDtypeStruct((E,), jnp.float32),
        mesh=mesh,
        compiler_params=pltpu.CompilerParams(needs_layout_passes=False),
        scratch_types=[
            pltpu.VMEM((EPW,), jnp.int32),
            pltpu.VMEM((EPW,), jnp.int32),
            pltpu.VMEM((CH, D), jnp.float32),
            pltpu.VMEM((CH, D), jnp.float32),
            pltpu.VMEM((CH + 16,), jnp.float32),
            pltpu.VMEM((CH + 16,), jnp.float32),
            pltpu.VMEM((EPW + 16,), jnp.float32),
            pltpu.VMEM(((CH + 16) * 16,), jnp.float32),
            pltpu.VMEM((D,), jnp.float32),
            pltpu.SemaphoreType.DMA,
            pltpu.SemaphoreType.DMA,
            pltpu.SemaphoreType.DMA,
            pltpu.SemaphoreType.DMA,
        ],
    )
    return f(x, rn, src, dst, a_vec)


def _assemble_body(src_hbm, dst_hbm, s_hbm, m_hbm,
                   key_r, dst_r, s_r, lidx, zbuf, bnc0, bnc1, spmem,
                   bsem0, bsem1):
    core = lax.axis_index("c")
    sub = lax.axis_index("s")
    base = sub * EPT
    pltpu.sync_copy(src_hbm.at[pl.ds(base, EPT)], key_r.at[pl.ds(0, EPT)])
    pltpu.sync_copy(dst_hbm.at[pl.ds(base, EPT)], dst_r.at[pl.ds(0, EPT)])
    pltpu.sync_copy(s_hbm.at[pl.ds(base, EPT)], s_r.at[pl.ds(0, EPT)])

    def keyset(i, _):
        key_r[pl.ds(i * 16, 16)] = key_r[pl.ds(i * 16, 16)] * N + dst_r[pl.ds(i * 16, 16)]
        return 0

    lax.fori_loop(0, EPT // 16, keyset, 0, unroll=False)
    neg1 = jnp.full((16,), -1, jnp.int32)
    for i in range(EPT // 16, EPT_PAD // 16):
        key_r[pl.ds(i * 16, 16)] = neg1

    def zset(i, _):
        zbuf[pl.ds(i * 16, 16)] = jnp.zeros((16,), jnp.float32)
        return 0

    lax.fori_loop(0, 5120 // 16, zset, 0, unroll=False)

    zb = sub * ZSPAN

    def zinit(i, _):
        pltpu.sync_copy(zbuf.at[pl.ds(0, 5008)],
                        spmem.at[pl.ds(zb + i * 5008, 5008)])
        return 0

    lax.fori_loop(0, Z_FULL, zinit, 0, unroll=False)
    pltpu.sync_copy(zbuf.at[pl.ds(0, Z_REM)],
                    spmem.at[pl.ds(zb + Z_FULL * 5008, Z_REM)])
    plsc.subcore_barrier()

    iota16 = lax.iota(jnp.int32, 16)

    def block(b, _):
        lo = (b * NC + core) * RB
        lon = lo * N
        hin = jnp.minimum(lon + RB * N, N * N)

        def idxrow(r, _):
            for kk in range(8):
                o = r * 128 + kk * 16
                k = key_r[pl.ds(o, 16)]
                ok = (k >= lon) & (k < hin)
                dmp = DUMP + iota16 + kk * 16
                lidx[r, pl.ds(kk * 16, 16)] = jnp.where(ok, k - lon, dmp)
            return 0

        lax.fori_loop(0, NROW128, idxrow, 0, unroll=False)

        def sadd(j, _):
            pltpu.async_copy(s_r.at[pl.ds(j * 128, 128)],
                             spmem.at[lidx.at[j]], bsem0, add=True)
            return 0

        lax.fori_loop(0, NROW128, sadd, 0, unroll=False)

        def sadd_drain(j, _):
            pltpu.make_async_copy(s_r.at[pl.ds(j * 128, 128)],
                                  spmem.at[lidx.at[j]], bsem0).wait()
            return 0

        lax.fori_loop(0, NROW128, sadd_drain, 0, unroll=False)
        plsc.subcore_barrier()

        sbase = sub * CSPAN
        hbase = lon + sub * CSPAN

        @pl.when(lo < N)
        def _copy_out():
            pend = [None, None]
            for i in range(CSPAN // BNC):
                bb = (bnc0, bnc1)[i % 2]
                if pend[i % 2] is not None:
                    pend[i % 2].wait()
                pltpu.sync_copy(spmem.at[pl.ds(sbase + i * BNC, BNC)], bb)
                pend[i % 2] = pltpu.async_copy(
                    bb, m_hbm.at[pl.ds(hbase + i * BNC, BNC)],
                    (bsem0, bsem1)[i % 2])
            pend[0].wait()
            pend[1].wait()

        plsc.subcore_barrier()

        def szero(j, _):
            pltpu.async_copy(zbuf.at[pl.ds(0, 128)], spmem.at[lidx.at[j]],
                             bsem1)
            return 0

        lax.fori_loop(0, NROW128, szero, 0, unroll=False)

        def szero_drain(j, _):
            pltpu.make_async_copy(zbuf.at[pl.ds(0, 128)],
                                  spmem.at[lidx.at[j]], bsem1).wait()
            return 0

        lax.fori_loop(0, NROW128, szero_drain, 0, unroll=False)
        plsc.subcore_barrier()
        return 0

    lax.fori_loop(0, NBLK_IT, block, 0, unroll=False)


def _assemble_sc(src, dst, s):
    mesh = plsc.VectorSubcoreMesh(core_axis_name="c", subcore_axis_name="s")
    f = pl.kernel(
        _assemble_body,
        out_type=jax.ShapeDtypeStruct((N * N,), jnp.float32),
        mesh=mesh,
        compiler_params=pltpu.CompilerParams(needs_layout_passes=False),
        scratch_types=[
            pltpu.VMEM((EPT_PAD,), jnp.int32),
            pltpu.VMEM((EPT_PAD,), jnp.int32),
            pltpu.VMEM((EPT_PAD,), jnp.float32),
            pltpu.VMEM((NROW128, 128), jnp.int32),
            pltpu.VMEM((5120,), jnp.float32),
            pltpu.VMEM((BNC,), jnp.float32),
            pltpu.VMEM((BNC,), jnp.float32),
            pltpu.VMEM_SHARED((SP_SZ,), jnp.float32),
            pltpu.SemaphoreType.DMA,
            pltpu.SemaphoreType.DMA,
        ],
    )
    return f(src, dst, s)


def _softmax_body(m_ref, o_ref):
    m = m_ref[...]
    mask = m != 0.0
    logits = jnp.where(mask, m, -jnp.inf)
    rowmax = jnp.max(logits, axis=1, keepdims=True)
    safe = jnp.where(jnp.isfinite(rowmax), rowmax, 0.0)
    e = jnp.where(mask, jnp.exp(m - safe), 0.0)
    denom = jnp.sum(e, axis=1, keepdims=True)
    o_ref[...] = jnp.where(denom > 0, e / jnp.where(denom > 0, denom, 1.0), 0.0)


def _row_softmax(M):
    return pl.pallas_call(
        _softmax_body,
        grid=(N // ROWS_SM,),
        in_specs=[pl.BlockSpec((ROWS_SM, N), lambda i: (i, 0))],
        out_specs=pl.BlockSpec((ROWS_SM, N), lambda i: (i, 0)),
        out_shape=jax.ShapeDtypeStruct((N, N), jnp.float32),
    )(M)


def _score_jnp(x, src, dst, a):
    xs = x[src]
    xd = x[dst]
    norm = jnp.sqrt(
        jnp.sum(xs * xs, axis=1, keepdims=True)
        * jnp.sum(xd * xd, axis=1, keepdims=True))
    h = jax.nn.relu(xs * xd / norm)
    s = jnp.squeeze(h @ a)
    return jnp.where(s > 0, s, jnp.full_like(s, NEG))


def kernel(input, edge, W, a):
    x, rn = _project(input, W)
    src = edge[0]
    dst = edge[1]
    s = _score_sc(x, rn.reshape(-1), src, dst, a.reshape(-1))
    M = _assemble_sc(src, dst, s)
    A = _row_softmax(M.reshape(N, N))
    return (x, A)

# --- scband reference (transcript-rebuilt; emitter-appended) ---
"""Pipeline reference for scband-gl-layer-3358664425731 (READ-ONLY COPY).

The authoritative reference and input builder live on the scoring server;
editing this copy changes nothing except your own understanding.
"""

import jax, jax.numpy as jnp
import numpy as np

N = 10000
E = 160000
D_IN = 256
D_OUT = 256


def setup_inputs(seed: int = 0) -> dict:
    key = jax.random.key(seed)
    k1, k2, k3, k4 = jax.random.split(key, 4)
    x = jax.random.normal(k1, (N, D_IN), dtype=jnp.float32)
    edge = jax.random.randint(k2, (2, E), 0, N, dtype=jnp.int32)
    # xavier_normal_: std = sqrt(2 / (fan_in + fan_out))
    W = jax.random.normal(k3, (D_IN, D_OUT), dtype=jnp.float32) * np.sqrt(2.0 / (D_IN + D_OUT))
    a = jax.random.normal(k4, (D_OUT, 1), dtype=jnp.float32) * np.sqrt(2.0 / (D_OUT + 1))
    return {"input": x, "edge": edge, "W": W, "a": a}


def reference(input, edge, W, a):
    # dropout p=0.0 (and eval mode) -> identity
    x = input @ W
    src = edge[0]
    dst = edge[1]
    xs = x[src]
    xd = x[dst]
    norm = jnp.sqrt(
        jnp.sum(xs * xs, axis=1, keepdims=True) * jnp.sum(xd * xd, axis=1, keepdims=True)
    )
    h = jax.nn.relu(xs * xd / norm)
    s = jnp.squeeze(h @ a)
    s = jnp.where(s > 0, s, jnp.full_like(s, -9e15))
    n = x.shape[0]
    # torch.sparse_coo_tensor coalesces duplicate (src,dst) entries by summing values,
    # then sparse.softmax runs per-row over the SPECIFIED entries only
    # (unspecified entries behave as -inf -> 0 after softmax).
    M = jnp.zeros((n, n), dtype=x.dtype).at[src, dst].add(s)
    mask = jnp.zeros((n, n), dtype=bool).at[src, dst].set(True)
    logits = jnp.where(mask, M, -jnp.inf)
    rowmax = jnp.max(logits, axis=1, keepdims=True)
    safe_rowmax = jnp.where(jnp.isfinite(rowmax), rowmax, 0.0)
    e = jnp.where(mask, jnp.exp(M - safe_rowmax), 0.0)
    denom = jnp.sum(e, axis=1, keepdims=True)
    A = jnp.where(denom > 0, e / jnp.where(denom > 0, denom, 1.0), 0.0)
    return (x, A)

if __name__ == "__main__":
    import jax
    _d = setup_inputs()
    print(jax.jit(kernel)(*tuple(_d.values())))

</pallas_src>

<mosaic_0001>
#map = affine_map<(d0, d1) -> (0, 0)>
#map1 = affine_map<(d0, d1) -> (0)>
module attributes {stable_mosaic.version = 14 : i64} {
  func.func @_score_body(%arg0: i32, %arg1: i32, %arg2: memref<10000x256xf32, #tpu.memory_space<hbm>>, %arg3: memref<10000xf32, #tpu.memory_space<hbm>>, %arg4: memref<160000xi32, #tpu.memory_space<hbm>>, %arg5: memref<160000xi32, #tpu.memory_space<hbm>>, %arg6: memref<256xf32, #tpu.memory_space<hbm>>, %arg7: memref<160000xf32, #tpu.memory_space<hbm>>, %arg8: memref<5000xi32, #tpu.memory_space<vmem>>, %arg9: memref<5000xi32, #tpu.memory_space<vmem>>, %arg10: memref<40x256xf32, #tpu.memory_space<vmem>>, %arg11: memref<40x256xf32, #tpu.memory_space<vmem>>, %arg12: memref<56xf32, #tpu.memory_space<vmem>>, %arg13: memref<56xf32, #tpu.memory_space<vmem>>, %arg14: memref<5016xf32, #tpu.memory_space<vmem>>, %arg15: memref<896xf32, #tpu.memory_space<vmem>>, %arg16: memref<256xf32, #tpu.memory_space<vmem>>, %arg17: memref<!tpu.dma_semaphore, #tpu.memory_space<semaphore_mem>>, %arg18: memref<!tpu.dma_semaphore, #tpu.memory_space<semaphore_mem>>, %arg19: memref<!tpu.dma_semaphore, #tpu.memory_space<semaphore_mem>>, %arg20: memref<!tpu.dma_semaphore, #tpu.memory_space<semaphore_mem>>) attributes {dimension_semantics = [#tpu.dimension_semantics<core_parallel>, #tpu.dimension_semantics<subcore_parallel>], iteration_bounds = array<i64: 2, 16>, scalar_prefetch = 0 : i64, scratch_operands = 13 : i64, tpu.core_type = #tpu.core_type<sc_vector_subcore>, window_params = [{transform_indices = #map}, {transform_indices = #map1}, {transform_indices = #map1}, {transform_indices = #map1}, {transform_indices = #map1}, {transform_indices = #map1}]} {
    %mul3A = arith.constant 2 : i32
    %mul3A_0 = arith.muli %arg1, %mul3A : i32
    %add3A = arith.addi %mul3A_0, %arg0 : i32
    %mul3A_1 = arith.constant 5000 : i32
    %mul3A_2 = arith.muli %add3A, %mul3A_1 : i32
    "tpu.region"() ({
      %run_scoped3A = tpu.sem_alloc : memref<!tpu.dma_semaphore, #tpu.memory_space<semaphore_mem>>
      %dma_start3A = tpu.memref_slice %arg4[%mul3A_2] : memref<160000xi32, #tpu.memory_space<hbm>> -> memref<5000xi32, #tpu.memory_space<hbm>>
      %dma_start3A_278 = tpu.memref_slice %arg4[%mul3A_2] : memref<160000xi32, #tpu.memory_space<hbm>> -> memref<5000xi32, #tpu.memory_space<hbm>>
      tpu.enqueue_dma source(%dma_start3A_278 : memref<5000xi32, #tpu.memory_space<hbm>>) target(%arg8 : memref<5000xi32, #tpu.memory_space<vmem>>) target_semaphore(%run_scoped3A : memref<!tpu.dma_semaphore, #tpu.memory_space<semaphore_mem>>)
      %dma_wait3A = tpu.memref_slice %arg4[%mul3A_2] : memref<160000xi32, #tpu.memory_space<hbm>> -> memref<5000xi32, #tpu.memory_space<hbm>>
      %dma_wait3A_279 = tpu.memref_slice %arg4[%mul3A_2] : memref<160000xi32, #tpu.memory_space<hbm>> -> memref<5000xi32, #tpu.memory_space<hbm>>
      tpu.wait_dma2 semaphore(%run_scoped3A : memref<!tpu.dma_semaphore, #tpu.memory_space<semaphore_mem>>) src(%dma_wait3A_279 : memref<5000xi32, #tpu.memory_space<hbm>>) dst(%arg8 : memref<5000xi32, #tpu.memory_space<vmem>>)
      tpu.yield
    }) : () -> ()
    "tpu.region"() ({
      %run_scoped3A = tpu.sem_alloc : memref<!tpu.dma_semaphore, #tpu.memory_space<semaphore_mem>>
      %dma_start3A = tpu.memref_slice %arg5[%mul3A_2] : memref<160000xi32, #tpu.memory_space<hbm>> -> memref<5000xi32, #tpu.memory_space<hbm>>
      %dma_start3A_278 = tpu.memref_slice %arg5[%mul3A_2] : memref<160000xi32, #tpu.memory_space<hbm>> -> memref<5000xi32, #tpu.memory_space<hbm>>
      tpu.enqueue_dma source(%dma_start3A_278 : memref<5000xi32, #tpu.memory_space<hbm>>) target(%arg9 : memref<5000xi32, #tpu.memory_space<vmem>>) target_semaphore(%run_scoped3A : memref<!tpu.dma_semaphore, #tpu.memory_space<semaphore_mem>>)
      %dma_wait3A = tpu.memref_slice %arg5[%mul3A_2] : memref<160000xi32, #tpu.memory_space<hbm>> -> memref<5000xi32, #tpu.memory_space<hbm>>
      %dma_wait3A_279 = tpu.memref_slice %arg5[%mul3A_2] : memref<160000xi32, #tpu.memory_space<hbm>> -> memref<5000xi32, #tpu.memory_space<hbm>>
      tpu.wait_dma2 semaphore(%run_scoped3A : memref<!tpu.dma_semaphore, #tpu.memory_space<semaphore_mem>>) src(%dma_wait3A_279 : memref<5000xi32, #tpu.memory_space<hbm>>) dst(%arg9 : memref<5000xi32, #tpu.memory_space<vmem>>)
      tpu.yield
    }) : () -> ()
    "tpu.region"() ({
      %run_scoped3A = tpu.sem_alloc : memref<!tpu.dma_semaphore, #tpu.memory_space<semaphore_mem>>
      tpu.enqueue_dma source(%arg6 : memref<256xf32, #tpu.memory_space<hbm>>) target(%arg16 : memref<256xf32, #tpu.memory_space<vmem>>) target_semaphore(%run_scoped3A : memref<!tpu.dma_semaphore, #tpu.memory_space<semaphore_mem>>)
      tpu.wait_dma2 semaphore(%run_scoped3A : memref<!tpu.dma_semaphore, #tpu.memory_space<semaphore_mem>>) src(%arg6 : memref<256xf32, #tpu.memory_space<hbm>>) dst(%arg16 : memref<256xf32, #tpu.memory_space<vmem>>)
      tpu.yield
    }) : () -> ()
    %iota3A = tpu.iota {dimensions = array<i32: 0>} : vector<16xi32>
    %broadcast_in_dim3A = arith.constant 0.000000e+00 : f32
    %broadcast_in_dim3A_3 = vector.broadcast %broadcast_in_dim3A : f32 to vector<16xf32>
    %get3A = arith.constant 0 : index
    %get3A_4 = tpu.vector_load %arg16[%get3A] {strides = array<i32>} : memref<256xf32, #tpu.memory_space<vmem>>, vector<16xf32>,
    %bitcast3A = vector.bitcast %get3A_4 : vector<16xf32> to vector<16xi32>
    %add3A_5 = arith.constant 32767 : i32
    %add3A_6 = vector.broadcast %add3A_5 : i32 to vector<16xi32>
    %add3A_7 = arith.addi %bitcast3A, %add3A_6 : vector<16xi32>
    %shift_right_arithmetic3A = arith.constant 16 : i32
    %shift_right_arithmetic3A_8 = vector.broadcast %shift_right_arithmetic3A : i32 to vector<16xi32>
    %shift_right_arithmetic3A_9 = arith.shrsi %bitcast3A, %shift_right_arithmetic3A_8 : vector<16xi32>
    %and3A = arith.constant 1 : i32
    %and3A_10 = vector.broadcast %and3A : i32 to vector<16xi32>
    %and3A_11 = arith.andi %shift_right_arithmetic3A_9, %and3A_10 : vector<16xi32>
    %add3A_12 = arith.addi %add3A_7, %and3A_11 : vector<16xi32>
    %and3A_13 = arith.constant -65536 : i32
    %and3A_14 = vector.broadcast %and3A_13 : i32 to vector<16xi32>
    %and3A_15 = arith.andi %add3A_12, %and3A_14 : vector<16xi32>
    %bitcast3A_16 = vector.bitcast %and3A_15 : vector<16xi32> to vector<16xf32>
    %get3A_17 = arith.constant 16 : index
    %get3A_18 = tpu.vector_load %arg16[%get3A_17] {strides = array<i32>} : memref<256xf32, #tpu.memory_space<vmem>>, vector<16xf32>,
    %bitcast3A_19 = vector.bitcast %get3A_18 : vector<16xf32> to vector<16xi32>
    %add3A_20 = arith.constant 32767 : i32
    %add3A_21 = vector.broadcast %add3A_20 : i32 to vector<16xi32>
    %add3A_22 = arith.addi %bitcast3A_19, %add3A_21 : vector<16xi32>
    %shift_right_arithmetic3A_23 = arith.constant 16 : i32
    %shift_right_arithmetic3A_24 = vector.broadcast %shift_right_arithmetic3A_23 : i32 to vector<16xi32>
    %shift_right_arithmetic3A_25 = arith.shrsi %bitcast3A_19, %shift_right_arithmetic3A_24 : vector<16xi32>
    %and3A_26 = arith.constant 1 : i32
    %and3A_27 = vector.broadcast %and3A_26 : i32 to vector<16xi32>
    %and3A_28 = arith.andi %shift_right_arithmetic3A_25, %and3A_27 : vector<16xi32>
    %add3A_29 = arith.addi %add3A_22, %and3A_28 : vector<16xi32>
    %and3A_30 = arith.constant -65536 : i32
    %and3A_31 = vector.broadcast %and3A_30 : i32 to vector<16xi32>
    %and3A_32 = arith.andi %add3A_29, %and3A_31 : vector<16xi32>
    %bitcast3A_33 = vector.bitcast %and3A_32 : vector<16xi32> to vector<16xf32>
    %get3A_34 = arith.constant 32 : index
    %get3A_35 = tpu.vector_load %arg16[%get3A_34] {strides = array<i32>} : memref<256xf32, #tpu.memory_space<vmem>>, vector<16xf32>,
    %bitcast3A_36 = vector.bitcast %get3A_35 : vector<16xf32> to vector<16xi32>
    %add3A_37 = arith.constant 32767 : i32
    %add3A_38 = vector.broadcast %add3A_37 : i32 to vector<16xi32>
    %add3A_39 = arith.addi %bitcast3A_36, %add3A_38 : vector<16xi32>
    %shift_right_arithmetic3A_40 = arith.constant 16 : i32
    %shift_right_arithmetic3A_41 = vector.broadcast %shift_right_arithmetic3A_40 : i32 to vector<16xi32>
    %shift_right_arithmetic3A_42 = arith.shrsi %bitcast3A_36, %shift_right_arithmetic3A_41 : vector<16xi32>
    %and3A_43 = arith.constant 1 : i32
    %and3A_44 = vector.broadcast %and3A_43 : i32 to vector<16xi32>
    %and3A_45 = arith.andi %shift_right_arithmetic3A_42, %and3A_44 : vector<16xi32>
    %add3A_46 = arith.addi %add3A_39, %and3A_45 : vector<16xi32>
    %and3A_47 = arith.constant -65536 : i32
    %and3A_48 = vector.broadcast %and3A_47 : i32 to vector<16xi32>
    %and3A_49 = arith.andi %add3A_46, %and3A_48 : vector<16xi32>
    %bitcast3A_50 = vector.bitcast %and3A_49 : vector<16xi32> to vector<16xf32>
    %get3A_51 = arith.constant 48 : index
    %get3A_52 = tpu.vector_load %arg16[%get3A_51] {strides = array<i32>} : memref<256xf32, #tpu.memory_space<vmem>>, vector<16xf32>,
    %bitcast3A_53 = vector.bitcast %get3A_52 : vector<16xf32> to vector<16xi32>
    %add3A_54 = arith.constant 32767 : i32
    %add3A_55 = vector.broadcast %add3A_54 : i32 to vector<16xi32>
    %add3A_56 = arith.addi %bitcast3A_53, %add3A_55 : vector<16xi32>
    %shift_right_arithmetic3A_57 = arith.constant 16 : i32
    %shift_right_arithmetic3A_58 = vector.broadcast %shift_right_arithmetic3A_57 : i32 to vector<16xi32>
    %shift_right_arithmetic3A_59 = arith.shrsi %bitcast3A_53, %shift_right_arithmetic3A_58 : vector<16xi32>
    %and3A_60 = arith.constant 1 : i32
    %and3A_61 = vector.broadcast %and3A_60 : i32 to vector<16xi32>
    %and3A_62 = arith.andi %shift_right_arithmetic3A_59, %and3A_61 : vector<16xi32>
    %add3A_63 = arith.addi %add3A_56, %and3A_62 : vector<16xi32>
    %and3A_64 = arith.constant -65536 : i32
    %and3A_65 = vector.broadcast %and3A_64 : i32 to vector<16xi32>
    %and3A_66 = arith.andi %add3A_63, %and3A_65 : vector<16xi32>
    %bitcast3A_67 = vector.bitcast %and3A_66 : vector<16xi32> to vector<16xf32>
    %get3A_68 = arith.constant 64 : index
    %get3A_69 = tpu.vector_load %arg16[%get3A_68] {strides = array<i32>} : memref<256xf32, #tpu.memory_space<vmem>>, vector<16xf32>,
    %bitcast3A_70 = vector.bitcast %get3A_69 : vector<16xf32> to vector<16xi32>
    %add3A_71 = arith.constant 32767 : i32
    %add3A_72 = vector.broadcast %add3A_71 : i32 to vector<16xi32>
    %add3A_73 = arith.addi %bitcast3A_70, %add3A_72 : vector<16xi32>
    %shift_right_arithmetic3A_74 = arith.constant 16 : i32
    %shift_right_arithmetic3A_75 = vector.broadcast %shift_right_arithmetic3A_74 : i32 to vector<16xi32>
    %shift_right_arithmetic3A_76 = arith.shrsi %bitcast3A_70, %shift_right_arithmetic3A_75 : vector<16xi32>
    %and3A_77 = arith.constant 1 : i32
    %and3A_78 = vector.broadcast %and3A_77 : i32 to vector<16xi32>
    %and3A_79 = arith.andi %shift_right_arithmetic3A_76, %and3A_78 : vector<16xi32>
    %add3A_80 = arith.addi %add3A_73, %and3A_79 : vector<16xi32>
    %and3A_81 = arith.constant -65536 : i32
    %and3A_82 = vector.broadcast %and3A_81 : i32 to vector<16xi32>
    %and3A_83 = arith.andi %add3A_80, %and3A_82 : vector<16xi32>
    %bitcast3A_84 = vector.bitcast %and3A_83 : vector<16xi32> to vector<16xf32>
    %get3A_85 = arith.constant 80 : index
    %get3A_86 = tpu.vector_load %arg16[%get3A_85] {strides = array<i32>} : memref<256xf32, #tpu.memory_space<vmem>>, vector<16xf32>,
    %bitcast3A_87 = vector.bitcast %get3A_86 : vector<16xf32> to vector<16xi32>
    %add3A_88 = arith.constant 32767 : i32
    %add3A_89 = vector.broadcast %add3A_88 : i32 to vector<16xi32>
    %add3A_90 = arith.addi %bitcast3A_87, %add3A_89 : vector<16xi32>
    %shift_right_arithmetic3A_91 = arith.constant 16 : i32
    %shift_right_arithmetic3A_92 = vector.broadcast %shift_right_arithmetic3A_91 : i32 to vector<16xi32>
    %shift_right_arithmetic3A_93 = arith.shrsi %bitcast3A_87, %shift_right_arithmetic3A_92 : vector<16xi32>
    %and3A_94 = arith.constant 1 : i32
    %and3A_95 = vector.broadcast %and3A_94 : i32 to vector<16xi32>
    %and3A_96 = arith.andi %shift_right_arithmetic3A_93, %and3A_95 : vector<16xi32>
    %add3A_97 = arith.addi %add3A_90, %and3A_96 : vector<16xi32>
    %and3A_98 = arith.constant -65536 : i32
    %and3A_99 = vector.broadcast %and3A_98 : i32 to vector<16xi32>
    %and3A_100 = arith.andi %add3A_97, %and3A_99 : vector<16xi32>
    %bitcast3A_101 = vector.bitcast %and3A_100 : vector<16xi32> to vector<16xf32>
    %get3A_102 = arith.constant 96 : index
    %get3A_103 = tpu.vector_load %arg16[%get3A_102] {strides = array<i32>} : memref<256xf32, #tpu.memory_space<vmem>>, vector<16xf32>,
    %bitcast3A_104 = vector.bitcast %get3A_103 : vector<16xf32> to vector<16xi32>
    %add3A_105 = arith.constant 32767 : i32
    %add3A_106 = vector.broadcast %add3A_105 : i32 to vector<16xi32>
    %add3A_107 = arith.addi %bitcast3A_104, %add3A_106 : vector<16xi32>
    %shift_right_arithmetic3A_108 = arith.constant 16 : i32
    %shift_right_arithmetic3A_109 = vector.broadcast %shift_right_arithmetic3A_108 : i32 to vector<16xi32>
    %shift_right_arithmetic3A_110 = arith.shrsi %bitcast3A_104, %shift_right_arithmetic3A_109 : vector<16xi32>
    %and3A_111 = arith.constant 1 : i32
    %and3A_112 = vector.broadcast %and3A_111 : i32 to vector<16xi32>
    %and3A_113 = arith.andi %shift_right_arithmetic3A_110, %and3A_112 : vector<16xi32>
    %add3A_114 = arith.addi %add3A_107, %and3A_113 : vector<16xi32>
    %and3A_115 = arith.constant -65536 : i32
    %and3A_116 = vector.broadcast %and3A_115 : i32 to vector<16xi32>
    %and3A_117 = arith.andi %add3A_114, %and3A_116 : vector<16xi32>
    %bitcast3A_118 = vector.bitcast %and3A_117 : vector<16xi32> to vector<16xf32>
    %get3A_119 = arith.constant 112 : index
    %get3A_120 = tpu.vector_load %arg16[%get3A_119] {strides = array<i32>} : memref<256xf32, #tpu.memory_space<vmem>>, vector<16xf32>,
    %bitcast3A_121 = vector.bitcast %get3A_120 : vector<16xf32> to vector<16xi32>
    %add3A_122 = arith.constant 32767 : i32
    %add3A_123 = vector.broadcast %add3A_122 : i32 to vector<16xi32>
    %add3A_124 = arith.addi %bitcast3A_121, %add3A_123 : vector<16xi32>
    %shift_right_arithmetic3A_125 = arith.constant 16 : i32
    %shift_right_arithmetic3A_126 = vector.broadcast %shift_right_arithmetic3A_125 : i32 to vector<16xi32>
    %shift_right_arithmetic3A_127 = arith.shrsi %bitcast3A_121, %shift_right_arithmetic3A_126 : vector<16xi32>
    %and3A_128 = arith.constant 1 : i32
    %and3A_129 = vector.broadcast %and3A_128 : i32 to vector<16xi32>
    %and3A_130 = arith.andi %shift_right_arithmetic3A_127, %and3A_129 : vector<16xi32>
    %add3A_131 = arith.addi %add3A_124, %and3A_130 : vector<16xi32>
    %and3A_132 = arith.constant -65536 : i32
    %and3A_133 = vector.broadcast %and3A_132 : i32 to vector<16xi32>
    %and3A_134 = arith.andi %add3A_131, %and3A_133 : vector<16xi32>
    %bitcast3A_135 = vector.bitcast %and3A_134 : vector<16xi32> to vector<16xf32>
    %get3A_136 = arith.constant 128 : index
    %get3A_137 = tpu.vector_load %arg16[%get3A_136] {strides = array<i32>} : memref<256xf32, #tpu.memory_space<vmem>>, vector<16xf32>,
    %bitcast3A_138 = vector.bitcast %get3A_137 : vector<16xf32> to vector<16xi32>
    %add3A_139 = arith.constant 32767 : i32
    %add3A_140 = vector.broadcast %add3A_139 : i32 to vector<16xi32>
    %add3A_141 = arith.addi %bitcast3A_138, %add3A_140 : vector<16xi32>
    %shift_right_arithmetic3A_142 = arith.constant 16 : i32
    %shift_right_arithmetic3A_143 = vector.broadcast %shift_right_arithmetic3A_142 : i32 to vector<16xi32>
    %shift_right_arithmetic3A_144 = arith.shrsi %bitcast3A_138, %shift_right_arithmetic3A_143 : vector<16xi32>
    %and3A_145 = arith.constant 1 : i32
    %and3A_146 = vector.broadcast %and3A_145 : i32 to vector<16xi32>
    %and3A_147 = arith.andi %shift_right_arithmetic3A_144, %and3A_146 : vector<16xi32>
    %add3A_148 = arith.addi %add3A_141, %and3A_147 : vector<16xi32>
    %and3A_149 = arith.constant -65536 : i32
    %and3A_150 = vector.broadcast %and3A_149 : i32 to vector<16xi32>
    %and3A_151 = arith.andi %add3A_148, %and3A_150 : vector<16xi32>
    %bitcast3A_152 = vector.bitcast %and3A_151 : vector<16xi32> to vector<16xf32>
    %get3A_153 = arith.constant 144 : index
    %get3A_154 = tpu.vector_load %arg16[%get3A_153] {strides = array<i32>} : memref<256xf32, #tpu.memory_space<vmem>>, vector<16xf32>,
    %bitcast3A_155 = vector.bitcast %get3A_154 : vector<16xf32> to vector<16xi32>
    %add3A_156 = arith.constant 32767 : i32
    %add3A_157 = vector.broadcast %add3A_156 : i32 to vector<16xi32>
    %add3A_158 = arith.addi %bitcast3A_155, %add3A_157 : vector<16xi32>
    %shift_right_arithmetic3A_159 = arith.constant 16 : i32
    %shift_right_arithmetic3A_160 = vector.broadcast %shift_right_arithmetic3A_159 : i32 to vector<16xi32>
    %shift_right_arithmetic3A_161 = arith.shrsi %bitcast3A_155, %shift_right_arithmetic3A_160 : vector<16xi32>
    %and3A_162 = arith.constant 1 : i32
    %and3A_163 = vector.broadcast %and3A_162 : i32 to vector<16xi32>
    %and3A_164 = arith.andi %shift_right_arithmetic3A_161, %and3A_163 : vector<16xi32>
    %add3A_165 = arith.addi %add3A_158, %and3A_164 : vector<16xi32>
    %and3A_166 = arith.constant -65536 : i32
    %and3A_167 = vector.broadcast %and3A_166 : i32 to vector<16xi32>
    %and3A_168 = arith.andi %add3A_165, %and3A_167 : vector<16xi32>
    %bitcast3A_169 = vector.bitcast %and3A_168 : vector<16xi32> to vector<16xf32>
    %get3A_170 = arith.constant 160 : index
    %get3A_171 = tpu.vector_load %arg16[%get3A_170] {strides = array<i32>} : memref<256xf32, #tpu.memory_space<vmem>>, vector<16xf32>,
    %bitcast3A_172 = vector.bitcast %get3A_171 : vector<16xf32> to vector<16xi32>
    %add3A_173 = arith.constant 32767 : i32
    %add3A_174 = vector.broadcast %add3A_173 : i32 to vector<16xi32>
    %add3A_175 = arith.addi %bitcast3A_172, %add3A_174 : vector<16xi32>
    %shift_right_arithmetic3A_176 = arith.constant 16 : i32
    %shift_right_arithmetic3A_177 = vector.broadcast %shift_right_arithmetic3A_176 : i32 to vector<16xi32>
    %shift_right_arithmetic3A_178 = arith.shrsi %bitcast3A_172, %shift_right_arithmetic3A_177 : vector<16xi32>
    %and3A_179 = arith.constant 1 : i32
    %and3A_180 = vector.broadcast %and3A_179 : i32 to vector<16xi32>
    %and3A_181 = arith.andi %shift_right_arithmetic3A_178, %and3A_180 : vector<16xi32>
    %add3A_182 = arith.addi %add3A_175, %and3A_181 : vector<16xi32>
    %and3A_183 = arith.constant -65536 : i32
    %and3A_184 = vector.broadcast %and3A_183 : i32 to vector<16xi32>
    %and3A_185 = arith.andi %add3A_182, %and3A_184 : vector<16xi32>
    %bitcast3A_186 = vector.bitcast %and3A_185 : vector<16xi32> to vector<16xf32>
    %get3A_187 = arith.constant 176 : index
    %get3A_188 = tpu.vector_load %arg16[%get3A_187] {strides = array<i32>} : memref<256xf32, #tpu.memory_space<vmem>>, vector<16xf32>,
    %bitcast3A_189 = vector.bitcast %get3A_188 : vector<16xf32> to vector<16xi32>
    %add3A_190 = arith.constant 32767 : i32
    %add3A_191 = vector.broadcast %add3A_190 : i32 to vector<16xi32>
    %add3A_192 = arith.addi %bitcast3A_189, %add3A_191 : vector<16xi32>
    %shift_right_arithmetic3A_193 = arith.constant 16 : i32
    %shift_right_arithmetic3A_194 = vector.broadcast %shift_right_arithmetic3A_193 : i32 to vector<16xi32>
    %shift_right_arithmetic3A_195 = arith.shrsi %bitcast3A_189, %shift_right_arithmetic3A_194 : vector<16xi32>
    %and3A_196 = arith.constant 1 : i32
    %and3A_197 = vector.broadcast %and3A_196 : i32 to vector<16xi32>
    %and3A_198 = arith.andi %shift_right_arithmetic3A_195, %and3A_197 : vector<16xi32>
    %add3A_199 = arith.addi %add3A_192, %and3A_198 : vector<16xi32>
    %and3A_200 = arith.constant -65536 : i32
    %and3A_201 = vector.broadcast %and3A_200 : i32 to vector<16xi32>
    %and3A_202 = arith.andi %add3A_199, %and3A_201 : vector<16xi32>
    %bitcast3A_203 = vector.bitcast %and3A_202 : vector<16xi32> to vector<16xf32>
    %get3A_204 = arith.constant 192 : index
    %get3A_205 = tpu.vector_load %arg16[%get3A_204] {strides = array<i32>} : memref<256xf32, #tpu.memory_space<vmem>>, vector<16xf32>,
    %bitcast3A_206 = vector.bitcast %get3A_205 : vector<16xf32> to vector<16xi32>
    %add3A_207 = arith.constant 32767 : i32
    %add3A_208 = vector.broadcast %add3A_207 : i32 to vector<16xi32>
    %add3A_209 = arith.addi %bitcast3A_206, %add3A_208 : vector<16xi32>
    %shift_right_arithmetic3A_210 = arith.constant 16 : i32
    %shift_right_arithmetic3A_211 = vector.broadcast %shift_right_arithmetic3A_210 : i32 to vector<16xi32>
    %shift_right_arithmetic3A_212 = arith.shrsi %bitcast3A_206, %shift_right_arithmetic3A_211 : vector<16xi32>
    %and3A_213 = arith.constant 1 : i32
    %and3A_214 = vector.broadcast %and3A_213 : i32 to vector<16xi32>
    %and3A_215 = arith.andi %shift_right_arithmetic3A_212, %and3A_214 : vector<16xi32>
    %add3A_216 = arith.addi %add3A_209, %and3A_215 : vector<16xi32>
    %and3A_217 = arith.constant -65536 : i32
    %and3A_218 = vector.broadcast %and3A_217 : i32 to vector<16xi32>
    %and3A_219 = arith.andi %add3A_216, %and3A_218 : vector<16xi32>
    %bitcast3A_220 = vector.bitcast %and3A_219 : vector<16xi32> to vector<16xf32>
    %get3A_221 = arith.constant 208 : index
    %get3A_222 = tpu.vector_load %arg16[%get3A_221] {strides = array<i32>} : memref<256xf32, #tpu.memory_space<vmem>>, vector<16xf32>,
    %bitcast3A_223 = vector.bitcast %get3A_222 : vector<16xf32> to vector<16xi32>
    %add3A_224 = arith.constant 32767 : i32
    %add3A_225 = vector.broadcast %add3A_224 : i32 to vector<16xi32>
    %add3A_226 = arith.addi %bitcast3A_223, %add3A_225 : vector<16xi32>
    %shift_right_arithmetic3A_227 = arith.constant 16 : i32
    %shift_right_arithmetic3A_228 = vector.broadcast %shift_right_arithmetic3A_227 : i32 to vector<16xi32>
    %shift_right_arithmetic3A_229 = arith.shrsi %bitcast3A_223, %shift_right_arithmetic3A_228 : vector<16xi32>
    %and3A_230 = arith.constant 1 : i32
    %and3A_231 = vector.broadcast %and3A_230 : i32 to vector<16xi32>
    %and3A_232 = arith.andi %shift_right_arithmetic3A_229, %and3A_231 : vector<16xi32>
    %add3A_233 = arith.addi %add3A_226, %and3A_232 : vector<16xi32>
    %and3A_234 = arith.constant -65536 : i32
    %and3A_235 = vector.broadcast %and3A_234 : i32 to vector<16xi32>
    %and3A_236 = arith.andi %add3A_233, %and3A_235 : vector<16xi32>
    %bitcast3A_237 = vector.bitcast %and3A_236 : vector<16xi32> to vector<16xf32>
    %get3A_238 = arith.constant 224 : index
    %get3A_239 = tpu.vector_load %arg16[%get3A_238] {strides = array<i32>} : memref<256xf32, #tpu.memory_space<vmem>>, vector<16xf32>,
    %bitcast3A_240 = vector.bitcast %get3A_239 : vector<16xf32> to vector<16xi32>
    %add3A_241 = arith.constant 32767 : i32
    %add3A_242 = vector.broadcast %add3A_241 : i32 to vector<16xi32>
    %add3A_243 = arith.addi %bitcast3A_240, %add3A_242 : vector<16xi32>
    %shift_right_arithmetic3A_244 = arith.constant 16 : i32
    %shift_right_arithmetic3A_245 = vector.broadcast %shift_right_arithmetic3A_244 : i32 to vector<16xi32>
    %shift_right_arithmetic3A_246 = arith.shrsi %bitcast3A_240, %shift_right_arithmetic3A_245 : vector<16xi32>
    %and3A_247 = arith.constant 1 : i32
    %and3A_248 = vector.broadcast %and3A_247 : i32 to vector<16xi32>
    %and3A_249 = arith.andi %shift_right_arithmetic3A_246, %and3A_248 : vector<16xi32>
    %add3A_250 = arith.addi %add3A_243, %and3A_249 : vector<16xi32>
    %and3A_251 = arith.constant -65536 : i32
    %and3A_252 = vector.broadcast %and3A_251 : i32 to vector<16xi32>
    %and3A_253 = arith.andi %add3A_250, %and3A_252 : vector<16xi32>
    %bitcast3A_254 = vector.bitcast %and3A_253 : vector<16xi32> to vector<16xf32>
    %get3A_255 = arith.constant 240 : index
    %get3A_256 = tpu.vector_load %arg16[%get3A_255] {strides = array<i32>} : memref<256xf32, #tpu.memory_space<vmem>>, vector<16xf32>,
    %bitcast3A_257 = vector.bitcast %get3A_256 : vector<16xf32> to vector<16xi32>
    %add3A_258 = arith.constant 32767 : i32
    %add3A_259 = vector.broadcast %add3A_258 : i32 to vector<16xi32>
    %add3A_260 = arith.addi %bitcast3A_257, %add3A_259 : vector<16xi32>
    %shift_right_arithmetic3A_261 = arith.constant 16 : i32
    %shift_right_arithmetic3A_262 = vector.broadcast %shift_right_arithmetic3A_261 : i32 to vector<16xi32>
    %shift_right_arithmetic3A_263 = arith.shrsi %bitcast3A_257, %shift_right_arithmetic3A_262 : vector<16xi32>
    %and3A_264 = arith.constant 1 : i32
    %and3A_265 = vector.broadcast %and3A_264 : i32 to vector<16xi32>
    %and3A_266 = arith.andi %shift_right_arithmetic3A_263, %and3A_265 : vector<16xi32>
    %add3A_267 = arith.addi %add3A_260, %and3A_266 : vector<16xi32>
    %and3A_268 = arith.constant -65536 : i32
    %and3A_269 = vector.broadcast %and3A_268 : i32 to vector<16xi32>
    %and3A_270 = arith.andi %add3A_267, %and3A_269 : vector<16xi32>
    %bitcast3A_271 = vector.bitcast %and3A_270 : vector<16xi32> to vector<16xf32>
    %scan3A = arith.constant 0 : i32
    %scan3A_272 = arith.constant 0 : i32
    %scan3A_273 = arith.constant 125 : i32
    %scan3A_274 = arith.addi %scan3A_272, %scan3A_273 : i32
    %scan3A_275 = arith.constant 1 : i32
    %scan3A_276 = scf.for %scan3A_278 = %scan3A_272 to %scan3A_274 step %scan3A_275 iter_args(%scan3A_279 = %scan3A) -> (i32)  : i32 {
      %mul3A_280 = arith.constant 40 : i32
      %mul3A_281 = arith.muli %scan3A_278, %mul3A_280 : i32
      %dma_start3A = tpu.memref_slice %arg8[%mul3A_281] : memref<5000xi32, #tpu.memory_space<vmem>> -> memref<40xi32, #tpu.memory_space<vmem>>
      %dma_start3A_282 = arith.constant 0 : i32
      %dma_start3A_283 = arith.constant 0 : i32
      %dma_start3A_284 = tpu.memref_slice %arg2[%dma_start3A_282, %dma_start3A_283] : memref<10000x256xf32, #tpu.memory_space<hbm>> -> memref<10000x256xf32, #tpu.memory_space<hbm>>
      tpu.enqueue_indirect_dma source(%dma_start3A_284 : memref<10000x256xf32, #tpu.memory_space<hbm>>) target(%arg10 : memref<40x256xf32, #tpu.memory_space<vmem>>) offsets(%dma_start3A : memref<40xi32, #tpu.memory_space<vmem>>) semaphore(%arg17 : memref<!tpu.dma_semaphore, #tpu.memory_space<semaphore_mem>>)
      %dma_start3A_285 = tpu.memref_slice %arg9[%mul3A_281] : memref<5000xi32, #tpu.memory_space<vmem>> -> memref<40xi32, #tpu.memory_space<vmem>>
      %dma_start3A_286 = arith.constant 0 : i32
      %dma_start3A_287 = arith.constant 0 : i32
      %dma_start3A_288 = tpu.memref_slice %arg2[%dma_start3A_286, %dma_start3A_287] : memref<10000x256xf32, #tpu.memory_space<hbm>> -> memref<10000x256xf32, #tpu.memory_space<hbm>>
      tpu.enqueue_indirect_dma source(%dma_start3A_288 : memref<10000x256xf32, #tpu.memory_space<hbm>>) target(%arg11 : memref<40x256xf32, #tpu.memory_space<vmem>>) offsets(%dma_start3A_285 : memref<40xi32, #tpu.memory_space<vmem>>) semaphore(%arg18 : memref<!tpu.dma_semaphore, #tpu.memory_space<semaphore_mem>>)
      %dma_start3A_289 = arith.constant 0 : i32
      %dma_start3A_290 = tpu.memref_slice %arg12[%dma_start3A_289] : memref<56xf32, #tpu.memory_space<vmem>> -> memref<40xf32, #tpu.memory_space<vmem>>
      %dma_start3A_291 = tpu.memref_slice %arg8[%mul3A_281] : memref<5000xi32, #tpu.memory_space<vmem>> -> memref<40xi32, #tpu.memory_space<vmem>>
      %dma_start3A_292 = arith.constant 0 : i32
      %dma_start3A_293 = tpu.memref_slice %arg3[%dma_start3A_292] : memref<10000xf32, #tpu.memory_space<hbm>> -> memref<10000xf32, #tpu.memory_space<hbm>>
      tpu.enqueue_indirect_dma source(%dma_start3A_293 : memref<10000xf32, #tpu.memory_space<hbm>>) target(%dma_start3A_290 : memref<40xf32, #tpu.memory_space<vmem>>) offsets(%dma_start3A_291 : memref<40xi32, #tpu.memory_space<vmem>>) semaphore(%arg19 : memref<!tpu.dma_semaphore, #tpu.memory_space<semaphore_mem>>)
      %dma_start3A_294 = arith.constant 0 : i32
      %dma_start3A_295 = tpu.memref_slice %arg13[%dma_start3A_294] : memref<56xf32, #tpu.memory_space<vmem>> -> memref<40xf32, #tpu.memory_space<vmem>>
      %dma_start3A_296 = tpu.memref_slice %arg9[%mul3A_281] : memref<5000xi32, #tpu.memory_space<vmem>> -> memref<40xi32, #tpu.memory_space<vmem>>
      %dma_start3A_297 = arith.constant 0 : i32
      %dma_start3A_298 = tpu.memref_slice %arg3[%dma_start3A_297] : memref<10000xf32, #tpu.memory_space<hbm>> -> memref<10000xf32, #tpu.memory_space<hbm>>
      tpu.enqueue_indirect_dma source(%dma_start3A_298 : memref<10000xf32, #tpu.memory_space<hbm>>) target(%dma_start3A_295 : memref<40xf32, #tpu.memory_space<vmem>>) offsets(%dma_start3A_296 : memref<40xi32, #tpu.memory_space<vmem>>) semaphore(%arg20 : memref<!tpu.dma_semaphore, #tpu.memory_space<semaphore_mem>>)
      %dma_wait3A = tpu.memref_slice %arg8[%mul3A_281] : memref<5000xi32, #tpu.memory_space<vmem>> -> memref<40xi32, #tpu.memory_space<vmem>>
      %dma_wait3A_299 = arith.constant 0 : i32
      %dma_wait3A_300 = arith.constant 0 : i32
      %dma_wait3A_301 = tpu.memref_slice %arg2[%dma_wait3A_299, %dma_wait3A_300] : memref<10000x256xf32, #tpu.memory_space<hbm>> -> memref<10000x256xf32, #tpu.memory_space<hbm>>
      tpu.wait_indirect_dma semaphore(%arg17 : memref<!tpu.dma_semaphore, #tpu.memory_space<semaphore_mem>>) src(%dma_wait3A_301 : memref<10000x256xf32, #tpu.memory_space<hbm>>) dst(%arg10 : memref<40x256xf32, #tpu.memory_space<vmem>>)
      %dma_wait3A_302 = tpu.memref_slice %arg9[%mul3A_281] : memref<5000xi32, #tpu.memory_space<vmem>> -> memref<40xi32, #tpu.memory_space<vmem>>
      %dma_wait3A_303 = arith.constant 0 : i32
      %dma_wait3A_304 = arith.constant 0 : i32
      %dma_wait3A_305 = tpu.memref_slice %arg2[%dma_wait3A_303, %dma_wait3A_304] : memref<10000x256xf32, #tpu.memory_space<hbm>> -> memref<10000x256xf32, #tpu.memory_space<hbm>>
      tpu.wait_indirect_dma semaphore(%arg18 : memref<!tpu.dma_semaphore, #tpu.memory_space<semaphore_mem>>) src(%dma_wait3A_305 : memref<10000x256xf32, #tpu.memory_space<hbm>>) dst(%arg11 : memref<40x256xf32, #tpu.memory_space<vmem>>)
      %dma_wait3A_306 = arith.constant 0 : i32
      %dma_wait3A_307 = tpu.memref_slice %arg12[%dma_wait3A_306] : memref<56xf32, #tpu.memory_space<vmem>> -> memref<40xf32, #tpu.memory_space<vmem>>
      %dma_wait3A_308 = tpu.memref_slice %arg8[%mul3A_281] : memref<5000xi32, #tpu.memory_space<vmem>> -> memref<40xi32, #tpu.memory_space<vmem>>
      %dma_wait3A_309 = arith.constant 0 : i32
      %dma_wait3A_310 = tpu.memref_slice %arg3[%dma_wait3A_309] : memref<10000xf32, #tpu.memory_space<hbm>> -> memref<10000xf32, #tpu.memory_space<hbm>>
      tpu.wait_indirect_dma semaphore(%arg19 : memref<!tpu.dma_semaphore, #tpu.memory_space<semaphore_mem>>) src(%dma_wait3A_310 : memref<10000xf32, #tpu.memory_space<hbm>>) dst(%dma_wait3A_307 : memref<40xf32, #tpu.memory_space<vmem>>)
      %dma_wait3A_311 = arith.constant 0 : i32
      %dma_wait3A_312 = tpu.memref_slice %arg13[%dma_wait3A_311] : memref<56xf32, #tpu.memory_space<vmem>> -> memref<40xf32, #tpu.memory_space<vmem>>
      %dma_wait3A_313 = tpu.memref_slice %arg9[%mul3A_281] : memref<5000xi32, #tpu.memory_space<vmem>> -> memref<40xi32, #tpu.memory_space<vmem>>
      %dma_wait3A_314 = arith.constant 0 : i32
      %dma_wait3A_315 = tpu.memref_slice %arg3[%dma_wait3A_314] : memref<10000xf32, #tpu.memory_space<hbm>> -> memref<10000xf32, #tpu.memory_space<hbm>>
      tpu.wait_indirect_dma semaphore(%arg20 : memref<!tpu.dma_semaphore, #tpu.memory_space<semaphore_mem>>) src(%dma_wait3A_315 : memref<10000xf32, #tpu.memory_space<hbm>>) dst(%dma_wait3A_312 : memref<40xf32, #tpu.memory_space<vmem>>)
      %scan3A_316 = arith.constant 0 : i32
      %scan3A_317 = arith.constant 0 : i32
      %scan3A_318 = arith.constant 40 : i32
      %scan3A_319 = arith.addi %scan3A_317, %scan3A_318 : i32
      %scan3A_320 = arith.constant 1 : i32
      %scan3A_321 = scf.for %scan3A_607 = %scan3A_317 to %scan3A_319 step %scan3A_320 iter_args(%scan3A_608 = %scan3A_316) -> (i32)  : i32 {
        %get3A_609 = arith.index_cast %scan3A_607 : i32 to index
        %get3A_610 = tpu.vector_load %arg12[%get3A_609] {strides = array<i32>} : memref<56xf32, #tpu.memory_space<vmem>>, vector<16xf32>,
        %get3A_611 = arith.index_cast %scan3A_607 : i32 to index
        %get3A_612 = tpu.vector_load %arg13[%get3A_611] {strides = array<i32>} : memref<56xf32, #tpu.memory_space<vmem>>, vector<16xf32>,
        %mul3A_613 = arith.mulf %get3A_610, %get3A_612 : vector<16xf32>
        %slice3A = vector.extract_strided_slice %mul3A_613 {offsets = [0], sizes = [1], strides = [1]} : vector<16xf32> to vector<1xf32>
        %squeeze3A = vector.extract %slice3A[0] : f32 from vector<1xf32>
        %get3A_614 = arith.index_cast %scan3A_607 : i32 to index
        %get3A_615 = arith.constant 0 : index
        %get3A_616 = tpu.vector_load %arg10[%get3A_614, %get3A_615] {strides = array<i32>} : memref<40x256xf32, #tpu.memory_space<vmem>>, vector<16xf32>,
        %get3A_617 = arith.index_cast %scan3A_607 : i32 to index
        %get3A_618 = arith.constant 0 : index
        %get3A_619 = tpu.vector_load %arg11[%get3A_617, %get3A_618] {strides = array<i32>} : memref<40x256xf32, #tpu.memory_space<vmem>>, vector<16xf32>,
        %mul3A_620 = arith.mulf %get3A_616, %get3A_619 : vector<16xf32>
        %max3A = arith.constant 0.000000e+00 : f32
        %max3A_621 = vector.broadcast %max3A : f32 to vector<16xf32>
        %max3A_622 = arith.maximumf %mul3A_620, %max3A_621 : vector<16xf32>
        %mul3A_623 = vector.broadcast %squeeze3A : f32 to vector<16xf32>
        %mul3A_624 = arith.mulf %max3A_622, %mul3A_623 : vector<16xf32>
        %bitcast3A_625 = vector.bitcast %mul3A_624 : vector<16xf32> to vector<16xi32>
        %add3A_626 = arith.constant 32767 : i32
        %add3A_627 = vector.broadcast %add3A_626 : i32 to vector<16xi32>
        %add3A_628 = arith.addi %bitcast3A_625, %add3A_627 : vector<16xi32>
        %shift_right_arithmetic3A_629 = arith.constant 16 : i32
        %shift_right_arithmetic3A_630 = vector.broadcast %shift_right_arithmetic3A_629 : i32 to vector<16xi32>
        %shift_right_arithmetic3A_631 = arith.shrsi %bitcast3A_625, %shift_right_arithmetic3A_630 : vector<16xi32>
        %and3A_632 = arith.constant 1 : i32
        %and3A_633 = vector.broadcast %and3A_632 : i32 to vector<16xi32>
        %and3A_634 = arith.andi %shift_right_arithmetic3A_631, %and3A_633 : vector<16xi32>
        %add3A_635 = arith.addi %add3A_628, %and3A_634 : vector<16xi32>
        %and3A_636 = arith.constant -65536 : i32
        %and3A_637 = vector.broadcast %and3A_636 : i32 to vector<16xi32>
        %and3A_638 = arith.andi %add3A_635, %and3A_637 : vector<16xi32>
        %bitcast3A_639 = vector.bitcast %and3A_638 : vector<16xi32> to vector<16xf32>
        %mul3A_640 = arith.mulf %bitcast3A_639, %bitcast3A_16 : vector<16xf32>
        %add3A_641 = arith.addf %broadcast_in_dim3A_3, %mul3A_640 : vector<16xf32>
        %get3A_642 = arith.index_cast %scan3A_607 : i32 to index
        %get3A_643 = arith.constant 16 : index
        %get3A_644 = tpu.vector_load %arg10[%get3A_642, %get3A_643] {strides = array<i32>} : memref<40x256xf32, #tpu.memory_space<vmem>>, vector<16xf32>,
        %get3A_645 = arith.index_cast %scan3A_607 : i32 to index
        %get3A_646 = arith.constant 16 : index
        %get3A_647 = tpu.vector_load %arg11[%get3A_645, %get3A_646] {strides = array<i32>} : memref<40x256xf32, #tpu.memory_space<vmem>>, vector<16xf32>,
        %mul3A_648 = arith.mulf %get3A_644, %get3A_647 : vector<16xf32>
        %max3A_649 = arith.constant 0.000000e+00 : f32
        %max3A_650 = vector.broadcast %max3A_649 : f32 to vector<16xf32>
        %max3A_651 = arith.maximumf %mul3A_648, %max3A_650 : vector<16xf32>
        %mul3A_652 = vector.broadcast %squeeze3A : f32 to vector<16xf32>
        %mul3A_653 = arith.mulf %max3A_651, %mul3A_652 : vector<16xf32>
        %bitcast3A_654 = vector.bitcast %mul3A_653 : vector<16xf32> to vector<16xi32>
        %add3A_655 = arith.constant 32767 : i32
        %add3A_656 = vector.broadcast %add3A_655 : i32 to vector<16xi32>
        %add3A_657 = arith.addi %bitcast3A_654, %add3A_656 : vector<16xi32>
        %shift_right_arithmetic3A_658 = arith.constant 16 : i32
        %shift_right_arithmetic3A_659 = vector.broadcast %shift_right_arithmetic3A_658 : i32 to vector<16xi32>
        %shift_right_arithmetic3A_660 = arith.shrsi %bitcast3A_654, %shift_right_arithmetic3A_659 : vector<16xi32>
        %and3A_661 = arith.constant 1 : i32
        %and3A_662 = vector.broadcast %and3A_661 : i32 to vector<16xi32>
        %and3A_663 = arith.andi %shift_right_arithmetic3A_660, %and3A_662 : vector<16xi32>
        %add3A_664 = arith.addi %add3A_657, %and3A_663 : vector<16xi32>
        %and3A_665 = arith.constant -65536 : i32
        %and3A_666 = vector.broadcast %and3A_665 : i32 to vector<16xi32>
        %and3A_667 = arith.andi %add3A_664, %and3A_666 : vector<16xi32>
        %bitcast3A_668 = vector.bitcast %and3A_667 : vector<16xi32> to vector<16xf32>
        %mul3A_669 = arith.mulf %bitcast3A_668, %bitcast3A_33 : vector<16xf32>
        %add3A_670 = arith.addf %add3A_641, %mul3A_669 : vector<16xf32>
        %get3A_671 = arith.index_cast %scan3A_607 : i32 to index
        %get3A_672 = arith.constant 32 : index
        %get3A_673 = tpu.vector_load %arg10[%get3A_671, %get3A_672] {strides = array<i32>} : memref<40x256xf32, #tpu.memory_space<vmem>>, vector<16xf32>,
        %get3A_674 = arith.index_cast %scan3A_607 : i32 to index
        %get3A_675 = arith.constant 32 : index
        %get3A_676 = tpu.vector_load %arg11[%get3A_674, %get3A_675] {strides = array<i32>} : memref<40x256xf32, #tpu.memory_space<vmem>>, vector<16xf32>,
        %mul3A_677 = arith.mulf %get3A_673, %get3A_676 : vector<16xf32>
        %max3A_678 = arith.constant 0.000000e+00 : f32
        %max3A_679 = vector.broadcast %max3A_678 : f32 to vector<16xf32>
        %max3A_680 = arith.maximumf %mul3A_677, %max3A_679 : vector<16xf32>
        %mul3A_681 = vector.broadcast %squeeze3A : f32 to vector<16xf32>
        %mul3A_682 = arith.mulf %max3A_680, %mul3A_681 : vector<16xf32>
        %bitcast3A_683 = vector.bitcast %mul3A_682 : vector<16xf32> to vector<16xi32>
        %add3A_684 = arith.constant 32767 : i32
        %add3A_685 = vector.broadcast %add3A_684 : i32 to vector<16xi32>
        %add3A_686 = arith.addi %bitcast3A_683, %add3A_685 : vector<16xi32>
        %shift_right_arithmetic3A_687 = arith.constant 16 : i32
        %shift_right_arithmetic3A_688 = vector.broadcast %shift_right_arithmetic3A_687 : i32 to vector<16xi32>
        %shift_right_arithmetic3A_689 = arith.shrsi %bitcast3A_683, %shift_right_arithmetic3A_688 : vector<16xi32>
        %and3A_690 = arith.constant 1 : i32
        %and3A_691 = vector.broadcast %and3A_690 : i32 to vector<16xi32>
        %and3A_692 = arith.andi %shift_right_arithmetic3A_689, %and3A_691 : vector<16xi32>
        %add3A_693 = arith.addi %add3A_686, %and3A_692 : vector<16xi32>
        %and3A_694 = arith.constant -65536 : i32
        %and3A_695 = vector.broadcast %and3A_694 : i32 to vector<16xi32>
        %and3A_696 = arith.andi %add3A_693, %and3A_695 : vector<16xi32>
        %bitcast3A_697 = vector.bitcast %and3A_696 : vector<16xi32> to vector<16xf32>
        %mul3A_698 = arith.mulf %bitcast3A_697, %bitcast3A_50 : vector<16xf32>
        %add3A_699 = arith.addf %add3A_670, %mul3A_698 : vector<16xf32>
        %get3A_700 = arith.index_cast %scan3A_607 : i32 to index
        %get3A_701 = arith.constant 48 : index
        %get3A_702 = tpu.vector_load %arg10[%get3A_700, %get3A_701] {strides = array<i32>} : memref<40x256xf32, #tpu.memory_space<vmem>>, vector<16xf32>,
        %get3A_703 = arith.index_cast %scan3A_607 : i32 to index
        %get3A_704 = arith.constant 48 : index
        %get3A_705 = tpu.vector_load %arg11[%get3A_703, %get3A_704] {strides = array<i32>} : memref<40x256xf32, #tpu.memory_space<vmem>>, vector<16xf32>,
        %mul3A_706 = arith.mulf %get3A_702, %get3A_705 : vector<16xf32>
        %max3A_707 = arith.constant 0.000000e+00 : f32
        %max3A_708 = vector.broadcast %max3A_707 : f32 to vector<16xf32>
        %max3A_709 = arith.maximumf %mul3A_706, %max3A_708 : vector<16xf32>
        %mul3A_710 = vector.broadcast %squeeze3A : f32 to vector<16xf32>
        %mul3A_711 = arith.mulf %max3A_709, %mul3A_710 : vector<16xf32>
        %bitcast3A_712 = vector.bitcast %mul3A_711 : vector<16xf32> to vector<16xi32>
        %add3A_713 = arith.constant 32767 : i32
        %add3A_714 = vector.broadcast %add3A_713 : i32 to vector<16xi32>
        %add3A_715 = arith.addi %bitcast3A_712, %add3A_714 : vector<16xi32>
        %shift_right_arithmetic3A_716 = arith.constant 16 : i32
        %shift_right_arithmetic3A_717 = vector.broadcast %shift_right_arithmetic3A_716 : i32 to vector<16xi32>
        %shift_right_arithmetic3A_718 = arith.shrsi %bitcast3A_712, %shift_right_arithmetic3A_717 : vector<16xi32>
        %and3A_719 = arith.constant 1 : i32
        %and3A_720 = vector.broadcast %and3A_719 : i32 to vector<16xi32>
        %and3A_721 = arith.andi %shift_right_arithmetic3A_718, %and3A_720 : vector<16xi32>
        %add3A_722 = arith.addi %add3A_715, %and3A_721 : vector<16xi32>
        %and3A_723 = arith.constant -65536 : i32
        %and3A_724 = vector.broadcast %and3A_723 : i32 to vector<16xi32>
        %and3A_725 = arith.andi %add3A_722, %and3A_724 : vector<16xi32>
        %bitcast3A_726 = vector.bitcast %and3A_725 : vector<16xi32> to vector<16xf32>
        %mul3A_727 = arith.mulf %bitcast3A_726, %bitcast3A_67 : vector<16xf32>
        %add3A_728 = arith.addf %add3A_699, %mul3A_727 : vector<16xf32>
        %get3A_729 = arith.index_cast %scan3A_607 : i32 to index
        %get3A_730 = arith.constant 64 : index
        %get3A_731 = tpu.vector_load %arg10[%get3A_729, %get3A_730] {strides = array<i32>} : memref<40x256xf32, #tpu.memory_space<vmem>>, vector<16xf32>,
        %get3A_732 = arith.index_cast %scan3A_607 : i32 to index
        %get3A_733 = arith.constant 64 : index
        %get3A_734 = tpu.vector_load %arg11[%get3A_732, %get3A_733] {strides = array<i32>} : memref<40x256xf32, #tpu.memory_space<vmem>>, vector<16xf32>,
        %mul3A_735 = arith.mulf %get3A_731, %get3A_734 : vector<16xf32>
        %max3A_736 = arith.constant 0.000000e+00 : f32
        %max3A_737 = vector.broadcast %max3A_736 : f32 to vector<16xf32>
        %max3A_738 = arith.maximumf %mul3A_735, %max3A_737 : vector<16xf32>
        %mul3A_739 = vector.broadcast %squeeze3A : f32 to vector<16xf32>
        %mul3A_740 = arith.mulf %max3A_738, %mul3A_739 : vector<16xf32>
        %bitcast3A_741 = vector.bitcast %mul3A_740 : vector<16xf32> to vector<16xi32>
        %add3A_742 = arith.constant 32767 : i32
        %add3A_743 = vector.broadcast %add3A_742 : i32 to vector<16xi32>
        %add3A_744 = arith.addi %bitcast3A_741, %add3A_743 : vector<16xi32>
        %shift_right_arithmetic3A_745 = arith.constant 16 : i32
        %shift_right_arithmetic3A_746 = vector.broadcast %shift_right_arithmetic3A_745 : i32 to vector<16xi32>
        %shift_right_arithmetic3A_747 = arith.shrsi %bitcast3A_741, %shift_right_arithmetic3A_746 : vector<16xi32>
        %and3A_748 = arith.constant 1 : i32
        %and3A_749 = vector.broadcast %and3A_748 : i32 to vector<16xi32>
        %and3A_750 = arith.andi %shift_right_arithmetic3A_747, %and3A_749 : vector<16xi32>
        %add3A_751 = arith.addi %add3A_744, %and3A_750 : vector<16xi32>
        %and3A_752 = arith.constant -65536 : i32
        %and3A_753 = vector.broadcast %and3A_752 : i32 to vector<16xi32>
        %and3A_754 = arith.andi %add3A_751, %and3A_753 : vector<16xi32>
        %bitcast3A_755 = vector.bitcast %and3A_754 : vector<16xi32> to vector<16xf32>
        %mul3A_756 = arith.mulf %bitcast3A_755, %bitcast3A_84 : vector<16xf32>
        %add3A_757 = arith.addf %add3A_728, %mul3A_756 : vector<16xf32>
        %get3A_758 = arith.index_cast %scan3A_607 : i32 to index
        %get3A_759 = arith.constant 80 : index
        %get3A_760 = tpu.vector_load %arg10[%get3A_758, %get3A_759] {strides = array<i32>} : memref<40x256xf32, #tpu.memory_space<vmem>>, vector<16xf32>,
        %get3A_761 = arith.index_cast %scan3A_607 : i32 to index
        %get3A_762 = arith.constant 80 : index
        %get3A_763 = tpu.vector_load %arg11[%get3A_761, %get3A_762] {strides = array<i32>} : memref<40x256xf32, #tpu.memory_space<vmem>>, vector<16xf32>,
        %mul3A_764 = arith.mulf %get3A_760, %get3A_763 : vector<16xf32>
        %max3A_765 = arith.constant 0.000000e+00 : f32
        %max3A_766 = vector.broadcast %max3A_765 : f32 to vector<16xf32>
        %max3A_767 = arith.maximumf %mul3A_764, %max3A_766 : vector<16xf32>
        %mul3A_768 = vector.broadcast %squeeze3A : f32 to vector<16xf32>
        %mul3A_769 = arith.mulf %max3A_767, %mul3A_768 : vector<16xf32>
        %bitcast3A_770 = vector.bitcast %mul3A_769 : vector<16xf32> to vector<16xi32>
        %add3A_771 = arith.constant 32767 : i32
        %add3A_772 = vector.broadcast %add3A_771 : i32 to vector<16xi32>
        %add3A_773 = arith.addi %bitcast3A_770, %add3A_772 : vector<16xi32>
        %shift_right_arithmetic3A_774 = arith.constant 16 : i32
        %shift_right_arithmetic3A_775 = vector.broadcast %shift_right_arithmetic3A_774 : i32 to vector<16xi32>
        %shift_right_arithmetic3A_776 = arith.shrsi %bitcast3A_770, %shift_right_arithmetic3A_775 : vector<16xi32>
        %and3A_777 = arith.constant 1 : i32
        %and3A_778 = vector.broadcast %and3A_777 : i32 to vector<16xi32>
        %and3A_779 = arith.andi %shift_right_arithmetic3A_776, %and3A_778 : vector<16xi32>
        %add3A_780 = arith.addi %add3A_773, %and3A_779 : vector<16xi32>
        %and3A_781 = arith.constant -65536 : i32
        %and3A_782 = vector.broadcast %and3A_781 : i32 to vector<16xi32>
        %and3A_783 = arith.andi %add3A_780, %and3A_782 : vector<16xi32>
        %bitcast3A_784 = vector.bitcast %and3A_783 : vector<16xi32> to vector<16xf32>
        %mul3A_785 = arith.mulf %bitcast3A_784, %bitcast3A_101 : vector<16xf32>
        %add3A_786 = arith.addf %add3A_757, %mul3A_785 : vector<16xf32>
        %get3A_787 = arith.index_cast %scan3A_607 : i32 to index
        %get3A_788 = arith.constant 96 : index
        %get3A_789 = tpu.vector_load %arg10[%get3A_787, %get3A_788] {strides = array<i32>} : memref<40x256xf32, #tpu.memory_space<vmem>>, vector<16xf32>,
        %get3A_790 = arith.index_cast %scan3A_607 : i32 to index
        %get3A_791 = arith.constant 96 : index
        %get3A_792 = tpu.vector_load %arg11[%get3A_790, %get3A_791] {strides = array<i32>} : memref<40x256xf32, #tpu.memory_space<vmem>>, vector<16xf32>,
        %mul3A_793 = arith.mulf %get3A_789, %get3A_792 : vector<16xf32>
        %max3A_794 = arith.constant 0.000000e+00 : f32
        %max3A_795 = vector.broadcast %max3A_794 : f32 to vector<16xf32>
        %max3A_796 = arith.maximumf %mul3A_793, %max3A_795 : vector<16xf32>
        %mul3A_797 = vector.broadcast %squeeze3A : f32 to vector<16xf32>
        %mul3A_798 = arith.mulf %max3A_796, %mul3A_797 : vector<16xf32>
        %bitcast3A_799 = vector.bitcast %mul3A_798 : vector<16xf32> to vector<16xi32>
        %add3A_800 = arith.constant 32767 : i32
        %add3A_801 = vector.broadcast %add3A_800 : i32 to vector<16xi32>
        %add3A_802 = arith.addi %bitcast3A_799, %add3A_801 : vector<16xi32>
        %shift_right_arithmetic3A_803 = arith.constant 16 : i32
        %shift_right_arithmetic3A_804 = vector.broadcast %shift_right_arithmetic3A_803 : i32 to vector<16xi32>
        %shift_right_arithmetic3A_805 = arith.shrsi %bitcast3A_799, %shift_right_arithmetic3A_804 : vector<16xi32>
        %and3A_806 = arith.constant 1 : i32
        %and3A_807 = vector.broadcast %and3A_806 : i32 to vector<16xi32>
        %and3A_808 = arith.andi %shift_right_arithmetic3A_805, %and3A_807 : vector<16xi32>
        %add3A_809 = arith.addi %add3A_802, %and3A_808 : vector<16xi32>
        %and3A_810 = arith.constant -65536 : i32
        %and3A_811 = vector.broadcast %and3A_810 : i32 to vector<16xi32>
        %and3A_812 = arith.andi %add3A_809, %and3A_811 : vector<16xi32>
        %bitcast3A_813 = vector.bitcast %and3A_812 : vector<16xi32> to vector<16xf32>
        %mul3A_814 = arith.mulf %bitcast3A_813, %bitcast3A_118 : vector<16xf32>
        %add3A_815 = arith.addf %add3A_786, %mul3A_814 : vector<16xf32>
        %get3A_816 = arith.index_cast %scan3A_607 : i32 to index
        %get3A_817 = arith.constant 112 : index
        %get3A_818 = tpu.vector_load %arg10[%get3A_816, %get3A_817] {strides = array<i32>} : memref<40x256xf32, #tpu.memory_space<vmem>>, vector<16xf32>,
        %get3A_819 = arith.index_cast %scan3A_607 : i32 to index
        %get3A_820 = arith.constant 112 : index
        %get3A_821 = tpu.vector_load %arg11[%get3A_819, %get3A_820] {strides = array<i32>} : memref<40x256xf32, #tpu.memory_space<vmem>>, vector<16xf32>,
        %mul3A_822 = arith.mulf %get3A_818, %get3A_821 : vector<16xf32>
        %max3A_823 = arith.constant 0.000000e+00 : f32
        %max3A_824 = vector.broadcast %max3A_823 : f32 to vector<16xf32>
        %max3A_825 = arith.maximumf %mul3A_822, %max3A_824 : vector<16xf32>
        %mul3A_826 = vector.broadcast %squeeze3A : f32 to vector<16xf32>
        %mul3A_827 = arith.mulf %max3A_825, %mul3A_826 : vector<16xf32>
        %bitcast3A_828 = vector.bitcast %mul3A_827 : vector<16xf32> to vector<16xi32>
        %add3A_829 = arith.constant 32767 : i32
        %add3A_830 = vector.broadcast %add3A_829 : i32 to vector<16xi32>
        %add3A_831 = arith.addi %bitcast3A_828, %add3A_830 : vector<16xi32>
        %shift_right_arithmetic3A_832 = arith.constant 16 : i32
        %shift_right_arithmetic3A_833 = vector.broadcast %shift_right_arithmetic3A_832 : i32 to vector<16xi32>
        %shift_right_arithmetic3A_834 = arith.shrsi %bitcast3A_828, %shift_right_arithmetic3A_833 : vector<16xi32>
        %and3A_835 = arith.constant 1 : i32
        %and3A_836 = vector.broadcast %and3A_835 : i32 to vector<16xi32>
        %and3A_837 = arith.andi %shift_right_arithmetic3A_834, %and3A_836 : vector<16xi32>
        %add3A_838 = arith.addi %add3A_831, %and3A_837 : vector<16xi32>
        %and3A_839 = arith.constant -65536 : i32
        %and3A_840 = vector.broadcast %and3A_839 : i32 to vector<16xi32>
        %and3A_841 = arith.andi %add3A_838, %and3A_840 : vector<16xi32>
        %bitcast3A_842 = vector.bitcast %and3A_841 : vector<16xi32> to vector<16xf32>
        %mul3A_843 = arith.mulf %bitcast3A_842, %bitcast3A_135 : vector<16xf32>
        %add3A_844 = arith.addf %add3A_815, %mul3A_843 : vector<16xf32>
        %get3A_845 = arith.index_cast %scan3A_607 : i32 to index
        %get3A_846 = arith.constant 128 : index
        %get3A_847 = tpu.vector_load %arg10[%get3A_845, %get3A_846] {strides = array<i32>} : memref<40x256xf32, #tpu.memory_space<vmem>>, vector<16xf32>,
        %get3A_848 = arith.index_cast %scan3A_607 : i32 to index
        %get3A_849 = arith.constant 128 : index
        %get3A_850 = tpu.vector_load %arg11[%get3A_848, %get3A_849] {strides = array<i32>} : memref<40x256xf32, #tpu.memory_space<vmem>>, vector<16xf32>,
        %mul3A_851 = arith.mulf %get3A_847, %get3A_850 : vector<16xf32>
        %max3A_852 = arith.constant 0.000000e+00 : f32
        %max3A_853 = vector.broadcast %max3A_852 : f32 to vector<16xf32>
        %max3A_854 = arith.maximumf %mul3A_851, %max3A_853 : vector<16xf32>
        %mul3A_855 = vector.broadcast %squeeze3A : f32 to vector<16xf32>
        %mul3A_856 = arith.mulf %max3A_854, %mul3A_855 : vector<16xf32>
        %bitcast3A_857 = vector.bitcast %mul3A_856 : vector<16xf32> to vector<16xi32>
        %add3A_858 = arith.constant 32767 : i32
        %add3A_859 = vector.broadcast %add3A_858 : i32 to vector<16xi32>
        %add3A_860 = arith.addi %bitcast3A_857, %add3A_859 : vector<16xi32>
        %shift_right_arithmetic3A_861 = arith.constant 16 : i32
        %shift_right_arithmetic3A_862 = vector.broadcast %shift_right_arithmetic3A_861 : i32 to vector<16xi32>
        %shift_right_arithmetic3A_863 = arith.shrsi %bitcast3A_857, %shift_right_arithmetic3A_862 : vector<16xi32>
        %and3A_864 = arith.constant 1 : i32
        %and3A_865 = vector.broadcast %and3A_864 : i32 to vector<16xi32>
        %and3A_866 = arith.andi %shift_right_arithmetic3A_863, %and3A_865 : vector<16xi32>
        %add3A_867 = arith.addi %add3A_860, %and3A_866 : vector<16xi32>
        %and3A_868 = arith.constant -65536 : i32
        %and3A_869 = vector.broadcast %and3A_868 : i32 to vector<16xi32>
        %and3A_870 = arith.andi %add3A_867, %and3A_869 : vector<16xi32>
        %bitcast3A_871 = vector.bitcast %and3A_870 : vector<16xi32> to vector<16xf32>
        %mul3A_872 = arith.mulf %bitcast3A_871, %bitcast3A_152 : vector<16xf32>
        %add3A_873 = arith.addf %add3A_844, %mul3A_872 : vector<16xf32>
        %get3A_874 = arith.index_cast %scan3A_607 : i32 to index
        %get3A_875 = arith.constant 144 : index
        %get3A_876 = tpu.vector_load %arg10[%get3A_874, %get3A_875] {strides = array<i32>} : memref<40x256xf32, #tpu.memory_space<vmem>>, vector<16xf32>,
        %get3A_877 = arith.index_cast %scan3A_607 : i32 to index
        %get3A_878 = arith.constant 144 : index
        %get3A_879 = tpu.vector_load %arg11[%get3A_877, %get3A_878] {strides = array<i32>} : memref<40x256xf32, #tpu.memory_space<vmem>>, vector<16xf32>,
        %mul3A_880 = arith.mulf %get3A_876, %get3A_879 : vector<16xf32>
        %max3A_881 = arith.constant 0.000000e+00 : f32
        %max3A_882 = vector.broadcast %max3A_881 : f32 to vector<16xf32>
        %max3A_883 = arith.maximumf %mul3A_880, %max3A_882 : vector<16xf32>
        %mul3A_884 = vector.broadcast %squeeze3A : f32 to vector<16xf32>
        %mul3A_885 = arith.mulf %max3A_883, %mul3A_884 : vector<16xf32>
        %bitcast3A_886 = vector.bitcast %mul3A_885 : vector<16xf32> to vector<16xi32>
        %add3A_887 = arith.constant 32767 : i32
        %add3A_888 = vector.broadcast %add3A_887 : i32 to vector<16xi32>
        %add3A_889 = arith.addi %bitcast3A_886, %add3A_888 : vector<16xi32>
        %shift_right_arithmetic3A_890 = arith.constant 16 : i32
        %shift_right_arithmetic3A_891 = vector.broadcast %shift_right_arithmetic3A_890 : i32 to vector<16xi32>
        %shift_right_arithmetic3A_892 = arith.shrsi %bitcast3A_886, %shift_right_arithmetic3A_891 : vector<16xi32>
        %and3A_893 = arith.constant 1 : i32
        %and3A_894 = vector.broadcast %and3A_893 : i32 to vector<16xi32>
        %and3A_895 = arith.andi %shift_right_arithmetic3A_892, %and3A_894 : vector<16xi32>
        %add3A_896 = arith.addi %add3A_889, %and3A_895 : vector<16xi32>
        %and3A_897 = arith.constant -65536 : i32
        %and3A_898 = vector.broadcast %and3A_897 : i32 to vector<16xi32>
        %and3A_899 = arith.andi %add3A_896, %and3A_898 : vector<16xi32>
        %bitcast3A_900 = vector.bitcast %and3A_899 : vector<16xi32> to vector<16xf32>
        %mul3A_901 = arith.mulf %bitcast3A_900, %bitcast3A_169 : vector<16xf32>
        %add3A_902 = arith.addf %add3A_873, %mul3A_901 : vector<16xf32>
        %get3A_903 = arith.index_cast %scan3A_607 : i32 to index
        %get3A_904 = arith.constant 160 : index
        %get3A_905 = tpu.vector_load %arg10[%get3A_903, %get3A_904] {strides = array<i32>} : memref<40x256xf32, #tpu.memory_space<vmem>>, vector<16xf32>,
        %get3A_906 = arith.index_cast %scan3A_607 : i32 to index
        %get3A_907 = arith.constant 160 : index
        %get3A_908 = tpu.vector_load %arg11[%get3A_906, %get3A_907] {strides = array<i32>} : memref<40x256xf32, #tpu.memory_space<vmem>>, vector<16xf32>,
        %mul3A_909 = arith.mulf %get3A_905, %get3A_908 : vector<16xf32>
        %max3A_910 = arith.constant 0.000000e+00 : f32
        %max3A_911 = vector.broadcast %max3A_910 : f32 to vector<16xf32>
        %max3A_912 = arith.maximumf %mul3A_909, %max3A_911 : vector<16xf32>
        %mul3A_913 = vector.broadcast %squeeze3A : f32 to vector<16xf32>
        %mul3A_914 = arith.mulf %max3A_912, %mul3A_913 : vector<16xf32>
        %bitcast3A_915 = vector.bitcast %mul3A_914 : vector<16xf32> to vector<16xi32>
        %add3A_916 = arith.constant 32767 : i32
        %add3A_917 = vector.broadcast %add3A_916 : i32 to vector<16xi32>
        %add3A_918 = arith.addi %bitcast3A_915, %add3A_917 : vector<16xi32>
        %shift_right_arithmetic3A_919 = arith.constant 16 : i32
        %shift_right_arithmetic3A_920 = vector.broadcast %shift_right_arithmetic3A_919 : i32 to vector<16xi32>
        %shift_right_arithmetic3A_921 = arith.shrsi %bitcast3A_915, %shift_right_arithmetic3A_920 : vector<16xi32>
        %and3A_922 = arith.constant 1 : i32
        %and3A_923 = vector.broadcast %and3A_922 : i32 to vector<16xi32>
        %and3A_924 = arith.andi %shift_right_arithmetic3A_921, %and3A_923 : vector<16xi32>
        %add3A_925 = arith.addi %add3A_918, %and3A_924 : vector<16xi32>
        %and3A_926 = arith.constant -65536 : i32
        %and3A_927 = vector.broadcast %and3A_926 : i32 to vector<16xi32>
        %and3A_928 = arith.andi %add3A_925, %and3A_927 : vector<16xi32>
        %bitcast3A_929 = vector.bitcast %and3A_928 : vector<16xi32> to vector<16xf32>
        %mul3A_930 = arith.mulf %bitcast3A_929, %bitcast3A_186 : vector<16xf32>
        %add3A_931 = arith.addf %add3A_902, %mul3A_930 : vector<16xf32>
        %get3A_932 = arith.index_cast %scan3A_607 : i32 to index
        %get3A_933 = arith.constant 176 : index
        %get3A_934 = tpu.vector_load %arg10[%get3A_932, %get3A_933] {strides = array<i32>} : memref<40x256xf32, #tpu.memory_space<vmem>>, vector<16xf32>,
        %get3A_935 = arith.index_cast %scan3A_607 : i32 to index
        %get3A_936 = arith.constant 176 : index
        %get3A_937 = tpu.vector_load %arg11[%get3A_935, %get3A_936] {strides = array<i32>} : memref<40x256xf32, #tpu.memory_space<vmem>>, vector<16xf32>,
        %mul3A_938 = arith.mulf %get3A_934, %get3A_937 : vector<16xf32>
        %max3A_939 = arith.constant 0.000000e+00 : f32
        %max3A_940 = vector.broadcast %max3A_939 : f32 to vector<16xf32>
        %max3A_941 = arith.maximumf %mul3A_938, %max3A_940 : vector<16xf32>
        %mul3A_942 = vector.broadcast %squeeze3A : f32 to vector<16xf32>
        %mul3A_943 = arith.mulf %max3A_941, %mul3A_942 : vector<16xf32>
        %bitcast3A_944 = vector.bitcast %mul3A_943 : vector<16xf32> to vector<16xi32>
        %add3A_945 = arith.constant 32767 : i32
        %add3A_946 = vector.broadcast %add3A_945 : i32 to vector<16xi32>
        %add3A_947 = arith.addi %bitcast3A_944, %add3A_946 : vector<16xi32>
        %shift_right_arithmetic3A_948 = arith.constant 16 : i32
        %shift_right_arithmetic3A_949 = vector.broadcast %shift_right_arithmetic3A_948 : i32 to vector<16xi32>
        %shift_right_arithmetic3A_950 = arith.shrsi %bitcast3A_944, %shift_right_arithmetic3A_949 : vector<16xi32>
        %and3A_951 = arith.constant 1 : i32
        %and3A_952 = vector.broadcast %and3A_951 : i32 to vector<16xi32>
        %and3A_953 = arith.andi %shift_right_arithmetic3A_950, %and3A_952 : vector<16xi32>
        %add3A_954 = arith.addi %add3A_947, %and3A_953 : vector<16xi32>
        %and3A_955 = arith.constant -65536 : i32
        %and3A_956 = vector.broadcast %and3A_955 : i32 to vector<16xi32>
        %and3A_957 = arith.andi %add3A_954, %and3A_956 : vector<16xi32>
        %bitcast3A_958 = vector.bitcast %and3A_957 : vector<16xi32> to vector<16xf32>
        %mul3A_959 = arith.mulf %bitcast3A_958, %bitcast3A_203 : vector<16xf32>
        %add3A_960 = arith.addf %add3A_931, %mul3A_959 : vector<16xf32>
        %get3A_961 = arith.index_cast %scan3A_607 : i32 to index
        %get3A_962 = arith.constant 192 : index
        %get3A_963 = tpu.vector_load %arg10[%get3A_961, %get3A_962] {strides = array<i32>} : memref<40x256xf32, #tpu.memory_space<vmem>>, vector<16xf32>,
        %get3A_964 = arith.index_cast %scan3A_607 : i32 to index
        %get3A_965 = arith.constant 192 : index
        %get3A_966 = tpu.vector_load %arg11[%get3A_964, %get3A_965] {strides = array<i32>} : memref<40x256xf32, #tpu.memory_space<vmem>>, vector<16xf32>,
        %mul3A_967 = arith.mulf %get3A_963, %get3A_966 : vector<16xf32>
        %max3A_968 = arith.constant 0.000000e+00 : f32
        %max3A_969 = vector.broadcast %max3A_968 : f32 to vector<16xf32>
        %max3A_970 = arith.maximumf %mul3A_967, %max3A_969 : vector<16xf32>
        %mul3A_971 = vector.broadcast %squeeze3A : f32 to vector<16xf32>
        %mul3A_972 = arith.mulf %max3A_970, %mul3A_971 : vector<16xf32>
        %bitcast3A_973 = vector.bitcast %mul3A_972 : vector<16xf32> to vector<16xi32>
        %add3A_974 = arith.constant 32767 : i32
        %add3A_975 = vector.broadcast %add3A_974 : i32 to vector<16xi32>
        %add3A_976 = arith.addi %bitcast3A_973, %add3A_975 : vector<16xi32>
        %shift_right_arithmetic3A_977 = arith.constant 16 : i32
        %shift_right_arithmetic3A_978 = vector.broadcast %shift_right_arithmetic3A_977 : i32 to vector<16xi32>
        %shift_right_arithmetic3A_979 = arith.shrsi %bitcast3A_973, %shift_right_arithmetic3A_978 : vector<16xi32>
        %and3A_980 = arith.constant 1 : i32
        %and3A_981 = vector.broadcast %and3A_980 : i32 to vector<16xi32>
        %and3A_982 = arith.andi %shift_right_arithmetic3A_979, %and3A_981 : vector<16xi32>
        %add3A_983 = arith.addi %add3A_976, %and3A_982 : vector<16xi32>
        %and3A_984 = arith.constant -65536 : i32
        %and3A_985 = vector.broadcast %and3A_984 : i32 to vector<16xi32>
        %and3A_986 = arith.andi %add3A_983, %and3A_985 : vector<16xi32>
        %bitcast3A_987 = vector.bitcast %and3A_986 : vector<16xi32> to vector<16xf32>
        %mul3A_988 = arith.mulf %bitcast3A_987, %bitcast3A_220 : vector<16xf32>
        %add3A_989 = arith.addf %add3A_960, %mul3A_988 : vector<16xf32>
        %get3A_990 = arith.index_cast %scan3A_607 : i32 to index
        %get3A_991 = arith.constant 208 : index
        %get3A_992 = tpu.vector_load %arg10[%get3A_990, %get3A_991] {strides = array<i32>} : memref<40x256xf32, #tpu.memory_space<vmem>>, vector<16xf32>,
        %get3A_993 = arith.index_cast %scan3A_607 : i32 to index
        %get3A_994 = arith.constant 208 : index
        %get3A_995 = tpu.vector_load %arg11[%get3A_993, %get3A_994] {strides = array<i32>} : memref<40x256xf32, #tpu.memory_space<vmem>>, vector<16xf32>,
        %mul3A_996 = arith.mulf %get3A_992, %get3A_995 : vector<16xf32>
        %max3A_997 = arith.constant 0.000000e+00 : f32
        %max3A_998 = vector.broadcast %max3A_997 : f32 to vector<16xf32>
        %max3A_999 = arith.maximumf %mul3A_996, %max3A_998 : vector<16xf32>
        %mul3A_1000 = vector.broadcast %squeeze3A : f32 to vector<16xf32>
        %mul3A_1001 = arith.mulf %max3A_999, %mul3A_1000 : vector<16xf32>
        %bitcast3A_1002 = vector.bitcast %mul3A_1001 : vector<16xf32> to vector<16xi32>
        %add3A_1003 = arith.constant 32767 : i32
        %add3A_1004 = vector.broadcast %add3A_1003 : i32 to vector<16xi32>
        %add3A_1005 = arith.addi %bitcast3A_1002, %add3A_1004 : vector<16xi32>
        %shift_right_arithmetic3A_1006 = arith.constant 16 : i32
        %shift_right_arithmetic3A_1007 = vector.broadcast %shift_right_arithmetic3A_1006 : i32 to vector<16xi32>
        %shift_right_arithmetic3A_1008 = arith.shrsi %bitcast3A_1002, %shift_right_arithmetic3A_1007 : vector<16xi32>
        %and3A_1009 = arith.constant 1 : i32
        %and3A_1010 = vector.broadcast %and3A_1009 : i32 to vector<16xi32>
        %and3A_1011 = arith.andi %shift_right_arithmetic3A_1008, %and3A_1010 : vector<16xi32>
        %add3A_1012 = arith.addi %add3A_1005, %and3A_1011 : vector<16xi32>
        %and3A_1013 = arith.constant -65536 : i32
        %and3A_1014 = vector.broadcast %and3A_1013 : i32 to vector<16xi32>
        %and3A_1015 = arith.andi %add3A_1012, %and3A_1014 : vector<16xi32>
        %bitcast3A_1016 = vector.bitcast %and3A_1015 : vector<16xi32> to vector<16xf32>
        %mul3A_1017 = arith.mulf %bitcast3A_1016, %bitcast3A_237 : vector<16xf32>
        %add3A_1018 = arith.addf %add3A_989, %mul3A_1017 : vector<16xf32>
        %get3A_1019 = arith.index_cast %scan3A_607 : i32 to index
        %get3A_1020 = arith.constant 224 : index
        %get3A_1021 = tpu.vector_load %arg10[%get3A_1019, %get3A_1020] {strides = array<i32>} : memref<40x256xf32, #tpu.memory_space<vmem>>, vector<16xf32>,
        %get3A_1022 = arith.index_cast %scan3A_607 : i32 to index
        %get3A_1023 = arith.constant 224 : index
        %get3A_1024 = tpu.vector_load %arg11[%get3A_1022, %get3A_1023] {strides = array<i32>} : memref<40x256xf32, #tpu.memory_space<vmem>>, vector<16xf32>,
        %mul3A_1025 = arith.mulf %get3A_1021, %get3A_1024 : vector<16xf32>
        %max3A_1026 = arith.constant 0.000000e+00 : f32
        %max3A_1027 = vector.broadcast %max3A_1026 : f32 to vector<16xf32>
        %max3A_1028 = arith.maximumf %mul3A_1025, %max3A_1027 : vector<16xf32>
        %mul3A_1029 = vector.broadcast %squeeze3A : f32 to vector<16xf32>
        %mul3A_1030 = arith.mulf %max3A_1028, %mul3A_1029 : vector<16xf32>
        %bitcast3A_1031 = vector.bitcast %mul3A_1030 : vector<16xf32> to vector<16xi32>
        %add3A_1032 = arith.constant 32767 : i32
        %add3A_1033 = vector.broadcast %add3A_1032 : i32 to vector<16xi32>
        %add3A_1034 = arith.addi %bitcast3A_1031, %add3A_1033 : vector<16xi32>
        %shift_right_arithmetic3A_1035 = arith.constant 16 : i32
        %shift_right_arithmetic3A_1036 = vector.broadcast %shift_right_arithmetic3A_1035 : i32 to vector<16xi32>
        %shift_right_arithmetic3A_1037 = arith.shrsi %bitcast3A_1031, %shift_right_arithmetic3A_1036 : vector<16xi32>
        %and3A_1038 = arith.constant 1 : i32
        %and3A_1039 = vector.broadcast %and3A_1038 : i32 to vector<16xi32>
        %and3A_1040 = arith.andi %shift_right_arithmetic3A_1037, %and3A_1039 : vector<16xi32>
        %add3A_1041 = arith.addi %add3A_1034, %and3A_1040 : vector<16xi32>
        %and3A_1042 = arith.constant -65536 : i32
        %and3A_1043 = vector.broadcast %and3A_1042 : i32 to vector<16xi32>
        %and3A_1044 = arith.andi %add3A_1041, %and3A_1043 : vector<16xi32>
        %bitcast3A_1045 = vector.bitcast %and3A_1044 : vector<16xi32> to vector<16xf32>
        %mul3A_1046 = arith.mulf %bitcast3A_1045, %bitcast3A_254 : vector<16xf32>
        %add3A_1047 = arith.addf %add3A_1018, %mul3A_1046 : vector<16xf32>
        %get3A_1048 = arith.index_cast %scan3A_607 : i32 to index
        %get3A_1049 = arith.constant 240 : index
        %get3A_1050 = tpu.vector_load %arg10[%get3A_1048, %get3A_1049] {strides = array<i32>} : memref<40x256xf32, #tpu.memory_space<vmem>>, vector<16xf32>,
        %get3A_1051 = arith.index_cast %scan3A_607 : i32 to index
        %get3A_1052 = arith.constant 240 : index
        %get3A_1053 = tpu.vector_load %arg11[%get3A_1051, %get3A_1052] {strides = array<i32>} : memref<40x256xf32, #tpu.memory_space<vmem>>, vector<16xf32>,
        %mul3A_1054 = arith.mulf %get3A_1050, %get3A_1053 : vector<16xf32>
        %max3A_1055 = arith.constant 0.000000e+00 : f32
        %max3A_1056 = vector.broadcast %max3A_1055 : f32 to vector<16xf32>
        %max3A_1057 = arith.maximumf %mul3A_1054, %max3A_1056 : vector<16xf32>
        %mul3A_1058 = vector.broadcast %squeeze3A : f32 to vector<16xf32>
        %mul3A_1059 = arith.mulf %max3A_1057, %mul3A_1058 : vector<16xf32>
        %bitcast3A_1060 = vector.bitcast %mul3A_1059 : vector<16xf32> to vector<16xi32>
        %add3A_1061 = arith.constant 32767 : i32
        %add3A_1062 = vector.broadcast %add3A_1061 : i32 to vector<16xi32>
        %add3A_1063 = arith.addi %bitcast3A_1060, %add3A_1062 : vector<16xi32>
        %shift_right_arithmetic3A_1064 = arith.constant 16 : i32
        %shift_right_arithmetic3A_1065 = vector.broadcast %shift_right_arithmetic3A_1064 : i32 to vector<16xi32>
        %shift_right_arithmetic3A_1066 = arith.shrsi %bitcast3A_1060, %shift_right_arithmetic3A_1065 : vector<16xi32>
        %and3A_1067 = arith.constant 1 : i32
        %and3A_1068 = vector.broadcast %and3A_1067 : i32 to vector<16xi32>
        %and3A_1069 = arith.andi %shift_right_arithmetic3A_1066, %and3A_1068 : vector<16xi32>
        %add3A_1070 = arith.addi %add3A_1063, %and3A_1069 : vector<16xi32>
        %and3A_1071 = arith.constant -65536 : i32
        %and3A_1072 = vector.broadcast %and3A_1071 : i32 to vector<16xi32>
        %and3A_1073 = arith.andi %add3A_1070, %and3A_1072 : vector<16xi32>
        %bitcast3A_1074 = vector.bitcast %and3A_1073 : vector<16xi32> to vector<16xf32>
        %mul3A_1075 = arith.mulf %bitcast3A_1074, %bitcast3A_271 : vector<16xf32>
        %add3A_1076 = arith.addf %add3A_1047, %mul3A_1075 : vector<16xf32>
        %mul3A_1077 = arith.constant 16 : i32
        %mul3A_1078 = arith.muli %scan3A_607, %mul3A_1077 : i32
        %swap3A_1079 = arith.index_cast %mul3A_1078 : i32 to index
        %swap3A_1080 = tpu.vector_load %arg15[%swap3A_1079] {strides = array<i32>} : memref<896xf32, #tpu.memory_space<vmem>>, vector<16xf32>,
        tpu.vector_store %arg15[%swap3A_1079], %add3A_1076 {strides = array<i32>} : memref<896xf32, #tpu.memory_space<vmem>>, vector<16xf32>,
        %scan3A_1081 = arith.constant 0 : i32
        scf.yield %scan3A_1081 : i32
      }
      %scan3A_322 = arith.constant 40 : i32
      %add3A_323 = arith.constant 0 : i32
      %add3A_324 = vector.broadcast %add3A_323 : i32 to vector<16xi32>
      %add3A_325 = arith.addi %add3A_324, %iota3A : vector<16xi32>
      %mul3A_326 = arith.constant 16 : i32
      %mul3A_327 = vector.broadcast %mul3A_326 : i32 to vector<16xi32>
      %mul3A_328 = arith.muli %add3A_325, %mul3A_327 : vector<16xi32>
      %add3A_329 = arith.constant 0 : i32
      %add3A_330 = vector.broadcast %add3A_329 : i32 to vector<16xi32>
      %add3A_331 = arith.addi %mul3A_328, %add3A_330 : vector<16xi32>
      %gather3A = tpu.vector_load_idx %arg15[%add3A_331] : memref<896xf32, #tpu.memory_space<vmem>>[vector<16xi32>], vector<16xf32>,
      %add3A_332 = arith.addf %broadcast_in_dim3A_3, %gather3A : vector<16xf32>
      %add3A_333 = arith.constant 1 : i32
      %add3A_334 = vector.broadcast %add3A_333 : i32 to vector<16xi32>
      %add3A_335 = arith.addi %mul3A_328, %add3A_334 : vector<16xi32>
      %gather3A_336 = tpu.vector_load_idx %arg15[%add3A_335] : memref<896xf32, #tpu.memory_space<vmem>>[vector<16xi32>], vector<16xf32>,
      %add3A_337 = arith.addf %add3A_332, %gather3A_336 : vector<16xf32>
      %add3A_338 = arith.constant 2 : i32
      %add3A_339 = vector.broadcast %add3A_338 : i32 to vector<16xi32>
      %add3A_340 = arith.addi %mul3A_328, %add3A_339 : vector<16xi32>
      %gather3A_341 = tpu.vector_load_idx %arg15[%add3A_340] : memref<896xf32, #tpu.memory_space<vmem>>[vector<16xi32>], vector<16xf32>,
      %add3A_342 = arith.addf %add3A_337, %gather3A_341 : vector<16xf32>
      %add3A_343 = arith.constant 3 : i32
      %add3A_344 = vector.broadcast %add3A_343 : i32 to vector<16xi32>
      %add3A_345 = arith.addi %mul3A_328, %add3A_344 : vector<16xi32>
      %gather3A_346 = tpu.vector_load_idx %arg15[%add3A_345] : memref<896xf32, #tpu.memory_space<vmem>>[vector<16xi32>], vector<16xf32>,
      %add3A_347 = arith.addf %add3A_342, %gather3A_346 : vector<16xf32>
      %add3A_348 = arith.constant 4 : i32
      %add3A_349 = vector.broadcast %add3A_348 : i32 to vector<16xi32>
      %add3A_350 = arith.addi %mul3A_328, %add3A_349 : vector<16xi32>
      %gather3A_351 = tpu.vector_load_idx %arg15[%add3A_350] : memref<896xf32, #tpu.memory_space<vmem>>[vector<16xi32>], vector<16xf32>,
      %add3A_352 = arith.addf %add3A_347, %gather3A_351 : vector<16xf32>
      %add3A_353 = arith.constant 5 : i32
      %add3A_354 = vector.broadcast %add3A_353 : i32 to vector<16xi32>
      %add3A_355 = arith.addi %mul3A_328, %add3A_354 : vector<16xi32>
      %gather3A_356 = tpu.vector_load_idx %arg15[%add3A_355] : memref<896xf32, #tpu.memory_space<vmem>>[vector<16xi32>], vector<16xf32>,
      %add3A_357 = arith.addf %add3A_352, %gather3A_356 : vector<16xf32>
      %add3A_358 = arith.constant 6 : i32
      %add3A_359 = vector.broadcast %add3A_358 : i32 to vector<16xi32>
      %add3A_360 = arith.addi %mul3A_328, %add3A_359 : vector<16xi32>
      %gather3A_361 = tpu.vector_load_idx %arg15[%add3A_360] : memref<896xf32, #tpu.memory_space<vmem>>[vector<16xi32>], vector<16xf32>,
      %add3A_362 = arith.addf %add3A_357, %gather3A_361 : vector<16xf32>
      %add3A_363 = arith.constant 7 : i32
      %add3A_364 = vector.broadcast %add3A_363 : i32 to vector<16xi32>
      %add3A_365 = arith.addi %mul3A_328, %add3A_364 : vector<16xi32>
      %gather3A_366 = tpu.vector_load_idx %arg15[%add3A_365] : memref<896xf32, #tpu.memory_space<vmem>>[vector<16xi32>], vector<16xf32>,
      %add3A_367 = arith.addf %add3A_362, %gather3A_366 : vector<16xf32>
      %add3A_368 = arith.constant 8 : i32
      %add3A_369 = vector.broadcast %add3A_368 : i32 to vector<16xi32>
      %add3A_370 = arith.addi %mul3A_328, %add3A_369 : vector<16xi32>
      %gather3A_371 = tpu.vector_load_idx %arg15[%add3A_370] : memref<896xf32, #tpu.memory_space<vmem>>[vector<16xi32>], vector<16xf32>,
      %add3A_372 = arith.addf %add3A_367, %gather3A_371 : vector<16xf32>
      %add3A_373 = arith.constant 9 : i32
      %add3A_374 = vector.broadcast %add3A_373 : i32 to vector<16xi32>
      %add3A_375 = arith.addi %mul3A_328, %add3A_374 : vector<16xi32>
      %gather3A_376 = tpu.vector_load_idx %arg15[%add3A_375] : memref<896xf32, #tpu.memory_space<vmem>>[vector<16xi32>], vector<16xf32>,
      %add3A_377 = arith.addf %add3A_372, %gather3A_376 : vector<16xf32>
      %add3A_378 = arith.constant 10 : i32
      %add3A_379 = vector.broadcast %add3A_378 : i32 to vector<16xi32>
      %add3A_380 = arith.addi %mul3A_328, %add3A_379 : vector<16xi32>
      %gather3A_381 = tpu.vector_load_idx %arg15[%add3A_380] : memref<896xf32, #tpu.memory_space<vmem>>[vector<16xi32>], vector<16xf32>,
      %add3A_382 = arith.addf %add3A_377, %gather3A_381 : vector<16xf32>
      %add3A_383 = arith.constant 11 : i32
      %add3A_384 = vector.broadcast %add3A_383 : i32 to vector<16xi32>
      %add3A_385 = arith.addi %mul3A_328, %add3A_384 : vector<16xi32>
      %gather3A_386 = tpu.vector_load_idx %arg15[%add3A_385] : memref<896xf32, #tpu.memory_space<vmem>>[vector<16xi32>], vector<16xf32>,
      %add3A_387 = arith.addf %add3A_382, %gather3A_386 : vector<16xf32>
      %add3A_388 = arith.constant 12 : i32
      %add3A_389 = vector.broadcast %add3A_388 : i32 to vector<16xi32>
      %add3A_390 = arith.addi %mul3A_328, %add3A_389 : vector<16xi32>
      %gather3A_391 = tpu.vector_load_idx %arg15[%add3A_390] : memref<896xf32, #tpu.memory_space<vmem>>[vector<16xi32>], vector<16xf32>,
      %add3A_392 = arith.addf %add3A_387, %gather3A_391 : vector<16xf32>
      %add3A_393 = arith.constant 13 : i32
      %add3A_394 = vector.broadcast %add3A_393 : i32 to vector<16xi32>
      %add3A_395 = arith.addi %mul3A_328, %add3A_394 : vector<16xi32>
      %gather3A_396 = tpu.vector_load_idx %arg15[%add3A_395] : memref<896xf32, #tpu.memory_space<vmem>>[vector<16xi32>], vector<16xf32>,
      %add3A_397 = arith.addf %add3A_392, %gather3A_396 : vector<16xf32>
      %add3A_398 = arith.constant 14 : i32
      %add3A_399 = vector.broadcast %add3A_398 : i32 to vector<16xi32>
      %add3A_400 = arith.addi %mul3A_328, %add3A_399 : vector<16xi32>
      %gather3A_401 = tpu.vector_load_idx %arg15[%add3A_400] : memref<896xf32, #tpu.memory_space<vmem>>[vector<16xi32>], vector<16xf32>,
      %add3A_402 = arith.addf %add3A_397, %gather3A_401 : vector<16xf32>
      %add3A_403 = arith.constant 15 : i32
      %add3A_404 = vector.broadcast %add3A_403 : i32 to vector<16xi32>
      %add3A_405 = arith.addi %mul3A_328, %add3A_404 : vector<16xi32>
      %gather3A_406 = tpu.vector_load_idx %arg15[%add3A_405] : memref<896xf32, #tpu.memory_space<vmem>>[vector<16xi32>], vector<16xf32>,
      %add3A_407 = arith.addf %add3A_402, %gather3A_406 : vector<16xf32>
      %gt3A = arith.constant 0.000000e+00 : f32
      %gt3A_408 = vector.broadcast %gt3A : f32 to vector<16xf32>
      %gt3A_409 = arith.cmpf ogt, %add3A_407, %gt3A_408 : vector<16xf32>
      %jit3A = arith.constant -9.000000e+15 : f32
      %broadcast_in_dim3A_410 = vector.broadcast %jit3A : f32 to vector<16xf32>
      %select_n3A = arith.select %gt3A_409, %add3A_407, %broadcast_in_dim3A_410 : vector<16xi1>, vector<16xf32>
      %add3A_411 = arith.constant 0 : i32
      %add3A_412 = arith.addi %mul3A_281, %add3A_411 : i32
      %swap3A = arith.index_cast %add3A_412 : i32 to index
      %swap3A_413 = tpu.vector_load %arg14[%swap3A] {strides = array<i32>} : memref<5016xf32, #tpu.memory_space<vmem>>, vector<16xf32>,
      tpu.vector_store %arg14[%swap3A], %select_n3A {strides = array<i32>} : memref<5016xf32, #tpu.memory_space<vmem>>, vector<16xf32>,
      %add3A_414 = arith.constant 16 : i32
      %add3A_415 = vector.broadcast %add3A_414 : i32 to vector<16xi32>
      %add3A_416 = arith.addi %add3A_415, %iota3A : vector<16xi32>
      %mul3A_417 = arith.constant 16 : i32
      %mul3A_418 = vector.broadcast %mul3A_417 : i32 to vector<16xi32>
      %mul3A_419 = arith.muli %add3A_416, %mul3A_418 : vector<16xi32>
      %add3A_420 = arith.constant 0 : i32
      %add3A_421 = vector.broadcast %add3A_420 : i32 to vector<16xi32>
      %add3A_422 = arith.addi %mul3A_419, %add3A_421 : vector<16xi32>
      %gather3A_423 = tpu.vector_load_idx %arg15[%add3A_422] : memref<896xf32, #tpu.memory_space<vmem>>[vector<16xi32>], vector<16xf32>,
      %add3A_424 = arith.addf %broadcast_in_dim3A_3, %gather3A_423 : vector<16xf32>
      %add3A_425 = arith.constant 1 : i32
      %add3A_426 = vector.broadcast %add3A_425 : i32 to vector<16xi32>
      %add3A_427 = arith.addi %mul3A_419, %add3A_426 : vector<16xi32>
      %gather3A_428 = tpu.vector_load_idx %arg15[%add3A_427] : memref<896xf32, #tpu.memory_space<vmem>>[vector<16xi32>], vector<16xf32>,
      %add3A_429 = arith.addf %add3A_424, %gather3A_428 : vector<16xf32>
      %add3A_430 = arith.constant 2 : i32
      %add3A_431 = vector.broadcast %add3A_430 : i32 to vector<16xi32>
      %add3A_432 = arith.addi %mul3A_419, %add3A_431 : vector<16xi32>
      %gather3A_433 = tpu.vector_load_idx %arg15[%add3A_432] : memref<896xf32, #tpu.memory_space<vmem>>[vector<16xi32>], vector<16xf32>,
      %add3A_434 = arith.addf %add3A_429, %gather3A_433 : vector<16xf32>
      %add3A_435 = arith.constant 3 : i32
      %add3A_436 = vector.broadcast %add3A_435 : i32 to vector<16xi32>
      %add3A_437 = arith.addi %mul3A_419, %add3A_436 : vector<16xi32>
      %gather3A_438 = tpu.vector_load_idx %arg15[%add3A_437] : memref<896xf32, #tpu.memory_space<vmem>>[vector<16xi32>], vector<16xf32>,
      %add3A_439 = arith.addf %add3A_434, %gather3A_438 : vector<16xf32>
      %add3A_440 = arith.constant 4 : i32
      %add3A_441 = vector.broadcast %add3A_440 : i32 to vector<16xi32>
      %add3A_442 = arith.addi %mul3A_419, %add3A_441 : vector<16xi32>
      %gather3A_443 = tpu.vector_load_idx %arg15[%add3A_442] : memref<896xf32, #tpu.memory_space<vmem>>[vector<16xi32>], vector<16xf32>,
      %add3A_444 = arith.addf %add3A_439, %gather3A_443 : vector<16xf32>
      %add3A_445 = arith.constant 5 : i32
      %add3A_446 = vector.broadcast %add3A_445 : i32 to vector<16xi32>
      %add3A_447 = arith.addi %mul3A_419, %add3A_446 : vector<16xi32>
      %gather3A_448 = tpu.vector_load_idx %arg15[%add3A_447] : memref<896xf32, #tpu.memory_space<vmem>>[vector<16xi32>], vector<16xf32>,
      %add3A_449 = arith.addf %add3A_444, %gather3A_448 : vector<16xf32>
      %add3A_450 = arith.constant 6 : i32
      %add3A_451 = vector.broadcast %add3A_450 : i32 to vector<16xi32>
      %add3A_452 = arith.addi %mul3A_419, %add3A_451 : vector<16xi32>
      %gather3A_453 = tpu.vector_load_idx %arg15[%add3A_452] : memref<896xf32, #tpu.memory_space<vmem>>[vector<16xi32>], vector<16xf32>,
      %add3A_454 = arith.addf %add3A_449, %gather3A_453 : vector<16xf32>
      %add3A_455 = arith.constant 7 : i32
      %add3A_456 = vector.broadcast %add3A_455 : i32 to vector<16xi32>
      %add3A_457 = arith.addi %mul3A_419, %add3A_456 : vector<16xi32>
      %gather3A_458 = tpu.vector_load_idx %arg15[%add3A_457] : memref<896xf32, #tpu.memory_space<vmem>>[vector<16xi32>], vector<16xf32>,
      %add3A_459 = arith.addf %add3A_454, %gather3A_458 : vector<16xf32>
      %add3A_460 = arith.constant 8 : i32
      %add3A_461 = vector.broadcast %add3A_460 : i32 to vector<16xi32>
      %add3A_462 = arith.addi %mul3A_419, %add3A_461 : vector<16xi32>
      %gather3A_463 = tpu.vector_load_idx %arg15[%add3A_462] : memref<896xf32, #tpu.memory_space<vmem>>[vector<16xi32>], vector<16xf32>,
      %add3A_464 = arith.addf %add3A_459, %gather3A_463 : vector<16xf32>
      %add3A_465 = arith.constant 9 : i32
      %add3A_466 = vector.broadcast %add3A_465 : i32 to vector<16xi32>
      %add3A_467 = arith.addi %mul3A_419, %add3A_466 : vector<16xi32>
      %gather3A_468 = tpu.vector_load_idx %arg15[%add3A_467] : memref<896xf32, #tpu.memory_space<vmem>>[vector<16xi32>], vector<16xf32>,
      %add3A_469 = arith.addf %add3A_464, %gather3A_468 : vector<16xf32>
      %add3A_470 = arith.constant 10 : i32
      %add3A_471 = vector.broadcast %add3A_470 : i32 to vector<16xi32>
      %add3A_472 = arith.addi %mul3A_419, %add3A_471 : vector<16xi32>
      %gather3A_473 = tpu.vector_load_idx %arg15[%add3A_472] : memref<896xf32, #tpu.memory_space<vmem>>[vector<16xi32>], vector<16xf32>,
      %add3A_474 = arith.addf %add3A_469, %gather3A_473 : vector<16xf32>
      %add3A_475 = arith.constant 11 : i32
      %add3A_476 = vector.broadcast %add3A_475 : i32 to vector<16xi32>
      %add3A_477 = arith.addi %mul3A_419, %add3A_476 : vector<16xi32>
      %gather3A_478 = tpu.vector_load_idx %arg15[%add3A_477] : memref<896xf32, #tpu.memory_space<vmem>>[vector<16xi32>], vector<16xf32>,
      %add3A_479 = arith.addf %add3A_474, %gather3A_478 : vector<16xf32>
      %add3A_480 = arith.constant 12 : i32
      %add3A_481 = vector.broadcast %add3A_480 : i32 to vector<16xi32>
      %add3A_482 = arith.addi %mul3A_419, %add3A_481 : vector<16xi32>
      %gather3A_483 = tpu.vector_load_idx %arg15[%add3A_482] : memref<896xf32, #tpu.memory_space<vmem>>[vector<16xi32>], vector<16xf32>,
      %add3A_484 = arith.addf %add3A_479, %gather3A_483 : vector<16xf32>
      %add3A_485 = arith.constant 13 : i32
      %add3A_486 = vector.broadcast %add3A_485 : i32 to vector<16xi32>
      %add3A_487 = arith.addi %mul3A_419, %add3A_486 : vector<16xi32>
      %gather3A_488 = tpu.vector_load_idx %arg15[%add3A_487] : memref<896xf32, #tpu.memory_space<vmem>>[vector<16xi32>], vector<16xf32>,
      %add3A_489 = arith.addf %add3A_484, %gather3A_488 : vector<16xf32>
      %add3A_490 = arith.constant 14 : i32
      %add3A_491 = vector.broadcast %add3A_490 : i32 to vector<16xi32>
      %add3A_492 = arith.addi %mul3A_419, %add3A_491 : vector<16xi32>
      %gather3A_493 = tpu.vector_load_idx %arg15[%add3A_492] : memref<896xf32, #tpu.memory_space<vmem>>[vector<16xi32>], vector<16xf32>,
      %add3A_494 = arith.addf %add3A_489, %gather3A_493 : vector<16xf32>
      %add3A_495 = arith.constant 15 : i32
      %add3A_496 = vector.broadcast %add3A_495 : i32 to vector<16xi32>
      %add3A_497 = arith.addi %mul3A_419, %add3A_496 : vector<16xi32>
      %gather3A_498 = tpu.vector_load_idx %arg15[%add3A_497] : memref<896xf32, #tpu.memory_space<vmem>>[vector<16xi32>], vector<16xf32>,
      %add3A_499 = arith.addf %add3A_494, %gather3A_498 : vector<16xf32>
      %gt3A_500 = arith.constant 0.000000e+00 : f32
      %gt3A_501 = vector.broadcast %gt3A_500 : f32 to vector<16xf32>
      %gt3A_502 = arith.cmpf ogt, %add3A_499, %gt3A_501 : vector<16xf32>
      %jit3A_503 = arith.constant -9.000000e+15 : f32
      %broadcast_in_dim3A_504 = vector.broadcast %jit3A_503 : f32 to vector<16xf32>
      %select_n3A_505 = arith.select %gt3A_502, %add3A_499, %broadcast_in_dim3A_504 : vector<16xi1>, vector<16xf32>
      %add3A_506 = arith.constant 16 : i32
      %add3A_507 = arith.addi %mul3A_281, %add3A_506 : i32
      %swap3A_508 = arith.index_cast %add3A_507 : i32 to index
      %swap3A_509 = tpu.vector_load %arg14[%swap3A_508] {strides = array<i32>} : memref<5016xf32, #tpu.memory_space<vmem>>, vector<16xf32>,
      tpu.vector_store %arg14[%swap3A_508], %select_n3A_505 {strides = array<i32>} : memref<5016xf32, #tpu.memory_space<vmem>>, vector<16xf32>,
      %add3A_510 = arith.constant 32 : i32
      %add3A_511 = vector.broadcast %add3A_510 : i32 to vector<16xi32>
      %add3A_512 = arith.addi %add3A_511, %iota3A : vector<16xi32>
      %mul3A_513 = arith.constant 16 : i32
      %mul3A_514 = vector.broadcast %mul3A_513 : i32 to vector<16xi32>
      %mul3A_515 = arith.muli %add3A_512, %mul3A_514 : vector<16xi32>
      %add3A_516 = arith.constant 0 : i32
      %add3A_517 = vector.broadcast %add3A_516 : i32 to vector<16xi32>
      %add3A_518 = arith.addi %mul3A_515, %add3A_517 : vector<16xi32>
      %gather3A_519 = tpu.vector_load_idx %arg15[%add3A_518] : memref<896xf32, #tpu.memory_space<vmem>>[vector<16xi32>], vector<16xf32>,
      %add3A_520 = arith.addf %broadcast_in_dim3A_3, %gather3A_519 : vector<16xf32>
      %add3A_521 = arith.constant 1 : i32
      %add3A_522 = vector.broadcast %add3A_521 : i32 to vector<16xi32>
      %add3A_523 = arith.addi %mul3A_515, %add3A_522 : vector<16xi32>
      %gather3A_524 = tpu.vector_load_idx %arg15[%add3A_523] : memref<896xf32, #tpu.memory_space<vmem>>[vector<16xi32>], vector<16xf32>,
      %add3A_525 = arith.addf %add3A_520, %gather3A_524 : vector<16xf32>
      %add3A_526 = arith.constant 2 : i32
      %add3A_527 = vector.broadcast %add3A_526 : i32 to vector<16xi32>
      %add3A_528 = arith.addi %mul3A_515, %add3A_527 : vector<16xi32>
      %gather3A_529 = tpu.vector_load_idx %arg15[%add3A_528] : memref<896xf32, #tpu.memory_space<vmem>>[vector<16xi32>], vector<16xf32>,
      %add3A_530 = arith.addf %add3A_525, %gather3A_529 : vector<16xf32>
      %add3A_531 = arith.constant 3 : i32
      %add3A_532 = vector.broadcast %add3A_531 : i32 to vector<16xi32>
      %add3A_533 = arith.addi %mul3A_515, %add3A_532 : vector<16xi32>
      %gather3A_534 = tpu.vector_load_idx %arg15[%add3A_533] : memref<896xf32, #tpu.memory_space<vmem>>[vector<16xi32>], vector<16xf32>,
      %add3A_535 = arith.addf %add3A_530, %gather3A_534 : vector<16xf32>
      %add3A_536 = arith.constant 4 : i32
      %add3A_537 = vector.broadcast %add3A_536 : i32 to vector<16xi32>
      %add3A_538 = arith.addi %mul3A_515, %add3A_537 : vector<16xi32>
      %gather3A_539 = tpu.vector_load_idx %arg15[%add3A_538] : memref<896xf32, #tpu.memory_space<vmem>>[vector<16xi32>], vector<16xf32>,
      %add3A_540 = arith.addf %add3A_535, %gather3A_539 : vector<16xf32>
      %add3A_541 = arith.constant 5 : i32
      %add3A_542 = vector.broadcast %add3A_541 : i32 to vector<16xi32>
      %add3A_543 = arith.addi %mul3A_515, %add3A_542 : vector<16xi32>
      %gather3A_544 = tpu.vector_load_idx %arg15[%add3A_543] : memref<896xf32, #tpu.memory_space<vmem>>[vector<16xi32>], vector<16xf32>,
      %add3A_545 = arith.addf %add3A_540, %gather3A_544 : vector<16xf32>
      %add3A_546 = arith.constant 6 : i32
      %add3A_547 = vector.broadcast %add3A_546 : i32 to vector<16xi32>
      %add3A_548 = arith.addi %mul3A_515, %add3A_547 : vector<16xi32>
      %gather3A_549 = tpu.vector_load_idx %arg15[%add3A_548] : memref<896xf32, #tpu.memory_space<vmem>>[vector<16xi32>], vector<16xf32>,
      %add3A_550 = arith.addf %add3A_545, %gather3A_549 : vector<16xf32>
      %add3A_551 = arith.constant 7 : i32
      %add3A_552 = vector.broadcast %add3A_551 : i32 to vector<16xi32>
      %add3A_553 = arith.addi %mul3A_515, %add3A_552 : vector<16xi32>
      %gather3A_554 = tpu.vector_load_idx %arg15[%add3A_553] : memref<896xf32, #tpu.memory_space<vmem>>[vector<16xi32>], vector<16xf32>,
      %add3A_555 = arith.addf %add3A_550, %gather3A_554 : vector<16xf32>
      %add3A_556 = arith.constant 8 : i32
      %add3A_557 = vector.broadcast %add3A_556 : i32 to vector<16xi32>
      %add3A_558 = arith.addi %mul3A_515, %add3A_557 : vector<16xi32>
      %gather3A_559 = tpu.vector_load_idx %arg15[%add3A_558] : memref<896xf32, #tpu.memory_space<vmem>>[vector<16xi32>], vector<16xf32>,
      %add3A_560 = arith.addf %add3A_555, %gather3A_559 : vector<16xf32>
      %add3A_561 = arith.constant 9 : i32
      %add3A_562 = vector.broadcast %add3A_561 : i32 to vector<16xi32>
      %add3A_563 = arith.addi %mul3A_515, %add3A_562 : vector<16xi32>
      %gather3A_564 = tpu.vector_load_idx %arg15[%add3A_563] : memref<896xf32, #tpu.memory_space<vmem>>[vector<16xi32>], vector<16xf32>,
      %add3A_565 = arith.addf %add3A_560, %gather3A_564 : vector<16xf32>
      %add3A_566 = arith.constant 10 : i32
      %add3A_567 = vector.broadcast %add3A_566 : i32 to vector<16xi32>
      %add3A_568 = arith.addi %mul3A_515, %add3A_567 : vector<16xi32>
      %gather3A_569 = tpu.vector_load_idx %arg15[%add3A_568] : memref<896xf32, #tpu.memory_space<vmem>>[vector<16xi32>], vector<16xf32>,
      %add3A_570 = arith.addf %add3A_565, %gather3A_569 : vector<16xf32>
      %add3A_571 = arith.constant 11 : i32
      %add3A_572 = vector.broadcast %add3A_571 : i32 to vector<16xi32>
      %add3A_573 = arith.addi %mul3A_515, %add3A_572 : vector<16xi32>
      %gather3A_574 = tpu.vector_load_idx %arg15[%add3A_573] : memref<896xf32, #tpu.memory_space<vmem>>[vector<16xi32>], vector<16xf32>,
      %add3A_575 = arith.addf %add3A_570, %gather3A_574 : vector<16xf32>
      %add3A_576 = arith.constant 12 : i32
      %add3A_577 = vector.broadcast %add3A_576 : i32 to vector<16xi32>
      %add3A_578 = arith.addi %mul3A_515, %add3A_577 : vector<16xi32>
      %gather3A_579 = tpu.vector_load_idx %arg15[%add3A_578] : memref<896xf32, #tpu.memory_space<vmem>>[vector<16xi32>], vector<16xf32>,
      %add3A_580 = arith.addf %add3A_575, %gather3A_579 : vector<16xf32>
      %add3A_581 = arith.constant 13 : i32
      %add3A_582 = vector.broadcast %add3A_581 : i32 to vector<16xi32>
      %add3A_583 = arith.addi %mul3A_515, %add3A_582 : vector<16xi32>
      %gather3A_584 = tpu.vector_load_idx %arg15[%add3A_583] : memref<896xf32, #tpu.memory_space<vmem>>[vector<16xi32>], vector<16xf32>,
      %add3A_585 = arith.addf %add3A_580, %gather3A_584 : vector<16xf32>
      %add3A_586 = arith.constant 14 : i32
      %add3A_587 = vector.broadcast %add3A_586 : i32 to vector<16xi32>
      %add3A_588 = arith.addi %mul3A_515, %add3A_587 : vector<16xi32>
      %gather3A_589 = tpu.vector_load_idx %arg15[%add3A_588] : memref<896xf32, #tpu.memory_space<vmem>>[vector<16xi32>], vector<16xf32>,
      %add3A_590 = arith.addf %add3A_585, %gather3A_589 : vector<16xf32>
      %add3A_591 = arith.constant 15 : i32
      %add3A_592 = vector.broadcast %add3A_591 : i32 to vector<16xi32>
      %add3A_593 = arith.addi %mul3A_515, %add3A_592 : vector<16xi32>
      %gather3A_594 = tpu.vector_load_idx %arg15[%add3A_593] : memref<896xf32, #tpu.memory_space<vmem>>[vector<16xi32>], vector<16xf32>,
      %add3A_595 = arith.addf %add3A_590, %gather3A_594 : vector<16xf32>
      %gt3A_596 = arith.constant 0.000000e+00 : f32
      %gt3A_597 = vector.broadcast %gt3A_596 : f32 to vector<16xf32>
      %gt3A_598 = arith.cmpf ogt, %add3A_595, %gt3A_597 : vector<16xf32>
      %jit3A_599 = arith.constant -9.000000e+15 : f32
      %broadcast_in_dim3A_600 = vector.broadcast %jit3A_599 : f32 to vector<16xf32>
      %select_n3A_601 = arith.select %gt3A_598, %add3A_595, %broadcast_in_dim3A_600 : vector<16xi1>, vector<16xf32>
      %add3A_602 = arith.constant 32 : i32
      %add3A_603 = arith.addi %mul3A_281, %add3A_602 : i32
      %swap3A_604 = arith.index_cast %add3A_603 : i32 to index
      %swap3A_605 = tpu.vector_load %arg14[%swap3A_604] {strides = array<i32>} : memref<5016xf32, #tpu.memory_space<vmem>>, vector<16xf32>,
      tpu.vector_store %arg14[%swap3A_604], %select_n3A_601 {strides = array<i32>} : memref<5016xf32, #tpu.memory_space<vmem>>, vector<16xf32>,
      %scan3A_606 = arith.constant 0 : i32
      scf.yield %scan3A_606 : i32
    }
    %scan3A_277 = arith.constant 125 : i32
    "tpu.region"() ({
      %run_scoped3A = tpu.sem_alloc : memref<!tpu.dma_semaphore, #tpu.memory_space<semaphore_mem>>
      %dma_start3A = arith.constant 0 : i32
      %dma_start3A_278 = tpu.memref_slice %arg14[%dma_start3A] : memref<5016xf32, #tpu.memory_space<vmem>> -> memref<5000xf32, #tpu.memory_space<vmem>>
      %dma_start3A_279 = tpu.memref_slice %arg7[%mul3A_2] : memref<160000xf32, #tpu.memory_space<hbm>> -> memref<5000xf32, #tpu.memory_space<hbm>>
      %dma_start3A_280 = tpu.memref_slice %arg7[%mul3A_2] : memref<160000xf32, #tpu.memory_space<hbm>> -> memref<5000xf32, #tpu.memory_space<hbm>>
      %dma_start3A_281 = arith.constant 0 : i32
      %dma_start3A_282 = tpu.memref_slice %arg14[%dma_start3A_281] : memref<5016xf32, #tpu.memory_space<vmem>> -> memref<5000xf32, #tpu.memory_space<vmem>>
      tpu.enqueue_dma source(%dma_start3A_282 : memref<5000xf32, #tpu.memory_space<vmem>>) target(%dma_start3A_280 : memref<5000xf32, #tpu.memory_space<hbm>>) target_semaphore(%run_scoped3A : memref<!tpu.dma_semaphore, #tpu.memory_space<semaphore_mem>>)
      %dma_wait3A = arith.constant 0 : i32
      %dma_wait3A_283 = tpu.memref_slice %arg14[%dma_wait3A] : memref<5016xf32, #tpu.memory_space<vmem>> -> memref<5000xf32, #tpu.memory_space<vmem>>
      %dma_wait3A_284 = tpu.memref_slice %arg7[%mul3A_2] : memref<160000xf32, #tpu.memory_space<hbm>> -> memref<5000xf32, #tpu.memory_space<hbm>>
      %dma_wait3A_285 = tpu.memref_slice %arg7[%mul3A_2] : memref<160000xf32, #tpu.memory_space<hbm>> -> memref<5000xf32, #tpu.memory_space<hbm>>
      %dma_wait3A_286 = arith.constant 0 : i32
      %dma_wait3A_287 = tpu.memref_slice %arg14[%dma_wait3A_286] : memref<5016xf32, #tpu.memory_space<vmem>> -> memref<5000xf32, #tpu.memory_space<vmem>>
      tpu.wait_dma2 semaphore(%run_scoped3A : memref<!tpu.dma_semaphore, #tpu.memory_space<semaphore_mem>>) src(%dma_wait3A_287 : memref<5000xf32, #tpu.memory_space<vmem>>) dst(%dma_wait3A_285 : memref<5000xf32, #tpu.memory_space<hbm>>)
      tpu.yield
    }) : () -> ()
    return
  }
}

#map = affine_map<(d0, d1) -> (0)>
module attributes {stable_mosaic.version = 14 : i64} {
  func.func @_assemble_body(%arg0: i32, %arg1: i32, %arg2: memref<160000xi32, #tpu.memory_space<hbm>>, %arg3: memref<160000xi32, #tpu.memory_space<hbm>>, %arg4: memref<160000xf32, #tpu.memory_space<hbm>>, %arg5: memref<100000000xf32, #tpu.memory_space<hbm>>, %arg6: memref<10240xi32, #tpu.memory_space<vmem>>, %arg7: memref<10240xi32, #tpu.memory_space<vmem>>, %arg8: memref<10240xf32, #tpu.memory_space<vmem>>, %arg9: memref<80x128xi32, #tpu.memory_space<vmem>>, %arg10: memref<5120xf32, #tpu.memory_space<vmem>>, %arg11: memref<5000xf32, #tpu.memory_space<vmem>>, %arg12: memref<5000xf32, #tpu.memory_space<vmem>>, %arg13: memref<800128xf32, #tpu.memory_space<vmem_shared>>, %arg14: memref<!tpu.dma_semaphore, #tpu.memory_space<semaphore_mem>>, %arg15: memref<!tpu.dma_semaphore, #tpu.memory_space<semaphore_mem>>) attributes {dimension_semantics = [#tpu.dimension_semantics<core_parallel>, #tpu.dimension_semantics<subcore_parallel>], iteration_bounds = array<i64: 2, 16>, scalar_prefetch = 0 : i64, scratch_operands = 10 : i64, tpu.core_type = #tpu.core_type<sc_vector_subcore>, window_params = [{transform_indices = #map}, {transform_indices = #map}, {transform_indices = #map}, {transform_indices = #map}]} {
    %mul3A = arith.constant 10000 : i32
    %mul3A_0 = arith.muli %arg1, %mul3A : i32
    "tpu.region"() ({
      %run_scoped3A = tpu.sem_alloc : memref<!tpu.dma_semaphore, #tpu.memory_space<semaphore_mem>>
      %dma_start3A = arith.constant 0 : i32
      %dma_start3A_61 = tpu.memref_slice %arg6[%dma_start3A] : memref<10240xi32, #tpu.memory_space<vmem>> -> memref<10000xi32, #tpu.memory_space<vmem>>
      %dma_start3A_62 = tpu.memref_slice %arg2[%mul3A_0] : memref<160000xi32, #tpu.memory_space<hbm>> -> memref<10000xi32, #tpu.memory_space<hbm>>
      %dma_start3A_63 = arith.constant 0 : i32
      %dma_start3A_64 = tpu.memref_slice %arg6[%dma_start3A_63] : memref<10240xi32, #tpu.memory_space<vmem>> -> memref<10000xi32, #tpu.memory_space<vmem>>
      %dma_start3A_65 = tpu.memref_slice %arg2[%mul3A_0] : memref<160000xi32, #tpu.memory_space<hbm>> -> memref<10000xi32, #tpu.memory_space<hbm>>
      tpu.enqueue_dma source(%dma_start3A_65 : memref<10000xi32, #tpu.memory_space<hbm>>) target(%dma_start3A_64 : memref<10000xi32, #tpu.memory_space<vmem>>) target_semaphore(%run_scoped3A : memref<!tpu.dma_semaphore, #tpu.memory_space<semaphore_mem>>)
      %dma_wait3A = arith.constant 0 : i32
      %dma_wait3A_66 = tpu.memref_slice %arg6[%dma_wait3A] : memref<10240xi32, #tpu.memory_space<vmem>> -> memref<10000xi32, #tpu.memory_space<vmem>>
      %dma_wait3A_67 = tpu.memref_slice %arg2[%mul3A_0] : memref<160000xi32, #tpu.memory_space<hbm>> -> memref<10000xi32, #tpu.memory_space<hbm>>
      %dma_wait3A_68 = arith.constant 0 : i32
      %dma_wait3A_69 = tpu.memref_slice %arg6[%dma_wait3A_68] : memref<10240xi32, #tpu.memory_space<vmem>> -> memref<10000xi32, #tpu.memory_space<vmem>>
      %dma_wait3A_70 = tpu.memref_slice %arg2[%mul3A_0] : memref<160000xi32, #tpu.memory_space<hbm>> -> memref<10000xi32, #tpu.memory_space<hbm>>
      tpu.wait_dma2 semaphore(%run_scoped3A : memref<!tpu.dma_semaphore, #tpu.memory_space<semaphore_mem>>) src(%dma_wait3A_70 : memref<10000xi32, #tpu.memory_space<hbm>>) dst(%dma_wait3A_69 : memref<10000xi32, #tpu.memory_space<vmem>>)
      tpu.yield
    }) : () -> ()
    "tpu.region"() ({
      %run_scoped3A = tpu.sem_alloc : memref<!tpu.dma_semaphore, #tpu.memory_space<semaphore_mem>>
      %dma_start3A = arith.constant 0 : i32
      %dma_start3A_61 = tpu.memref_slice %arg7[%dma_start3A] : memref<10240xi32, #tpu.memory_space<vmem>> -> memref<10000xi32, #tpu.memory_space<vmem>>
      %dma_start3A_62 = tpu.memref_slice %arg3[%mul3A_0] : memref<160000xi32, #tpu.memory_space<hbm>> -> memref<10000xi32, #tpu.memory_space<hbm>>
      %dma_start3A_63 = arith.constant 0 : i32
      %dma_start3A_64 = tpu.memref_slice %arg7[%dma_start3A_63] : memref<10240xi32, #tpu.memory_space<vmem>> -> memref<10000xi32, #tpu.memory_space<vmem>>
      %dma_start3A_65 = tpu.memref_slice %arg3[%mul3A_0] : memref<160000xi32, #tpu.memory_space<hbm>> -> memref<10000xi32, #tpu.memory_space<hbm>>
      tpu.enqueue_dma source(%dma_start3A_65 : memref<10000xi32, #tpu.memory_space<hbm>>) target(%dma_start3A_64 : memref<10000xi32, #tpu.memory_space<vmem>>) target_semaphore(%run_scoped3A : memref<!tpu.dma_semaphore, #tpu.memory_space<semaphore_mem>>)
      %dma_wait3A = arith.constant 0 : i32
      %dma_wait3A_66 = tpu.memref_slice %arg7[%dma_wait3A] : memref<10240xi32, #tpu.memory_space<vmem>> -> memref<10000xi32, #tpu.memory_space<vmem>>
      %dma_wait3A_67 = tpu.memref_slice %arg3[%mul3A_0] : memref<160000xi32, #tpu.memory_space<hbm>> -> memref<10000xi32, #tpu.memory_space<hbm>>
      %dma_wait3A_68 = arith.constant 0 : i32
      %dma_wait3A_69 = tpu.memref_slice %arg7[%dma_wait3A_68] : memref<10240xi32, #tpu.memory_space<vmem>> -> memref<10000xi32, #tpu.memory_space<vmem>>
      %dma_wait3A_70 = tpu.memref_slice %arg3[%mul3A_0] : memref<160000xi32, #tpu.memory_space<hbm>> -> memref<10000xi32, #tpu.memory_space<hbm>>
      tpu.wait_dma2 semaphore(%run_scoped3A : memref<!tpu.dma_semaphore, #tpu.memory_space<semaphore_mem>>) src(%dma_wait3A_70 : memref<10000xi32, #tpu.memory_space<hbm>>) dst(%dma_wait3A_69 : memref<10000xi32, #tpu.memory_space<vmem>>)
      tpu.yield
    }) : () -> ()
    "tpu.region"() ({
      %run_scoped3A = tpu.sem_alloc : memref<!tpu.dma_semaphore, #tpu.memory_space<semaphore_mem>>
      %dma_start3A = arith.constant 0 : i32
      %dma_start3A_61 = tpu.memref_slice %arg8[%dma_start3A] : memref<10240xf32, #tpu.memory_space<vmem>> -> memref<10000xf32, #tpu.memory_space<vmem>>
      %dma_start3A_62 = tpu.memref_slice %arg4[%mul3A_0] : memref<160000xf32, #tpu.memory_space<hbm>> -> memref<10000xf32, #tpu.memory_space<hbm>>
      %dma_start3A_63 = arith.constant 0 : i32
      %dma_start3A_64 = tpu.memref_slice %arg8[%dma_start3A_63] : memref<10240xf32, #tpu.memory_space<vmem>> -> memref<10000xf32, #tpu.memory_space<vmem>>
      %dma_start3A_65 = tpu.memref_slice %arg4[%mul3A_0] : memref<160000xf32, #tpu.memory_space<hbm>> -> memref<10000xf32, #tpu.memory_space<hbm>>
      tpu.enqueue_dma source(%dma_start3A_65 : memref<10000xf32, #tpu.memory_space<hbm>>) target(%dma_start3A_64 : memref<10000xf32, #tpu.memory_space<vmem>>) target_semaphore(%run_scoped3A : memref<!tpu.dma_semaphore, #tpu.memory_space<semaphore_mem>>)
      %dma_wait3A = arith.constant 0 : i32
      %dma_wait3A_66 = tpu.memref_slice %arg8[%dma_wait3A] : memref<10240xf32, #tpu.memory_space<vmem>> -> memref<10000xf32, #tpu.memory_space<vmem>>
      %dma_wait3A_67 = tpu.memref_slice %arg4[%mul3A_0] : memref<160000xf32, #tpu.memory_space<hbm>> -> memref<10000xf32, #tpu.memory_space<hbm>>
      %dma_wait3A_68 = arith.constant 0 : i32
      %dma_wait3A_69 = tpu.memref_slice %arg8[%dma_wait3A_68] : memref<10240xf32, #tpu.memory_space<vmem>> -> memref<10000xf32, #tpu.memory_space<vmem>>
      %dma_wait3A_70 = tpu.memref_slice %arg4[%mul3A_0] : memref<160000xf32, #tpu.memory_space<hbm>> -> memref<10000xf32, #tpu.memory_space<hbm>>
      tpu.wait_dma2 semaphore(%run_scoped3A : memref<!tpu.dma_semaphore, #tpu.memory_space<semaphore_mem>>) src(%dma_wait3A_70 : memref<10000xf32, #tpu.memory_space<hbm>>) dst(%dma_wait3A_69 : memref<10000xf32, #tpu.memory_space<vmem>>)
      tpu.yield
    }) : () -> ()
    %scan3A = arith.constant 0 : i32
    %scan3A_1 = arith.constant 0 : i32
    %scan3A_2 = arith.constant 625 : i32
    %scan3A_3 = arith.addi %scan3A_1, %scan3A_2 : i32
    %scan3A_4 = arith.constant 1 : i32
    %scan3A_5 = scf.for %scan3A_61 = %scan3A_1 to %scan3A_3 step %scan3A_4 iter_args(%scan3A_62 = %scan3A) -> (i32)  : i32 {
      %mul3A_63 = arith.constant 16 : i32
      %mul3A_64 = arith.muli %scan3A_61, %mul3A_63 : i32
      %get3A = arith.index_cast %mul3A_64 : i32 to index
      %get3A_65 = tpu.vector_load %arg6[%get3A] {strides = array<i32>} : memref<10240xi32, #tpu.memory_space<vmem>>, vector<16xi32>,
      %mul3A_66 = arith.constant 10000 : i32
      %mul3A_67 = vector.broadcast %mul3A_66 : i32 to vector<16xi32>
      %mul3A_68 = arith.muli %get3A_65, %mul3A_67 : vector<16xi32>
      %mul3A_69 = arith.constant 16 : i32
      %mul3A_70 = arith.muli %scan3A_61, %mul3A_69 : i32
      %get3A_71 = arith.index_cast %mul3A_70 : i32 to index
      %get3A_72 = tpu.vector_load %arg7[%get3A_71] {strides = array<i32>} : memref<10240xi32, #tpu.memory_space<vmem>>, vector<16xi32>,
      %add3A_73 = arith.addi %mul3A_68, %get3A_72 : vector<16xi32>
      %mul3A_74 = arith.constant 16 : i32
      %mul3A_75 = arith.muli %scan3A_61, %mul3A_74 : i32
      %swap3A_76 = arith.index_cast %mul3A_75 : i32 to index
      %swap3A_77 = tpu.vector_load %arg6[%swap3A_76] {strides = array<i32>} : memref<10240xi32, #tpu.memory_space<vmem>>, vector<16xi32>,
      tpu.vector_store %arg6[%swap3A_76], %add3A_73 {strides = array<i32>} : memref<10240xi32, #tpu.memory_space<vmem>>, vector<16xi32>,
      %scan3A_78 = arith.constant 0 : i32
      scf.yield %scan3A_78 : i32
    }
    %scan3A_6 = arith.constant 625 : i32
    %broadcast_in_dim3A = arith.constant -1 : i32
    %broadcast_in_dim3A_7 = vector.broadcast %broadcast_in_dim3A : i32 to vector<16xi32>
    %swap3A = arith.constant 10000 : index
    %swap3A_8 = tpu.vector_load %arg6[%swap3A] {strides = array<i32>} : memref<10240xi32, #tpu.memory_space<vmem>>, vector<16xi32>,
    tpu.vector_store %arg6[%swap3A], %broadcast_in_dim3A_7 {strides = array<i32>} : memref<10240xi32, #tpu.memory_space<vmem>>, vector<16xi32>,
    %swap3A_9 = arith.constant 10016 : index
    %swap3A_10 = tpu.vector_load %arg6[%swap3A_9] {strides = array<i32>} : memref<10240xi32, #tpu.memory_space<vmem>>, vector<16xi32>,
    tpu.vector_store %arg6[%swap3A_9], %broadcast_in_dim3A_7 {strides = array<i32>} : memref<10240xi32, #tpu.memory_space<vmem>>, vector<16xi32>,
    %swap3A_11 = arith.constant 10032 : index
    %swap3A_12 = tpu.vector_load %arg6[%swap3A_11] {strides = array<i32>} : memref<10240xi32, #tpu.memory_space<vmem>>, vector<16xi32>,
    tpu.vector_store %arg6[%swap3A_11], %broadcast_in_dim3A_7 {strides = array<i32>} : memref<10240xi32, #tpu.memory_space<vmem>>, vector<16xi32>,
    %swap3A_13 = arith.constant 10048 : index
    %swap3A_14 = tpu.vector_load %arg6[%swap3A_13] {strides = array<i32>} : memref<10240xi32, #tpu.memory_space<vmem>>, vector<16xi32>,
    tpu.vector_store %arg6[%swap3A_13], %broadcast_in_dim3A_7 {strides = array<i32>} : memref<10240xi32, #tpu.memory_space<vmem>>, vector<16xi32>,
    %swap3A_15 = arith.constant 10064 : index
    %swap3A_16 = tpu.vector_load %arg6[%swap3A_15] {strides = array<i32>} : memref<10240xi32, #tpu.memory_space<vmem>>, vector<16xi32>,
    tpu.vector_store %arg6[%swap3A_15], %broadcast_in_dim3A_7 {strides = array<i32>} : memref<10240xi32, #tpu.memory_space<vmem>>, vector<16xi32>,
    %swap3A_17 = arith.constant 10080 : index
    %swap3A_18 = tpu.vector_load %arg6[%swap3A_17] {strides = array<i32>} : memref<10240xi32, #tpu.memory_space<vmem>>, vector<16xi32>,
    tpu.vector_store %arg6[%swap3A_17], %broadcast_in_dim3A_7 {strides = array<i32>} : memref<10240xi32, #tpu.memory_space<vmem>>, vector<16xi32>,
    %swap3A_19 = arith.constant 10096 : index
    %swap3A_20 = tpu.vector_load %arg6[%swap3A_19] {strides = array<i32>} : memref<10240xi32, #tpu.memory_space<vmem>>, vector<16xi32>,
    tpu.vector_store %arg6[%swap3A_19], %broadcast_in_dim3A_7 {strides = array<i32>} : memref<10240xi32, #tpu.memory_space<vmem>>, vector<16xi32>,
    %swap3A_21 = arith.constant 10112 : index
    %swap3A_22 = tpu.vector_load %arg6[%swap3A_21] {strides = array<i32>} : memref<10240xi32, #tpu.memory_space<vmem>>, vector<16xi32>,
    tpu.vector_store %arg6[%swap3A_21], %broadcast_in_dim3A_7 {strides = array<i32>} : memref<10240xi32, #tpu.memory_space<vmem>>, vector<16xi32>,
    %swap3A_23 = arith.constant 10128 : index
    %swap3A_24 = tpu.vector_load %arg6[%swap3A_23] {strides = array<i32>} : memref<10240xi32, #tpu.memory_space<vmem>>, vector<16xi32>,
    tpu.vector_store %arg6[%swap3A_23], %broadcast_in_dim3A_7 {strides = array<i32>} : memref<10240xi32, #tpu.memory_space<vmem>>, vector<16xi32>,
    %swap3A_25 = arith.constant 10144 : index
    %swap3A_26 = tpu.vector_load %arg6[%swap3A_25] {strides = array<i32>} : memref<10240xi32, #tpu.memory_space<vmem>>, vector<16xi32>,
    tpu.vector_store %arg6[%swap3A_25], %broadcast_in_dim3A_7 {strides = array<i32>} : memref<10240xi32, #tpu.memory_space<vmem>>, vector<16xi32>,
    %swap3A_27 = arith.constant 10160 : index
    %swap3A_28 = tpu.vector_load %arg6[%swap3A_27] {strides = array<i32>} : memref<10240xi32, #tpu.memory_space<vmem>>, vector<16xi32>,
    tpu.vector_store %arg6[%swap3A_27], %broadcast_in_dim3A_7 {strides = array<i32>} : memref<10240xi32, #tpu.memory_space<vmem>>, vector<16xi32>,
    %swap3A_29 = arith.constant 10176 : index
    %swap3A_30 = tpu.vector_load %arg6[%swap3A_29] {strides = array<i32>} : memref<10240xi32, #tpu.memory_space<vmem>>, vector<16xi32>,
    tpu.vector_store %arg6[%swap3A_29], %broadcast_in_dim3A_7 {strides = array<i32>} : memref<10240xi32, #tpu.memory_space<vmem>>, vector<16xi32>,
    %swap3A_31 = arith.constant 10192 : index
    %swap3A_32 = tpu.vector_load %arg6[%swap3A_31] {strides = array<i32>} : memref<10240xi32, #tpu.memory_space<vmem>>, vector<16xi32>,
    tpu.vector_store %arg6[%swap3A_31], %broadcast_in_dim3A_7 {strides = array<i32>} : memref<10240xi32, #tpu.memory_space<vmem>>, vector<16xi32>,
    %swap3A_33 = arith.constant 10208 : index
    %swap3A_34 = tpu.vector_load %arg6[%swap3A_33] {strides = array<i32>} : memref<10240xi32, #tpu.memory_space<vmem>>, vector<16xi32>,
    tpu.vector_store %arg6[%swap3A_33], %broadcast_in_dim3A_7 {strides = array<i32>} : memref<10240xi32, #tpu.memory_space<vmem>>, vector<16xi32>,
    %swap3A_35 = arith.constant 10224 : index
    %swap3A_36 = tpu.vector_load %arg6[%swap3A_35] {strides = array<i32>} : memref<10240xi32, #tpu.memory_space<vmem>>, vector<16xi32>,
    tpu.vector_store %arg6[%swap3A_35], %broadcast_in_dim3A_7 {strides = array<i32>} : memref<10240xi32, #tpu.memory_space<vmem>>, vector<16xi32>,
    %scan3A_37 = arith.constant 0 : i32
    %scan3A_38 = arith.constant 0 : i32
    %scan3A_39 = arith.constant 320 : i32
    %scan3A_40 = arith.addi %scan3A_38, %scan3A_39 : i32
    %scan3A_41 = arith.constant 1 : i32
    %scan3A_42 = scf.for %scan3A_61 = %scan3A_38 to %scan3A_40 step %scan3A_41 iter_args(%scan3A_62 = %scan3A_37) -> (i32)  : i32 {
      %broadcast_in_dim3A_63 = arith.constant 0.000000e+00 : f32
      %broadcast_in_dim3A_64 = vector.broadcast %broadcast_in_dim3A_63 : f32 to vector<16xf32>
      %mul3A_65 = arith.constant 16 : i32
      %mul3A_66 = arith.muli %scan3A_61, %mul3A_65 : i32
      %swap3A_67 = arith.index_cast %mul3A_66 : i32 to index
      %swap3A_68 = tpu.vector_load %arg10[%swap3A_67] {strides = array<i32>} : memref<5120xf32, #tpu.memory_space<vmem>>, vector<16xf32>,
      tpu.vector_store %arg10[%swap3A_67], %broadcast_in_dim3A_64 {strides = array<i32>} : memref<5120xf32, #tpu.memory_space<vmem>>, vector<16xf32>,
      %scan3A_69 = arith.constant 0 : i32
      scf.yield %scan3A_69 : i32
    }
    %scan3A_43 = arith.constant 320 : i32
    %mul3A_44 = arith.constant 50008 : i32
    %mul3A_45 = arith.muli %arg1, %mul3A_44 : i32
    %scan3A_46 = arith.constant 0 : i32
    %scan3A_47 = arith.constant 0 : i32
    %scan3A_48 = arith.constant 9 : i32
    %scan3A_49 = arith.addi %scan3A_47, %scan3A_48 : i32
    %scan3A_50 = arith.constant 1 : i32
    %scan3A_51 = scf.for %scan3A_61 = %scan3A_47 to %scan3A_49 step %scan3A_50 iter_args(%scan3A_62 = %scan3A_46) -> (i32)  : i32 {
      %mul3A_63 = arith.constant 5008 : i32
      %mul3A_64 = arith.muli %scan3A_61, %mul3A_63 : i32
      %add3A_65 = arith.addi %mul3A_45, %mul3A_64 : i32
      "tpu.region"() ({
        %run_scoped3A = tpu.sem_alloc : memref<!tpu.dma_semaphore, #tpu.memory_space<semaphore_mem>>
        %dma_start3A = arith.constant 0 : i32
        %dma_start3A_67 = tpu.memref_slice %arg10[%dma_start3A] : memref<5120xf32, #tpu.memory_space<vmem>> -> memref<5008xf32, #tpu.memory_space<vmem>>
        %dma_start3A_68 = tpu.memref_slice %arg13[%add3A_65] : memref<800128xf32, #tpu.memory_space<vmem_shared>> -> memref<5008xf32, #tpu.memory_space<vmem_shared>>
        %dma_start3A_69 = tpu.memref_slice %arg13[%add3A_65] : memref<800128xf32, #tpu.memory_space<vmem_shared>> -> memref<5008xf32, #tpu.memory_space<vmem_shared>>
        %dma_start3A_70 = arith.constant 0 : i32
        %dma_start3A_71 = tpu.memref_slice %arg10[%dma_start3A_70] : memref<5120xf32, #tpu.memory_space<vmem>> -> memref<5008xf32, #tpu.memory_space<vmem>>
        tpu.enqueue_dma source(%dma_start3A_71 : memref<5008xf32, #tpu.memory_space<vmem>>) target(%dma_start3A_69 : memref<5008xf32, #tpu.memory_space<vmem_shared>>) target_semaphore(%run_scoped3A : memref<!tpu.dma_semaphore, #tpu.memory_space<semaphore_mem>>)
        %dma_wait3A = arith.constant 0 : i32
        %dma_wait3A_72 = tpu.memref_slice %arg10[%dma_wait3A] : memref<5120xf32, #tpu.memory_space<vmem>> -> memref<5008xf32, #tpu.memory_space<vmem>>
        %dma_wait3A_73 = tpu.memref_slice %arg13[%add3A_65] : memref<800128xf32, #tpu.memory_space<vmem_shared>> -> memref<5008xf32, #tpu.memory_space<vmem_shared>>
        %dma_wait3A_74 = tpu.memref_slice %arg13[%add3A_65] : memref<800128xf32, #tpu.memory_space<vmem_shared>> -> memref<5008xf32, #tpu.memory_space<vmem_shared>>
        %dma_wait3A_75 = arith.constant 0 : i32
        %dma_wait3A_76 = tpu.memref_slice %arg10[%dma_wait3A_75] : memref<5120xf32, #tpu.memory_space<vmem>> -> memref<5008xf32, #tpu.memory_space<vmem>>
        tpu.wait_dma2 semaphore(%run_scoped3A : memref<!tpu.dma_semaphore, #tpu.memory_space<semaphore_mem>>) src(%dma_wait3A_76 : memref<5008xf32, #tpu.memory_space<vmem>>) dst(%dma_wait3A_74 : memref<5008xf32, #tpu.memory_space<vmem_shared>>)
        tpu.yield
      }) : () -> ()
      %scan3A_66 = arith.constant 0 : i32
      scf.yield %scan3A_66 : i32
    }
    %scan3A_52 = arith.constant 9 : i32
    %add3A = arith.constant 45072 : i32
    %add3A_53 = arith.addi %mul3A_45, %add3A : i32
    "tpu.region"() ({
      %run_scoped3A = tpu.sem_alloc : memref<!tpu.dma_semaphore, #tpu.memory_space<semaphore_mem>>
      %dma_start3A = arith.constant 0 : i32
      %dma_start3A_61 = tpu.memref_slice %arg10[%dma_start3A] : memref<5120xf32, #tpu.memory_space<vmem>> -> memref<4936xf32, #tpu.memory_space<vmem>>
      %dma_start3A_62 = tpu.memref_slice %arg13[%add3A_53] : memref<800128xf32, #tpu.memory_space<vmem_shared>> -> memref<4936xf32, #tpu.memory_space<vmem_shared>>
      %dma_start3A_63 = tpu.memref_slice %arg13[%add3A_53] : memref<800128xf32, #tpu.memory_space<vmem_shared>> -> memref<4936xf32, #tpu.memory_space<vmem_shared>>
      %dma_start3A_64 = arith.constant 0 : i32
      %dma_start3A_65 = tpu.memref_slice %arg10[%dma_start3A_64] : memref<5120xf32, #tpu.memory_space<vmem>> -> memref<4936xf32, #tpu.memory_space<vmem>>
      tpu.enqueue_dma source(%dma_start3A_65 : memref<4936xf32, #tpu.memory_space<vmem>>) target(%dma_start3A_63 : memref<4936xf32, #tpu.memory_space<vmem_shared>>) target_semaphore(%run_scoped3A : memref<!tpu.dma_semaphore, #tpu.memory_space<semaphore_mem>>)
      %dma_wait3A = arith.constant 0 : i32
      %dma_wait3A_66 = tpu.memref_slice %arg10[%dma_wait3A] : memref<5120xf32, #tpu.memory_space<vmem>> -> memref<4936xf32, #tpu.memory_space<vmem>>
      %dma_wait3A_67 = tpu.memref_slice %arg13[%add3A_53] : memref<800128xf32, #tpu.memory_space<vmem_shared>> -> memref<4936xf32, #tpu.memory_space<vmem_shared>>
      %dma_wait3A_68 = tpu.memref_slice %arg13[%add3A_53] : memref<800128xf32, #tpu.memory_space<vmem_shared>> -> memref<4936xf32, #tpu.memory_space<vmem_shared>>
      %dma_wait3A_69 = arith.constant 0 : i32
      %dma_wait3A_70 = tpu.memref_slice %arg10[%dma_wait3A_69] : memref<5120xf32, #tpu.memory_space<vmem>> -> memref<4936xf32, #tpu.memory_space<vmem>>
      tpu.wait_dma2 semaphore(%run_scoped3A : memref<!tpu.dma_semaphore, #tpu.memory_space<semaphore_mem>>) src(%dma_wait3A_70 : memref<4936xf32, #tpu.memory_space<vmem>>) dst(%dma_wait3A_68 : memref<4936xf32, #tpu.memory_space<vmem_shared>>)
      tpu.yield
    }) : () -> ()
    %barrier3A = arith.constant 0 : index
    tpu.barrier barrier_id(%barrier3A)
    %iota3A = tpu.iota {dimensions = array<i32: 0>} : vector<16xi32>
    %scan3A_54 = arith.constant 0 : i32
    %scan3A_55 = arith.constant 0 : i32
    %scan3A_56 = arith.constant 63 : i32
    %scan3A_57 = arith.addi %scan3A_55, %scan3A_56 : i32
    %scan3A_58 = arith.constant 1 : i32
    %scan3A_59 = scf.for %scan3A_61 = %scan3A_55 to %scan3A_57 step %scan3A_58 iter_args(%scan3A_62 = %scan3A_54) -> (i32)  : i32 {
      %mul3A_63 = arith.constant 2 : i32
      %mul3A_64 = arith.muli %scan3A_61, %mul3A_63 : i32
      %add3A_65 = arith.addi %mul3A_64, %arg0 : i32
      %mul3A_66 = arith.constant 80 : i32
      %mul3A_67 = arith.muli %add3A_65, %mul3A_66 : i32
      %mul3A_68 = arith.constant 10000 : i32
      %mul3A_69 = arith.muli %mul3A_67, %mul3A_68 : i32
      %add3A_70 = arith.constant 800000 : i32
      %add3A_71 = arith.addi %mul3A_69, %add3A_70 : i32
      %min3A = arith.constant 100000000 : i32
      %min3A_72 = arith.minsi %add3A_71, %min3A : i32
      %scan3A_73 = arith.constant 0 : i32
      %scan3A_74 = arith.constant 0 : i32
      %scan3A_75 = arith.constant 80 : i32
      %scan3A_76 = arith.addi %scan3A_74, %scan3A_75 : i32
      %scan3A_77 = arith.constant 1 : i32
      %scan3A_78 = scf.for %scan3A_119 = %scan3A_74 to %scan3A_76 step %scan3A_77 iter_args(%scan3A_120 = %scan3A_73) -> (i32)  : i32 {
        %mul3A_121 = arith.constant 128 : i32
        %mul3A_122 = arith.muli %scan3A_119, %mul3A_121 : i32
        %add3A_123 = arith.constant 0 : i32
        %add3A_124 = arith.addi %mul3A_122, %add3A_123 : i32
        %get3A = arith.index_cast %add3A_124 : i32 to index
        %get3A_125 = tpu.vector_load %arg6[%get3A] {strides = array<i32>} : memref<10240xi32, #tpu.memory_space<vmem>>, vector<16xi32>,
        %ge3A = vector.broadcast %mul3A_69 : i32 to vector<16xi32>
        %ge3A_126 = arith.cmpi sge, %get3A_125, %ge3A : vector<16xi32>
        %lt3A_127 = vector.broadcast %min3A_72 : i32 to vector<16xi32>
        %lt3A_128 = arith.cmpi slt, %get3A_125, %lt3A_127 : vector<16xi32>
        %and3A = arith.andi %ge3A_126, %lt3A_128 : vector<16xi1>
        %add3A_129 = arith.constant 800000 : i32
        %add3A_130 = vector.broadcast %add3A_129 : i32 to vector<16xi32>
        %add3A_131 = arith.addi %add3A_130, %iota3A : vector<16xi32>
        %add3A_132 = arith.constant 0 : i32
        %add3A_133 = vector.broadcast %add3A_132 : i32 to vector<16xi32>
        %add3A_134 = arith.addi %add3A_131, %add3A_133 : vector<16xi32>
        %sub3A = vector.broadcast %mul3A_69 : i32 to vector<16xi32>
        %sub3A_135 = arith.subi %get3A_125, %sub3A : vector<16xi32>
        %select_n3A = arith.select %and3A, %sub3A_135, %add3A_134 : vector<16xi1>, vector<16xi32>
        %swap3A_136 = arith.index_cast %scan3A_119 : i32 to index
        %swap3A_137 = arith.constant 0 : index
        %swap3A_138 = tpu.vector_load %arg9[%swap3A_136, %swap3A_137] {strides = array<i32>} : memref<80x128xi32, #tpu.memory_space<vmem>>, vector<16xi32>,
        tpu.vector_store %arg9[%swap3A_136, %swap3A_137], %select_n3A {strides = array<i32>} : memref<80x128xi32, #tpu.memory_space<vmem>>, vector<16xi32>,
        %mul3A_139 = arith.constant 128 : i32
        %mul3A_140 = arith.muli %scan3A_119, %mul3A_139 : i32
        %add3A_141 = arith.constant 16 : i32
        %add3A_142 = arith.addi %mul3A_140, %add3A_141 : i32
        %get3A_143 = arith.index_cast %add3A_142 : i32 to index
        %get3A_144 = tpu.vector_load %arg6[%get3A_143] {strides = array<i32>} : memref<10240xi32, #tpu.memory_space<vmem>>, vector<16xi32>,
        %ge3A_145 = vector.broadcast %mul3A_69 : i32 to vector<16xi32>
        %ge3A_146 = arith.cmpi sge, %get3A_144, %ge3A_145 : vector<16xi32>
        %lt3A_147 = vector.broadcast %min3A_72 : i32 to vector<16xi32>
        %lt3A_148 = arith.cmpi slt, %get3A_144, %lt3A_147 : vector<16xi32>
        %and3A_149 = arith.andi %ge3A_146, %lt3A_148 : vector<16xi1>
        %add3A_150 = arith.constant 800000 : i32
        %add3A_151 = vector.broadcast %add3A_150 : i32 to vector<16xi32>
        %add3A_152 = arith.addi %add3A_151, %iota3A : vector<16xi32>
        %add3A_153 = arith.constant 16 : i32
        %add3A_154 = vector.broadcast %add3A_153 : i32 to vector<16xi32>
        %add3A_155 = arith.addi %add3A_152, %add3A_154 : vector<16xi32>
        %sub3A_156 = vector.broadcast %mul3A_69 : i32 to vector<16xi32>
        %sub3A_157 = arith.subi %get3A_144, %sub3A_156 : vector<16xi32>
        %select_n3A_158 = arith.select %and3A_149, %sub3A_157, %add3A_155 : vector<16xi1>, vector<16xi32>
        %swap3A_159 = arith.index_cast %scan3A_119 : i32 to index
        %swap3A_160 = arith.constant 16 : index
        %swap3A_161 = tpu.vector_load %arg9[%swap3A_159, %swap3A_160] {strides = array<i32>} : memref<80x128xi32, #tpu.memory_space<vmem>>, vector<16xi32>,
        tpu.vector_store %arg9[%swap3A_159, %swap3A_160], %select_n3A_158 {strides = array<i32>} : memref<80x128xi32, #tpu.memory_space<vmem>>, vector<16xi32>,
        %mul3A_162 = arith.constant 128 : i32
        %mul3A_163 = arith.muli %scan3A_119, %mul3A_162 : i32
        %add3A_164 = arith.constant 32 : i32
        %add3A_165 = arith.addi %mul3A_163, %add3A_164 : i32
        %get3A_166 = arith.index_cast %add3A_165 : i32 to index
        %get3A_167 = tpu.vector_load %arg6[%get3A_166] {strides = array<i32>} : memref<10240xi32, #tpu.memory_space<vmem>>, vector<16xi32>,
        %ge3A_168 = vector.broadcast %mul3A_69 : i32 to vector<16xi32>
        %ge3A_169 = arith.cmpi sge, %get3A_167, %ge3A_168 : vector<16xi32>
        %lt3A_170 = vector.broadcast %min3A_72 : i32 to vector<16xi32>
        %lt3A_171 = arith.cmpi slt, %get3A_167, %lt3A_170 : vector<16xi32>
        %and3A_172 = arith.andi %ge3A_169, %lt3A_171 : vector<16xi1>
        %add3A_173 = arith.constant 800000 : i32
        %add3A_174 = vector.broadcast %add3A_173 : i32 to vector<16xi32>
        %add3A_175 = arith.addi %add3A_174, %iota3A : vector<16xi32>
        %add3A_176 = arith.constant 32 : i32
        %add3A_177 = vector.broadcast %add3A_176 : i32 to vector<16xi32>
        %add3A_178 = arith.addi %add3A_175, %add3A_177 : vector<16xi32>
        %sub3A_179 = vector.broadcast %mul3A_69 : i32 to vector<16xi32>
        %sub3A_180 = arith.subi %get3A_167, %sub3A_179 : vector<16xi32>
        %select_n3A_181 = arith.select %and3A_172, %sub3A_180, %add3A_178 : vector<16xi1>, vector<16xi32>
        %swap3A_182 = arith.index_cast %scan3A_119 : i32 to index
        %swap3A_183 = arith.constant 32 : index
        %swap3A_184 = tpu.vector_load %arg9[%swap3A_182, %swap3A_183] {strides = array<i32>} : memref<80x128xi32, #tpu.memory_space<vmem>>, vector<16xi32>,
        tpu.vector_store %arg9[%swap3A_182, %swap3A_183], %select_n3A_181 {strides = array<i32>} : memref<80x128xi32, #tpu.memory_space<vmem>>, vector<16xi32>,
        %mul3A_185 = arith.constant 128 : i32
        %mul3A_186 = arith.muli %scan3A_119, %mul3A_185 : i32
        %add3A_187 = arith.constant 48 : i32
        %add3A_188 = arith.addi %mul3A_186, %add3A_187 : i32
        %get3A_189 = arith.index_cast %add3A_188 : i32 to index
        %get3A_190 = tpu.vector_load %arg6[%get3A_189] {strides = array<i32>} : memref<10240xi32, #tpu.memory_space<vmem>>, vector<16xi32>,
        %ge3A_191 = vector.broadcast %mul3A_69 : i32 to vector<16xi32>
        %ge3A_192 = arith.cmpi sge, %get3A_190, %ge3A_191 : vector<16xi32>
        %lt3A_193 = vector.broadcast %min3A_72 : i32 to vector<16xi32>
        %lt3A_194 = arith.cmpi slt, %get3A_190, %lt3A_193 : vector<16xi32>
        %and3A_195 = arith.andi %ge3A_192, %lt3A_194 : vector<16xi1>
        %add3A_196 = arith.constant 800000 : i32
        %add3A_197 = vector.broadcast %add3A_196 : i32 to vector<16xi32>
        %add3A_198 = arith.addi %add3A_197, %iota3A : vector<16xi32>
        %add3A_199 = arith.constant 48 : i32
        %add3A_200 = vector.broadcast %add3A_199 : i32 to vector<16xi32>
        %add3A_201 = arith.addi %add3A_198, %add3A_200 : vector<16xi32>
        %sub3A_202 = vector.broadcast %mul3A_69 : i32 to vector<16xi32>
        %sub3A_203 = arith.subi %get3A_190, %sub3A_202 : vector<16xi32>
        %select_n3A_204 = arith.select %and3A_195, %sub3A_203, %add3A_201 : vector<16xi1>, vector<16xi32>
        %swap3A_205 = arith.index_cast %scan3A_119 : i32 to index
        %swap3A_206 = arith.constant 48 : index
        %swap3A_207 = tpu.vector_load %arg9[%swap3A_205, %swap3A_206] {strides = array<i32>} : memref<80x128xi32, #tpu.memory_space<vmem>>, vector<16xi32>,
        tpu.vector_store %arg9[%swap3A_205, %swap3A_206], %select_n3A_204 {strides = array<i32>} : memref<80x128xi32, #tpu.memory_space<vmem>>, vector<16xi32>,
        %mul3A_208 = arith.constant 128 : i32
        %mul3A_209 = arith.muli %scan3A_119, %mul3A_208 : i32
        %add3A_210 = arith.constant 64 : i32
        %add3A_211 = arith.addi %mul3A_209, %add3A_210 : i32
        %get3A_212 = arith.index_cast %add3A_211 : i32 to index
        %get3A_213 = tpu.vector_load %arg6[%get3A_212] {strides = array<i32>} : memref<10240xi32, #tpu.memory_space<vmem>>, vector<16xi32>,
        %ge3A_214 = vector.broadcast %mul3A_69 : i32 to vector<16xi32>
        %ge3A_215 = arith.cmpi sge, %get3A_213, %ge3A_214 : vector<16xi32>
        %lt3A_216 = vector.broadcast %min3A_72 : i32 to vector<16xi32>
        %lt3A_217 = arith.cmpi slt, %get3A_213, %lt3A_216 : vector<16xi32>
        %and3A_218 = arith.andi %ge3A_215, %lt3A_217 : vector<16xi1>
        %add3A_219 = arith.constant 800000 : i32
        %add3A_220 = vector.broadcast %add3A_219 : i32 to vector<16xi32>
        %add3A_221 = arith.addi %add3A_220, %iota3A : vector<16xi32>
        %add3A_222 = arith.constant 64 : i32
        %add3A_223 = vector.broadcast %add3A_222 : i32 to vector<16xi32>
        %add3A_224 = arith.addi %add3A_221, %add3A_223 : vector<16xi32>
        %sub3A_225 = vector.broadcast %mul3A_69 : i32 to vector<16xi32>
        %sub3A_226 = arith.subi %get3A_213, %sub3A_225 : vector<16xi32>
        %select_n3A_227 = arith.select %and3A_218, %sub3A_226, %add3A_224 : vector<16xi1>, vector<16xi32>
        %swap3A_228 = arith.index_cast %scan3A_119 : i32 to index
        %swap3A_229 = arith.constant 64 : index
        %swap3A_230 = tpu.vector_load %arg9[%swap3A_228, %swap3A_229] {strides = array<i32>} : memref<80x128xi32, #tpu.memory_space<vmem>>, vector<16xi32>,
        tpu.vector_store %arg9[%swap3A_228, %swap3A_229], %select_n3A_227 {strides = array<i32>} : memref<80x128xi32, #tpu.memory_space<vmem>>, vector<16xi32>,
        %mul3A_231 = arith.constant 128 : i32
        %mul3A_232 = arith.muli %scan3A_119, %mul3A_231 : i32
        %add3A_233 = arith.constant 80 : i32
        %add3A_234 = arith.addi %mul3A_232, %add3A_233 : i32
        %get3A_235 = arith.index_cast %add3A_234 : i32 to index
        %get3A_236 = tpu.vector_load %arg6[%get3A_235] {strides = array<i32>} : memref<10240xi32, #tpu.memory_space<vmem>>, vector<16xi32>,
        %ge3A_237 = vector.broadcast %mul3A_69 : i32 to vector<16xi32>
        %ge3A_238 = arith.cmpi sge, %get3A_236, %ge3A_237 : vector<16xi32>
        %lt3A_239 = vector.broadcast %min3A_72 : i32 to vector<16xi32>
        %lt3A_240 = arith.cmpi slt, %get3A_236, %lt3A_239 : vector<16xi32>
        %and3A_241 = arith.andi %ge3A_238, %lt3A_240 : vector<16xi1>
        %add3A_242 = arith.constant 800000 : i32
        %add3A_243 = vector.broadcast %add3A_242 : i32 to vector<16xi32>
        %add3A_244 = arith.addi %add3A_243, %iota3A : vector<16xi32>
        %add3A_245 = arith.constant 80 : i32
        %add3A_246 = vector.broadcast %add3A_245 : i32 to vector<16xi32>
        %add3A_247 = arith.addi %add3A_244, %add3A_246 : vector<16xi32>
        %sub3A_248 = vector.broadcast %mul3A_69 : i32 to vector<16xi32>
        %sub3A_249 = arith.subi %get3A_236, %sub3A_248 : vector<16xi32>
        %select_n3A_250 = arith.select %and3A_241, %sub3A_249, %add3A_247 : vector<16xi1>, vector<16xi32>
        %swap3A_251 = arith.index_cast %scan3A_119 : i32 to index
        %swap3A_252 = arith.constant 80 : index
        %swap3A_253 = tpu.vector_load %arg9[%swap3A_251, %swap3A_252] {strides = array<i32>} : memref<80x128xi32, #tpu.memory_space<vmem>>, vector<16xi32>,
        tpu.vector_store %arg9[%swap3A_251, %swap3A_252], %select_n3A_250 {strides = array<i32>} : memref<80x128xi32, #tpu.memory_space<vmem>>, vector<16xi32>,
        %mul3A_254 = arith.constant 128 : i32
        %mul3A_255 = arith.muli %scan3A_119, %mul3A_254 : i32
        %add3A_256 = arith.constant 96 : i32
        %add3A_257 = arith.addi %mul3A_255, %add3A_256 : i32
        %get3A_258 = arith.index_cast %add3A_257 : i32 to index
        %get3A_259 = tpu.vector_load %arg6[%get3A_258] {strides = array<i32>} : memref<10240xi32, #tpu.memory_space<vmem>>, vector<16xi32>,
        %ge3A_260 = vector.broadcast %mul3A_69 : i32 to vector<16xi32>
        %ge3A_261 = arith.cmpi sge, %get3A_259, %ge3A_260 : vector<16xi32>
        %lt3A_262 = vector.broadcast %min3A_72 : i32 to vector<16xi32>
        %lt3A_263 = arith.cmpi slt, %get3A_259, %lt3A_262 : vector<16xi32>
        %and3A_264 = arith.andi %ge3A_261, %lt3A_263 : vector<16xi1>
        %add3A_265 = arith.constant 800000 : i32
        %add3A_266 = vector.broadcast %add3A_265 : i32 to vector<16xi32>
        %add3A_267 = arith.addi %add3A_266, %iota3A : vector<16xi32>
        %add3A_268 = arith.constant 96 : i32
        %add3A_269 = vector.broadcast %add3A_268 : i32 to vector<16xi32>
        %add3A_270 = arith.addi %add3A_267, %add3A_269 : vector<16xi32>
        %sub3A_271 = vector.broadcast %mul3A_69 : i32 to vector<16xi32>
        %sub3A_272 = arith.subi %get3A_259, %sub3A_271 : vector<16xi32>
        %select_n3A_273 = arith.select %and3A_264, %sub3A_272, %add3A_270 : vector<16xi1>, vector<16xi32>
        %swap3A_274 = arith.index_cast %scan3A_119 : i32 to index
        %swap3A_275 = arith.constant 96 : index
        %swap3A_276 = tpu.vector_load %arg9[%swap3A_274, %swap3A_275] {strides = array<i32>} : memref<80x128xi32, #tpu.memory_space<vmem>>, vector<16xi32>,
        tpu.vector_store %arg9[%swap3A_274, %swap3A_275], %select_n3A_273 {strides = array<i32>} : memref<80x128xi32, #tpu.memory_space<vmem>>, vector<16xi32>,
        %mul3A_277 = arith.constant 128 : i32
        %mul3A_278 = arith.muli %scan3A_119, %mul3A_277 : i32
        %add3A_279 = arith.constant 112 : i32
        %add3A_280 = arith.addi %mul3A_278, %add3A_279 : i32
        %get3A_281 = arith.index_cast %add3A_280 : i32 to index
        %get3A_282 = tpu.vector_load %arg6[%get3A_281] {strides = array<i32>} : memref<10240xi32, #tpu.memory_space<vmem>>, vector<16xi32>,
        %ge3A_283 = vector.broadcast %mul3A_69 : i32 to vector<16xi32>
        %ge3A_284 = arith.cmpi sge, %get3A_282, %ge3A_283 : vector<16xi32>
        %lt3A_285 = vector.broadcast %min3A_72 : i32 to vector<16xi32>
        %lt3A_286 = arith.cmpi slt, %get3A_282, %lt3A_285 : vector<16xi32>
        %and3A_287 = arith.andi %ge3A_284, %lt3A_286 : vector<16xi1>
        %add3A_288 = arith.constant 800000 : i32
        %add3A_289 = vector.broadcast %add3A_288 : i32 to vector<16xi32>
        %add3A_290 = arith.addi %add3A_289, %iota3A : vector<16xi32>
        %add3A_291 = arith.constant 112 : i32
        %add3A_292 = vector.broadcast %add3A_291 : i32 to vector<16xi32>
        %add3A_293 = arith.addi %add3A_290, %add3A_292 : vector<16xi32>
        %sub3A_294 = vector.broadcast %mul3A_69 : i32 to vector<16xi32>
        %sub3A_295 = arith.subi %get3A_282, %sub3A_294 : vector<16xi32>
        %select_n3A_296 = arith.select %and3A_287, %sub3A_295, %add3A_293 : vector<16xi1>, vector<16xi32>
        %swap3A_297 = arith.index_cast %scan3A_119 : i32 to index
        %swap3A_298 = arith.constant 112 : index
        %swap3A_299 = tpu.vector_load %arg9[%swap3A_297, %swap3A_298] {strides = array<i32>} : memref<80x128xi32, #tpu.memory_space<vmem>>, vector<16xi32>,
        tpu.vector_store %arg9[%swap3A_297, %swap3A_298], %select_n3A_296 {strides = array<i32>} : memref<80x128xi32, #tpu.memory_space<vmem>>, vector<16xi32>,
        %scan3A_300 = arith.constant 0 : i32
        scf.yield %scan3A_300 : i32
      }
      %scan3A_79 = arith.constant 80 : i32
      %scan3A_80 = arith.constant 0 : i32
      %scan3A_81 = arith.constant 0 : i32
      %scan3A_82 = arith.constant 80 : i32
      %scan3A_83 = arith.addi %scan3A_81, %scan3A_82 : i32
      %scan3A_84 = arith.constant 1 : i32
      %scan3A_85 = scf.for %scan3A_119 = %scan3A_81 to %scan3A_83 step %scan3A_84 iter_args(%scan3A_120 = %scan3A_80) -> (i32)  : i32 {
        %mul3A_121 = arith.constant 128 : i32
        %mul3A_122 = arith.muli %scan3A_119, %mul3A_121 : i32
        %dma_start3A = tpu.memref_slice %arg8[%mul3A_122] : memref<10240xf32, #tpu.memory_space<vmem>> -> memref<128xf32, #tpu.memory_space<vmem>>
        %dma_start3A_123 = arith.constant 0 : i32
        %dma_start3A_124 = tpu.memref_slice %arg9[%scan3A_119, %dma_start3A_123] : memref<80x128xi32, #tpu.memory_space<vmem>> -> memref<1x128xi32, #tpu.memory_space<vmem>>
        %dma_start3A_125 = tpu.memref_squeeze %dma_start3A_124 : memref<1x128xi32, #tpu.memory_space<vmem>> -> memref<128xi32, #tpu.memory_space<vmem>>
        %dma_start3A_126 = arith.constant 0 : i32
        %dma_start3A_127 = tpu.memref_slice %arg13[%dma_start3A_126] : memref<800128xf32, #tpu.memory_space<vmem_shared>> -> memref<800128xf32, #tpu.memory_space<vmem_shared>>
        tpu.enqueue_indirect_dma source(%dma_start3A : memref<128xf32, #tpu.memory_space<vmem>>) target(%dma_start3A_127 : memref<800128xf32, #tpu.memory_space<vmem_shared>>) offsets(%dma_start3A_125 : memref<128xi32, #tpu.memory_space<vmem>>) semaphore(%arg14 : memref<!tpu.dma_semaphore, #tpu.memory_space<semaphore_mem>>) {add = true}
        %scan3A_128 = arith.constant 0 : i32
        scf.yield %scan3A_128 : i32
      }
      %scan3A_86 = arith.constant 80 : i32
      %scan3A_87 = arith.constant 0 : i32
      %scan3A_88 = arith.constant 0 : i32
      %scan3A_89 = arith.constant 80 : i32
      %scan3A_90 = arith.addi %scan3A_88, %scan3A_89 : i32
      %scan3A_91 = arith.constant 1 : i32
      %scan3A_92 = scf.for %scan3A_119 = %scan3A_88 to %scan3A_90 step %scan3A_91 iter_args(%scan3A_120 = %scan3A_87) -> (i32)  : i32 {
        %mul3A_121 = arith.constant 128 : i32
        %mul3A_122 = arith.muli %scan3A_119, %mul3A_121 : i32
        %dma_wait3A = tpu.memref_slice %arg8[%mul3A_122] : memref<10240xf32, #tpu.memory_space<vmem>> -> memref<128xf32, #tpu.memory_space<vmem>>
        %dma_wait3A_123 = arith.constant 0 : i32
        %dma_wait3A_124 = tpu.memref_slice %arg9[%scan3A_119, %dma_wait3A_123] : memref<80x128xi32, #tpu.memory_space<vmem>> -> memref<1x128xi32, #tpu.memory_space<vmem>>
        %dma_wait3A_125 = tpu.memref_squeeze %dma_wait3A_124 : memref<1x128xi32, #tpu.memory_space<vmem>> -> memref<128xi32, #tpu.memory_space<vmem>>
        %dma_wait3A_126 = arith.constant 0 : i32
        %dma_wait3A_127 = tpu.memref_slice %arg13[%dma_wait3A_126] : memref<800128xf32, #tpu.memory_space<vmem_shared>> -> memref<800128xf32, #tpu.memory_space<vmem_shared>>
        tpu.wait_indirect_dma semaphore(%arg14 : memref<!tpu.dma_semaphore, #tpu.memory_space<semaphore_mem>>) src(%dma_wait3A : memref<128xf32, #tpu.memory_space<vmem>>) dst(%dma_wait3A_127 : memref<800128xf32, #tpu.memory_space<vmem_shared>>)
        %scan3A_128 = arith.constant 0 : i32
        scf.yield %scan3A_128 : i32
      }
      %scan3A_93 = arith.constant 80 : i32
      %barrier3A_94 = arith.constant 0 : index
      tpu.barrier barrier_id(%barrier3A_94)
      %mul3A_95 = arith.constant 50000 : i32
      %mul3A_96 = arith.muli %arg1, %mul3A_95 : i32
      %mul3A_97 = arith.constant 50000 : i32
      %mul3A_98 = arith.muli %arg1, %mul3A_97 : i32
      %add3A_99 = arith.addi %mul3A_69, %mul3A_98 : i32
      %lt3A = arith.constant 10000 : i32
      %lt3A_100 = arith.cmpi slt, %mul3A_67, %lt3A : i32
      %convert_element_type3A = arith.extui %lt3A_100 : i1 to i32
      %cond3A = arith.constant 0 : i32
      %cond3A_101 = arith.cmpi ne, %convert_element_type3A, %cond3A : i32
      scf.if %cond3A_101 {
        %add3A_119 = arith.constant 0 : i32
        %add3A_120 = arith.addi %mul3A_96, %add3A_119 : i32
        "tpu.region"() ({
          %run_scoped3A = tpu.sem_alloc : memref<!tpu.dma_semaphore, #tpu.memory_space<semaphore_mem>>
          %dma_start3A_197 = tpu.memref_slice %arg13[%add3A_120] : memref<800128xf32, #tpu.memory_space<vmem_shared>> -> memref<5000xf32, #tpu.memory_space<vmem_shared>>
          %dma_start3A_198 = tpu.memref_slice %arg13[%add3A_120] : memref<800128xf32, #tpu.memory_space<vmem_shared>> -> memref<5000xf32, #tpu.memory_space<vmem_shared>>
          tpu.enqueue_dma source(%dma_start3A_198 : memref<5000xf32, #tpu.memory_space<vmem_shared>>) target(%arg11 : memref<5000xf32, #tpu.memory_space<vmem>>) target_semaphore(%run_scoped3A : memref<!tpu.dma_semaphore, #tpu.memory_space<semaphore_mem>>)
          %dma_wait3A_199 = tpu.memref_slice %arg13[%add3A_120] : memref<800128xf32, #tpu.memory_space<vmem_shared>> -> memref<5000xf32, #tpu.memory_space<vmem_shared>>
          %dma_wait3A_200 = tpu.memref_slice %arg13[%add3A_120] : memref<800128xf32, #tpu.memory_space<vmem_shared>> -> memref<5000xf32, #tpu.memory_space<vmem_shared>>
          tpu.wait_dma2 semaphore(%run_scoped3A : memref<!tpu.dma_semaphore, #tpu.memory_space<semaphore_mem>>) src(%dma_wait3A_200 : memref<5000xf32, #tpu.memory_space<vmem_shared>>) dst(%arg11 : memref<5000xf32, #tpu.memory_space<vmem>>)
          tpu.yield
        }) : () -> ()
        %add3A_121 = arith.constant 0 : i32
        %add3A_122 = arith.addi %add3A_99, %add3A_121 : i32
        %dma_start3A = tpu.memref_slice %arg5[%add3A_122] : memref<100000000xf32, #tpu.memory_space<hbm>> -> memref<5000xf32, #tpu.memory_space<hbm>>
        %dma_start3A_123 = tpu.memref_slice %arg5[%add3A_122] : memref<100000000xf32, #tpu.memory_space<hbm>> -> memref<5000xf32, #tpu.memory_space<hbm>>
        tpu.enqueue_dma source(%arg11 : memref<5000xf32, #tpu.memory_space<vmem>>) target(%dma_start3A_123 : memref<5000xf32, #tpu.memory_space<hbm>>) target_semaphore(%arg14 : memref<!tpu.dma_semaphore, #tpu.memory_space<semaphore_mem>>)
        %add3A_124 = arith.constant 5000 : i32
        %add3A_125 = arith.addi %mul3A_96, %add3A_124 : i32
        "tpu.region"() ({
          %run_scoped3A = tpu.sem_alloc : memref<!tpu.dma_semaphore, #tpu.memory_space<semaphore_mem>>
          %dma_start3A_197 = tpu.memref_slice %arg13[%add3A_125] : memref<800128xf32, #tpu.memory_space<vmem_shared>> -> memref<5000xf32, #tpu.memory_space<vmem_shared>>
          %dma_start3A_198 = tpu.memref_slice %arg13[%add3A_125] : memref<800128xf32, #tpu.memory_space<vmem_shared>> -> memref<5000xf32, #tpu.memory_space<vmem_shared>>
          tpu.enqueue_dma source(%dma_start3A_198 : memref<5000xf32, #tpu.memory_space<vmem_shared>>) target(%arg12 : memref<5000xf32, #tpu.memory_space<vmem>>) target_semaphore(%run_scoped3A : memref<!tpu.dma_semaphore, #tpu.memory_space<semaphore_mem>>)
          %dma_wait3A_199 = tpu.memref_slice %arg13[%add3A_125] : memref<800128xf32, #tpu.memory_space<vmem_shared>> -> memref<5000xf32, #tpu.memory_space<vmem_shared>>
          %dma_wait3A_200 = tpu.memref_slice %arg13[%add3A_125] : memref<800128xf32, #tpu.memory_space<vmem_shared>> -> memref<5000xf32, #tpu.memory_space<vmem_shared>>
          tpu.wait_dma2 semaphore(%run_scoped3A : memref<!tpu.dma_semaphore, #tpu.memory_space<semaphore_mem>>) src(%dma_wait3A_200 : memref<5000xf32, #tpu.memory_space<vmem_shared>>) dst(%arg12 : memref<5000xf32, #tpu.memory_space<vmem>>)
          tpu.yield
        }) : () -> ()
        %add3A_126 = arith.constant 5000 : i32
        %add3A_127 = arith.addi %add3A_99, %add3A_126 : i32
        %dma_start3A_128 = tpu.memref_slice %arg5[%add3A_127] : memref<100000000xf32, #tpu.memory_space<hbm>> -> memref<5000xf32, #tpu.memory_space<hbm>>
        %dma_start3A_129 = tpu.memref_slice %arg5[%add3A_127] : memref<100000000xf32, #tpu.memory_space<hbm>> -> memref<5000xf32, #tpu.memory_space<hbm>>
        tpu.enqueue_dma source(%arg12 : memref<5000xf32, #tpu.memory_space<vmem>>) target(%dma_start3A_129 : memref<5000xf32, #tpu.memory_space<hbm>>) target_semaphore(%arg15 : memref<!tpu.dma_semaphore, #tpu.memory_space<semaphore_mem>>)
        %dma_wait3A = tpu.memref_slice %arg5[%add3A_122] : memref<100000000xf32, #tpu.memory_space<hbm>> -> memref<5000xf32, #tpu.memory_space<hbm>>
        %dma_wait3A_130 = tpu.memref_slice %arg5[%add3A_122] : memref<100000000xf32, #tpu.memory_space<hbm>> -> memref<5000xf32, #tpu.memory_space<hbm>>
        tpu.wait_dma2 semaphore(%arg14 : memref<!tpu.dma_semaphore, #tpu.memory_space<semaphore_mem>>) src(%arg11 : memref<5000xf32, #tpu.memory_space<vmem>>) dst(%dma_wait3A_130 : memref<5000xf32, #tpu.memory_space<hbm>>)
        %add3A_131 = arith.constant 10000 : i32
        %add3A_132 = arith.addi %mul3A_96, %add3A_131 : i32
        "tpu.region"() ({
          %run_scoped3A = tpu.sem_alloc : memref<!tpu.dma_semaphore, #tpu.memory_space<semaphore_mem>>
          %dma_start3A_197 = tpu.memref_slice %arg13[%add3A_132] : memref<800128xf32, #tpu.memory_space<vmem_shared>> -> memref<5000xf32, #tpu.memory_space<vmem_shared>>
          %dma_start3A_198 = tpu.memref_slice %arg13[%add3A_132] : memref<800128xf32, #tpu.memory_space<vmem_shared>> -> memref<5000xf32, #tpu.memory_space<vmem_shared>>
          tpu.enqueue_dma source(%dma_start3A_198 : memref<5000xf32, #tpu.memory_space<vmem_shared>>) target(%arg11 : memref<5000xf32, #tpu.memory_space<vmem>>) target_semaphore(%run_scoped3A : memref<!tpu.dma_semaphore, #tpu.memory_space<semaphore_mem>>)
          %dma_wait3A_199 = tpu.memref_slice %arg13[%add3A_132] : memref<800128xf32, #tpu.memory_space<vmem_shared>> -> memref<5000xf32, #tpu.memory_space<vmem_shared>>
          %dma_wait3A_200 = tpu.memref_slice %arg13[%add3A_132] : memref<800128xf32, #tpu.memory_space<vmem_shared>> -> memref<5000xf32, #tpu.memory_space<vmem_shared>>
          tpu.wait_dma2 semaphore(%run_scoped3A : memref<!tpu.dma_semaphore, #tpu.memory_space<semaphore_mem>>) src(%dma_wait3A_200 : memref<5000xf32, #tpu.memory_space<vmem_shared>>) dst(%arg11 : memref<5000xf32, #tpu.memory_space<vmem>>)
          tpu.yield
        }) : () -> ()
        %add3A_133 = arith.constant 10000 : i32
        %add3A_134 = arith.addi %add3A_99, %add3A_133 : i32
        %dma_start3A_135 = tpu.memref_slice %arg5[%add3A_134] : memref<100000000xf32, #tpu.memory_space<hbm>> -> memref<5000xf32, #tpu.memory_space<hbm>>
        %dma_start3A_136 = tpu.memref_slice %arg5[%add3A_134] : memref<100000000xf32, #tpu.memory_space<hbm>> -> memref<5000xf32, #tpu.memory_space<hbm>>
        tpu.enqueue_dma source(%arg11 : memref<5000xf32, #tpu.memory_space<vmem>>) target(%dma_start3A_136 : memref<5000xf32, #tpu.memory_space<hbm>>) target_semaphore(%arg14 : memref<!tpu.dma_semaphore, #tpu.memory_space<semaphore_mem>>)
        %dma_wait3A_137 = tpu.memref_slice %arg5[%add3A_127] : memref<100000000xf32, #tpu.memory_space<hbm>> -> memref<5000xf32, #tpu.memory_space<hbm>>
        %dma_wait3A_138 = tpu.memref_slice %arg5[%add3A_127] : memref<100000000xf32, #tpu.memory_space<hbm>> -> memref<5000xf32, #tpu.memory_space<hbm>>
        tpu.wait_dma2 semaphore(%arg15 : memref<!tpu.dma_semaphore, #tpu.memory_space<semaphore_mem>>) src(%arg12 : memref<5000xf32, #tpu.memory_space<vmem>>) dst(%dma_wait3A_138 : memref<5000xf32, #tpu.memory_space<hbm>>)
        %add3A_139 = arith.constant 15000 : i32
        %add3A_140 = arith.addi %mul3A_96, %add3A_139 : i32
        "tpu.region"() ({
          %run_scoped3A = tpu.sem_alloc : memref<!tpu.dma_semaphore, #tpu.memory_space<semaphore_mem>>
          %dma_start3A_197 = tpu.memref_slice %arg13[%add3A_140] : memref<800128xf32, #tpu.memory_space<vmem_shared>> -> memref<5000xf32, #tpu.memory_space<vmem_shared>>
          %dma_start3A_198 = tpu.memref_slice %arg13[%add3A_140] : memref<800128xf32, #tpu.memory_space<vmem_shared>> -> memref<5000xf32, #tpu.memory_space<vmem_shared>>
          tpu.enqueue_dma source(%dma_start3A_198 : memref<5000xf32, #tpu.memory_space<vmem_shared>>) target(%arg12 : memref<5000xf32, #tpu.memory_space<vmem>>) target_semaphore(%run_scoped3A : memref<!tpu.dma_semaphore, #tpu.memory_space<semaphore_mem>>)
          %dma_wait3A_199 = tpu.memref_slice %arg13[%add3A_140] : memref<800128xf32, #tpu.memory_space<vmem_shared>> -> memref<5000xf32, #tpu.memory_space<vmem_shared>>
          %dma_wait3A_200 = tpu.memref_slice %arg13[%add3A_140] : memref<800128xf32, #tpu.memory_space<vmem_shared>> -> memref<5000xf32, #tpu.memory_space<vmem_shared>>
          tpu.wait_dma2 semaphore(%run_scoped3A : memref<!tpu.dma_semaphore, #tpu.memory_space<semaphore_mem>>) src(%dma_wait3A_200 : memref<5000xf32, #tpu.memory_space<vmem_shared>>) dst(%arg12 : memref<5000xf32, #tpu.memory_space<vmem>>)
          tpu.yield
        }) : () -> ()
        %add3A_141 = arith.constant 15000 : i32
        %add3A_142 = arith.addi %add3A_99, %add3A_141 : i32
        %dma_start3A_143 = tpu.memref_slice %arg5[%add3A_142] : memref<100000000xf32, #tpu.memory_space<hbm>> -> memref<5000xf32, #tpu.memory_space<hbm>>
        %dma_start3A_144 = tpu.memref_slice %arg5[%add3A_142] : memref<100000000xf32, #tpu.memory_space<hbm>> -> memref<5000xf32, #tpu.memory_space<hbm>>
        tpu.enqueue_dma source(%arg12 : memref<5000xf32, #tpu.memory_space<vmem>>) target(%dma_start3A_144 : memref<5000xf32, #tpu.memory_space<hbm>>) target_semaphore(%arg15 : memref<!tpu.dma_semaphore, #tpu.memory_space<semaphore_mem>>)
        %dma_wait3A_145 = tpu.memref_slice %arg5[%add3A_134] : memref<100000000xf32, #tpu.memory_space<hbm>> -> memref<5000xf32, #tpu.memory_space<hbm>>
        %dma_wait3A_146 = tpu.memref_slice %arg5[%add3A_134] : memref<100000000xf32, #tpu.memory_space<hbm>> -> memref<5000xf32, #tpu.memory_space<hbm>>
        tpu.wait_dma2 semaphore(%arg14 : memref<!tpu.dma_semaphore, #tpu.memory_space<semaphore_mem>>) src(%arg11 : memref<5000xf32, #tpu.memory_space<vmem>>) dst(%dma_wait3A_146 : memref<5000xf32, #tpu.memory_space<hbm>>)
        %add3A_147 = arith.constant 20000 : i32
        %add3A_148 = arith.addi %mul3A_96, %add3A_147 : i32
        "tpu.region"() ({
          %run_scoped3A = tpu.sem_alloc : memref<!tpu.dma_semaphore, #tpu.memory_space<semaphore_mem>>
          %dma_start3A_197 = tpu.memref_slice %arg13[%add3A_148] : memref<800128xf32, #tpu.memory_space<vmem_shared>> -> memref<5000xf32, #tpu.memory_space<vmem_shared>>
          %dma_start3A_198 = tpu.memref_slice %arg13[%add3A_148] : memref<800128xf32, #tpu.memory_space<vmem_shared>> -> memref<5000xf32, #tpu.memory_space<vmem_shared>>
          tpu.enqueue_dma source(%dma_start3A_198 : memref<5000xf32, #tpu.memory_space<vmem_shared>>) target(%arg11 : memref<5000xf32, #tpu.memory_space<vmem>>) target_semaphore(%run_scoped3A : memref<!tpu.dma_semaphore, #tpu.memory_space<semaphore_mem>>)
          %dma_wait3A_199 = tpu.memref_slice %arg13[%add3A_148] : memref<800128xf32, #tpu.memory_space<vmem_shared>> -> memref<5000xf32, #tpu.memory_space<vmem_shared>>
          %dma_wait3A_200 = tpu.memref_slice %arg13[%add3A_148] : memref<800128xf32, #tpu.memory_space<vmem_shared>> -> memref<5000xf32, #tpu.memory_space<vmem_shared>>
          tpu.wait_dma2 semaphore(%run_scoped3A : memref<!tpu.dma_semaphore, #tpu.memory_space<semaphore_mem>>) src(%dma_wait3A_200 : memref<5000xf32, #tpu.memory_space<vmem_shared>>) dst(%arg11 : memref<5000xf32, #tpu.memory_space<vmem>>)
          tpu.yield
        }) : () -> ()
        %add3A_149 = arith.constant 20000 : i32
        %add3A_150 = arith.addi %add3A_99, %add3A_149 : i32
        %dma_start3A_151 = tpu.memref_slice %arg5[%add3A_150] : memref<100000000xf32, #tpu.memory_space<hbm>> -> memref<5000xf32, #tpu.memory_space<hbm>>
        %dma_start3A_152 = tpu.memref_slice %arg5[%add3A_150] : memref<100000000xf32, #tpu.memory_space<hbm>> -> memref<5000xf32, #tpu.memory_space<hbm>>
        tpu.enqueue_dma source(%arg11 : memref<5000xf32, #tpu.memory_space<vmem>>) target(%dma_start3A_152 : memref<5000xf32, #tpu.memory_space<hbm>>) target_semaphore(%arg14 : memref<!tpu.dma_semaphore, #tpu.memory_space<semaphore_mem>>)
        %dma_wait3A_153 = tpu.memref_slice %arg5[%add3A_142] : memref<100000000xf32, #tpu.memory_space<hbm>> -> memref<5000xf32, #tpu.memory_space<hbm>>
        %dma_wait3A_154 = tpu.memref_slice %arg5[%add3A_142] : memref<100000000xf32, #tpu.memory_space<hbm>> -> memref<5000xf32, #tpu.memory_space<hbm>>
        tpu.wait_dma2 semaphore(%arg15 : memref<!tpu.dma_semaphore, #tpu.memory_space<semaphore_mem>>) src(%arg12 : memref<5000xf32, #tpu.memory_space<vmem>>) dst(%dma_wait3A_154 : memref<5000xf32, #tpu.memory_space<hbm>>)
        %add3A_155 = arith.constant 25000 : i32
        %add3A_156 = arith.addi %mul3A_96, %add3A_155 : i32
        "tpu.region"() ({
          %run_scoped3A = tpu.sem_alloc : memref<!tpu.dma_semaphore, #tpu.memory_space<semaphore_mem>>
          %dma_start3A_197 = tpu.memref_slice %arg13[%add3A_156] : memref<800128xf32, #tpu.memory_space<vmem_shared>> -> memref<5000xf32, #tpu.memory_space<vmem_shared>>
          %dma_start3A_198 = tpu.memref_slice %arg13[%add3A_156] : memref<800128xf32, #tpu.memory_space<vmem_shared>> -> memref<5000xf32, #tpu.memory_space<vmem_shared>>
          tpu.enqueue_dma source(%dma_start3A_198 : memref<5000xf32, #tpu.memory_space<vmem_shared>>) target(%arg12 : memref<5000xf32, #tpu.memory_space<vmem>>) target_semaphore(%run_scoped3A : memref<!tpu.dma_semaphore, #tpu.memory_space<semaphore_mem>>)
          %dma_wait3A_199 = tpu.memref_slice %arg13[%add3A_156] : memref<800128xf32, #tpu.memory_space<vmem_shared>> -> memref<5000xf32, #tpu.memory_space<vmem_shared>>
          %dma_wait3A_200 = tpu.memref_slice %arg13[%add3A_156] : memref<800128xf32, #tpu.memory_space<vmem_shared>> -> memref<5000xf32, #tpu.memory_space<vmem_shared>>
          tpu.wait_dma2 semaphore(%run_scoped3A : memref<!tpu.dma_semaphore, #tpu.memory_space<semaphore_mem>>) src(%dma_wait3A_200 : memref<5000xf32, #tpu.memory_space<vmem_shared>>) dst(%arg12 : memref<5000xf32, #tpu.memory_space<vmem>>)
          tpu.yield
        }) : () -> ()
        %add3A_157 = arith.constant 25000 : i32
        %add3A_158 = arith.addi %add3A_99, %add3A_157 : i32
        %dma_start3A_159 = tpu.memref_slice %arg5[%add3A_158] : memref<100000000xf32, #tpu.memory_space<hbm>> -> memref<5000xf32, #tpu.memory_space<hbm>>
        %dma_start3A_160 = tpu.memref_slice %arg5[%add3A_158] : memref<100000000xf32, #tpu.memory_space<hbm>> -> memref<5000xf32, #tpu.memory_space<hbm>>
        tpu.enqueue_dma source(%arg12 : memref<5000xf32, #tpu.memory_space<vmem>>) target(%dma_start3A_160 : memref<5000xf32, #tpu.memory_space<hbm>>) target_semaphore(%arg15 : memref<!tpu.dma_semaphore, #tpu.memory_space<semaphore_mem>>)
        %dma_wait3A_161 = tpu.memref_slice %arg5[%add3A_150] : memref<100000000xf32, #tpu.memory_space<hbm>> -> memref<5000xf32, #tpu.memory_space<hbm>>
        %dma_wait3A_162 = tpu.memref_slice %arg5[%add3A_150] : memref<100000000xf32, #tpu.memory_space<hbm>> -> memref<5000xf32, #tpu.memory_space<hbm>>
        tpu.wait_dma2 semaphore(%arg14 : memref<!tpu.dma_semaphore, #tpu.memory_space<semaphore_mem>>) src(%arg11 : memref<5000xf32, #tpu.memory_space<vmem>>) dst(%dma_wait3A_162 : memref<5000xf32, #tpu.memory_space<hbm>>)
        %add3A_163 = arith.constant 30000 : i32
        %add3A_164 = arith.addi %mul3A_96, %add3A_163 : i32
        "tpu.region"() ({
          %run_scoped3A = tpu.sem_alloc : memref<!tpu.dma_semaphore, #tpu.memory_space<semaphore_mem>>
          %dma_start3A_197 = tpu.memref_slice %arg13[%add3A_164] : memref<800128xf32, #tpu.memory_space<vmem_shared>> -> memref<5000xf32, #tpu.memory_space<vmem_shared>>
          %dma_start3A_198 = tpu.memref_slice %arg13[%add3A_164] : memref<800128xf32, #tpu.memory_space<vmem_shared>> -> memref<5000xf32, #tpu.memory_space<vmem_shared>>
          tpu.enqueue_dma source(%dma_start3A_198 : memref<5000xf32, #tpu.memory_space<vmem_shared>>) target(%arg11 : memref<5000xf32, #tpu.memory_space<vmem>>) target_semaphore(%run_scoped3A : memref<!tpu.dma_semaphore, #tpu.memory_space<semaphore_mem>>)
          %dma_wait3A_199 = tpu.memref_slice %arg13[%add3A_164] : memref<800128xf32, #tpu.memory_space<vmem_shared>> -> memref<5000xf32, #tpu.memory_space<vmem_shared>>
          %dma_wait3A_200 = tpu.memref_slice %arg13[%add3A_164] : memref<800128xf32, #tpu.memory_space<vmem_shared>> -> memref<5000xf32, #tpu.memory_space<vmem_shared>>
          tpu.wait_dma2 semaphore(%run_scoped3A : memref<!tpu.dma_semaphore, #tpu.memory_space<semaphore_mem>>) src(%dma_wait3A_200 : memref<5000xf32, #tpu.memory_space<vmem_shared>>) dst(%arg11 : memref<5000xf32, #tpu.memory_space<vmem>>)
          tpu.yield
        }) : () -> ()
        %add3A_165 = arith.constant 30000 : i32
        %add3A_166 = arith.addi %add3A_99, %add3A_165 : i32
        %dma_start3A_167 = tpu.memref_slice %arg5[%add3A_166] : memref<100000000xf32, #tpu.memory_space<hbm>> -> memref<5000xf32, #tpu.memory_space<hbm>>
        %dma_start3A_168 = tpu.memref_slice %arg5[%add3A_166] : memref<100000000xf32, #tpu.memory_space<hbm>> -> memref<5000xf32, #tpu.memory_space<hbm>>
        tpu.enqueue_dma source(%arg11 : memref<5000xf32, #tpu.memory_space<vmem>>) target(%dma_start3A_168 : memref<5000xf32, #tpu.memory_space<hbm>>) target_semaphore(%arg14 : memref<!tpu.dma_semaphore, #tpu.memory_space<semaphore_mem>>)
        %dma_wait3A_169 = tpu.memref_slice %arg5[%add3A_158] : memref<100000000xf32, #tpu.memory_space<hbm>> -> memref<5000xf32, #tpu.memory_space<hbm>>
        %dma_wait3A_170 = tpu.memref_slice %arg5[%add3A_158] : memref<100000000xf32, #tpu.memory_space<hbm>> -> memref<5000xf32, #tpu.memory_space<hbm>>
        tpu.wait_dma2 semaphore(%arg15 : memref<!tpu.dma_semaphore, #tpu.memory_space<semaphore_mem>>) src(%arg12 : memref<5000xf32, #tpu.memory_space<vmem>>) dst(%dma_wait3A_170 : memref<5000xf32, #tpu.memory_space<hbm>>)
        %add3A_171 = arith.constant 35000 : i32
        %add3A_172 = arith.addi %mul3A_96, %add3A_171 : i32
        "tpu.region"() ({
          %run_scoped3A = tpu.sem_alloc : memref<!tpu.dma_semaphore, #tpu.memory_space<semaphore_mem>>
          %dma_start3A_197 = tpu.memref_slice %arg13[%add3A_172] : memref<800128xf32, #tpu.memory_space<vmem_shared>> -> memref<5000xf32, #tpu.memory_space<vmem_shared>>
          %dma_start3A_198 = tpu.memref_slice %arg13[%add3A_172] : memref<800128xf32, #tpu.memory_space<vmem_shared>> -> memref<5000xf32, #tpu.memory_space<vmem_shared>>
          tpu.enqueue_dma source(%dma_start3A_198 : memref<5000xf32, #tpu.memory_space<vmem_shared>>) target(%arg12 : memref<5000xf32, #tpu.memory_space<vmem>>) target_semaphore(%run_scoped3A : memref<!tpu.dma_semaphore, #tpu.memory_space<semaphore_mem>>)
          %dma_wait3A_199 = tpu.memref_slice %arg13[%add3A_172] : memref<800128xf32, #tpu.memory_space<vmem_shared>> -> memref<5000xf32, #tpu.memory_space<vmem_shared>>
          %dma_wait3A_200 = tpu.memref_slice %arg13[%add3A_172] : memref<800128xf32, #tpu.memory_space<vmem_shared>> -> memref<5000xf32, #tpu.memory_space<vmem_shared>>
          tpu.wait_dma2 semaphore(%run_scoped3A : memref<!tpu.dma_semaphore, #tpu.memory_space<semaphore_mem>>) src(%dma_wait3A_200 : memref<5000xf32, #tpu.memory_space<vmem_shared>>) dst(%arg12 : memref<5000xf32, #tpu.memory_space<vmem>>)
          tpu.yield
        }) : () -> ()
        %add3A_173 = arith.constant 35000 : i32
        %add3A_174 = arith.addi %add3A_99, %add3A_173 : i32
        %dma_start3A_175 = tpu.memref_slice %arg5[%add3A_174] : memref<100000000xf32, #tpu.memory_space<hbm>> -> memref<5000xf32, #tpu.memory_space<hbm>>
        %dma_start3A_176 = tpu.memref_slice %arg5[%add3A_174] : memref<100000000xf32, #tpu.memory_space<hbm>> -> memref<5000xf32, #tpu.memory_space<hbm>>
        tpu.enqueue_dma source(%arg12 : memref<5000xf32, #tpu.memory_space<vmem>>) target(%dma_start3A_176 : memref<5000xf32, #tpu.memory_space<hbm>>) target_semaphore(%arg15 : memref<!tpu.dma_semaphore, #tpu.memory_space<semaphore_mem>>)
        %dma_wait3A_177 = tpu.memref_slice %arg5[%add3A_166] : memref<100000000xf32, #tpu.memory_space<hbm>> -> memref<5000xf32, #tpu.memory_space<hbm>>
        %dma_wait3A_178 = tpu.memref_slice %arg5[%add3A_166] : memref<100000000xf32, #tpu.memory_space<hbm>> -> memref<5000xf32, #tpu.memory_space<hbm>>
        tpu.wait_dma2 semaphore(%arg14 : memref<!tpu.dma_semaphore, #tpu.memory_space<semaphore_mem>>) src(%arg11 : memref<5000xf32, #tpu.memory_space<vmem>>) dst(%dma_wait3A_178 : memref<5000xf32, #tpu.memory_space<hbm>>)
        %add3A_179 = arith.constant 40000 : i32
        %add3A_180 = arith.addi %mul3A_96, %add3A_179 : i32
        "tpu.region"() ({
          %run_scoped3A = tpu.sem_alloc : memref<!tpu.dma_semaphore, #tpu.memory_space<semaphore_mem>>
          %dma_start3A_197 = tpu.memref_slice %arg13[%add3A_180] : memref<800128xf32, #tpu.memory_space<vmem_shared>> -> memref<5000xf32, #tpu.memory_space<vmem_shared>>
          %dma_start3A_198 = tpu.memref_slice %arg13[%add3A_180] : memref<800128xf32, #tpu.memory_space<vmem_shared>> -> memref<5000xf32, #tpu.memory_space<vmem_shared>>
          tpu.enqueue_dma source(%dma_start3A_198 : memref<5000xf32, #tpu.memory_space<vmem_shared>>) target(%arg11 : memref<5000xf32, #tpu.memory_space<vmem>>) target_semaphore(%run_scoped3A : memref<!tpu.dma_semaphore, #tpu.memory_space<semaphore_mem>>)
          %dma_wait3A_199 = tpu.memref_slice %arg13[%add3A_180] : memref<800128xf32, #tpu.memory_space<vmem_shared>> -> memref<5000xf32, #tpu.memory_space<vmem_shared>>
          %dma_wait3A_200 = tpu.memref_slice %arg13[%add3A_180] : memref<800128xf32, #tpu.memory_space<vmem_shared>> -> memref<5000xf32, #tpu.memory_space<vmem_shared>>
          tpu.wait_dma2 semaphore(%run_scoped3A : memref<!tpu.dma_semaphore, #tpu.memory_space<semaphore_mem>>) src(%dma_wait3A_200 : memref<5000xf32, #tpu.memory_space<vmem_shared>>) dst(%arg11 : memref<5000xf32, #tpu.memory_space<vmem>>)
          tpu.yield
        }) : () -> ()
        %add3A_181 = arith.constant 40000 : i32
        %add3A_182 = arith.addi %add3A_99, %add3A_181 : i32
        %dma_start3A_183 = tpu.memref_slice %arg5[%add3A_182] : memref<100000000xf32, #tpu.memory_space<hbm>> -> memref<5000xf32, #tpu.memory_space<hbm>>
        %dma_start3A_184 = tpu.memref_slice %arg5[%add3A_182] : memref<100000000xf32, #tpu.memory_space<hbm>> -> memref<5000xf32, #tpu.memory_space<hbm>>
        tpu.enqueue_dma source(%arg11 : memref<5000xf32, #tpu.memory_space<vmem>>) target(%dma_start3A_184 : memref<5000xf32, #tpu.memory_space<hbm>>) target_semaphore(%arg14 : memref<!tpu.dma_semaphore, #tpu.memory_space<semaphore_mem>>)
        %dma_wait3A_185 = tpu.memref_slice %arg5[%add3A_174] : memref<100000000xf32, #tpu.memory_space<hbm>> -> memref<5000xf32, #tpu.memory_space<hbm>>
        %dma_wait3A_186 = tpu.memref_slice %arg5[%add3A_174] : memref<100000000xf32, #tpu.memory_space<hbm>> -> memref<5000xf32, #tpu.memory_space<hbm>>
        tpu.wait_dma2 semaphore(%arg15 : memref<!tpu.dma_semaphore, #tpu.memory_space<semaphore_mem>>) src(%arg12 : memref<5000xf32, #tpu.memory_space<vmem>>) dst(%dma_wait3A_186 : memref<5000xf32, #tpu.memory_space<hbm>>)
        %add3A_187 = arith.constant 45000 : i32
        %add3A_188 = arith.addi %mul3A_96, %add3A_187 : i32
        "tpu.region"() ({
          %run_scoped3A = tpu.sem_alloc : memref<!tpu.dma_semaphore, #tpu.memory_space<semaphore_mem>>
          %dma_start3A_197 = tpu.memref_slice %arg13[%add3A_188] : memref<800128xf32, #tpu.memory_space<vmem_shared>> -> memref<5000xf32, #tpu.memory_space<vmem_shared>>
          %dma_start3A_198 = tpu.memref_slice %arg13[%add3A_188] : memref<800128xf32, #tpu.memory_space<vmem_shared>> -> memref<5000xf32, #tpu.memory_space<vmem_shared>>
          tpu.enqueue_dma source(%dma_start3A_198 : memref<5000xf32, #tpu.memory_space<vmem_shared>>) target(%arg12 : memref<5000xf32, #tpu.memory_space<vmem>>) target_semaphore(%run_scoped3A : memref<!tpu.dma_semaphore, #tpu.memory_space<semaphore_mem>>)
          %dma_wait3A_199 = tpu.memref_slice %arg13[%add3A_188] : memref<800128xf32, #tpu.memory_space<vmem_shared>> -> memref<5000xf32, #tpu.memory_space<vmem_shared>>
          %dma_wait3A_200 = tpu.memref_slice %arg13[%add3A_188] : memref<800128xf32, #tpu.memory_space<vmem_shared>> -> memref<5000xf32, #tpu.memory_space<vmem_shared>>
          tpu.wait_dma2 semaphore(%run_scoped3A : memref<!tpu.dma_semaphore, #tpu.memory_space<semaphore_mem>>) src(%dma_wait3A_200 : memref<5000xf32, #tpu.memory_space<vmem_shared>>) dst(%arg12 : memref<5000xf32, #tpu.memory_space<vmem>>)
          tpu.yield
        }) : () -> ()
        %add3A_189 = arith.constant 45000 : i32
        %add3A_190 = arith.addi %add3A_99, %add3A_189 : i32
        %dma_start3A_191 = tpu.memref_slice %arg5[%add3A_190] : memref<100000000xf32, #tpu.memory_space<hbm>> -> memref<5000xf32, #tpu.memory_space<hbm>>
        %dma_start3A_192 = tpu.memref_slice %arg5[%add3A_190] : memref<100000000xf32, #tpu.memory_space<hbm>> -> memref<5000xf32, #tpu.memory_space<hbm>>
        tpu.enqueue_dma source(%arg12 : memref<5000xf32, #tpu.memory_space<vmem>>) target(%dma_start3A_192 : memref<5000xf32, #tpu.memory_space<hbm>>) target_semaphore(%arg15 : memref<!tpu.dma_semaphore, #tpu.memory_space<semaphore_mem>>)
        %dma_wait3A_193 = tpu.memref_slice %arg5[%add3A_182] : memref<100000000xf32, #tpu.memory_space<hbm>> -> memref<5000xf32, #tpu.memory_space<hbm>>
        %dma_wait3A_194 = tpu.memref_slice %arg5[%add3A_182] : memref<100000000xf32, #tpu.memory_space<hbm>> -> memref<5000xf32, #tpu.memory_space<hbm>>
        tpu.wait_dma2 semaphore(%arg14 : memref<!tpu.dma_semaphore, #tpu.memory_space<semaphore_mem>>) src(%arg11 : memref<5000xf32, #tpu.memory_space<vmem>>) dst(%dma_wait3A_194 : memref<5000xf32, #tpu.memory_space<hbm>>)
        %dma_wait3A_195 = tpu.memref_slice %arg5[%add3A_190] : memref<100000000xf32, #tpu.memory_space<hbm>> -> memref<5000xf32, #tpu.memory_space<hbm>>
        %dma_wait3A_196 = tpu.memref_slice %arg5[%add3A_190] : memref<100000000xf32, #tpu.memory_space<hbm>> -> memref<5000xf32, #tpu.memory_space<hbm>>
        tpu.wait_dma2 semaphore(%arg15 : memref<!tpu.dma_semaphore, #tpu.memory_space<semaphore_mem>>) src(%arg12 : memref<5000xf32, #tpu.memory_space<vmem>>) dst(%dma_wait3A_196 : memref<5000xf32, #tpu.memory_space<hbm>>)
      } else {
      }
      %barrier3A_102 = arith.constant 0 : index
      tpu.barrier barrier_id(%barrier3A_102)
      %scan3A_103 = arith.constant 0 : i32
      %scan3A_104 = arith.constant 0 : i32
      %scan3A_105 = arith.constant 80 : i32
      %scan3A_106 = arith.addi %scan3A_104, %scan3A_105 : i32
      %scan3A_107 = arith.constant 1 : i32
      %scan3A_108 = scf.for %scan3A_119 = %scan3A_104 to %scan3A_106 step %scan3A_107 iter_args(%scan3A_120 = %scan3A_103) -> (i32)  : i32 {
        %dma_start3A = arith.constant 0 : i32
        %dma_start3A_121 = tpu.memref_slice %arg10[%dma_start3A] : memref<5120xf32, #tpu.memory_space<vmem>> -> memref<128xf32, #tpu.memory_space<vmem>>
        %dma_start3A_122 = arith.constant 0 : i32
        %dma_start3A_123 = tpu.memref_slice %arg9[%scan3A_119, %dma_start3A_122] : memref<80x128xi32, #tpu.memory_space<vmem>> -> memref<1x128xi32, #tpu.memory_space<vmem>>
        %dma_start3A_124 = tpu.memref_squeeze %dma_start3A_123 : memref<1x128xi32, #tpu.memory_space<vmem>> -> memref<128xi32, #tpu.memory_space<vmem>>
        %dma_start3A_125 = arith.constant 0 : i32
        %dma_start3A_126 = tpu.memref_slice %arg13[%dma_start3A_125] : memref<800128xf32, #tpu.memory_space<vmem_shared>> -> memref<800128xf32, #tpu.memory_space<vmem_shared>>
        tpu.enqueue_indirect_dma source(%dma_start3A_121 : memref<128xf32, #tpu.memory_space<vmem>>) target(%dma_start3A_126 : memref<800128xf32, #tpu.memory_space<vmem_shared>>) offsets(%dma_start3A_124 : memref<128xi32, #tpu.memory_space<vmem>>) semaphore(%arg15 : memref<!tpu.dma_semaphore, #tpu.memory_space<semaphore_mem>>)
        %scan3A_127 = arith.constant 0 : i32
        scf.yield %scan3A_127 : i32
      }
      %scan3A_109 = arith.constant 80 : i32
      %scan3A_110 = arith.constant 0 : i32
      %scan3A_111 = arith.constant 0 : i32
      %scan3A_112 = arith.constant 80 : i32
      %scan3A_113 = arith.addi %scan3A_111, %scan3A_112 : i32
      %scan3A_114 = arith.constant 1 : i32
      %scan3A_115 = scf.for %scan3A_119 = %scan3A_111 to %scan3A_113 step %scan3A_114 iter_args(%scan3A_120 = %scan3A_110) -> (i32)  : i32 {
        %dma_wait3A = arith.constant 0 : i32
        %dma_wait3A_121 = tpu.memref_slice %arg10[%dma_wait3A] : memref<5120xf32, #tpu.memory_space<vmem>> -> memref<128xf32, #tpu.memory_space<vmem>>
        %dma_wait3A_122 = arith.constant 0 : i32
        %dma_wait3A_123 = tpu.memref_slice %arg9[%scan3A_119, %dma_wait3A_122] : memref<80x128xi32, #tpu.memory_space<vmem>> -> memref<1x128xi32, #tpu.memory_space<vmem>>
        %dma_wait3A_124 = tpu.memref_squeeze %dma_wait3A_123 : memref<1x128xi32, #tpu.memory_space<vmem>> -> memref<128xi32, #tpu.memory_space<vmem>>
        %dma_wait3A_125 = arith.constant 0 : i32
        %dma_wait3A_126 = tpu.memref_slice %arg13[%dma_wait3A_125] : memref<800128xf32, #tpu.memory_space<vmem_shared>> -> memref<800128xf32, #tpu.memory_space<vmem_shared>>
        tpu.wait_indirect_dma semaphore(%arg15 : memref<!tpu.dma_semaphore, #tpu.memory_space<semaphore_mem>>) src(%dma_wait3A_121 : memref<128xf32, #tpu.memory_space<vmem>>) dst(%dma_wait3A_126 : memref<800128xf32, #tpu.memory_space<vmem_shared>>)
        %scan3A_127 = arith.constant 0 : i32
        scf.yield %scan3A_127 : i32
      }
      %scan3A_116 = arith.constant 80 : i32
      %barrier3A_117 = arith.constant 0 : index
      tpu.barrier barrier_id(%barrier3A_117)
      %scan3A_118 = arith.constant 0 : i32
      scf.yield %scan3A_118 : i32
    }
    %scan3A_60 = arith.constant 63 : i32
    return
  }
}

module attributes {stable_mosaic.version = 14 : i64} {
  func.func @_matmul_body(%arg0: i32, %arg1: memref<1000x256xf32, #tpu.memory_space<vmem>>, %arg2: memref<256x256xf32, #tpu.memory_space<vmem>>, %arg3: memref<1000x256xf32, #tpu.memory_space<vmem>>, %arg4: memref<1000x1xf32, #tpu.memory_space<vmem>>) attributes {dimension_semantics = [#tpu.dimension_semantics<arbitrary>], iteration_bounds = array<i64: 10>, scalar_prefetch = 0 : i64, scratch_operands = 0 : i64, tpu.core_type = #tpu.core_type<tc>, window_params = [{transform_indices = @transform_0, window_bounds = array<i64: 1000, 256>}, {pipeline_mode = #tpu.pipeline_mode<synchronous>, transform_indices = @transform_1, window_bounds = array<i64: 256, 256>}, {transform_indices = @transform_2, window_bounds = array<i64: 1000, 256>}, {transform_indices = @transform_3, window_bounds = array<i64: 1000, 1>}]} {
    %get3A = arith.constant 0 : index
    %get3A_0 = arith.constant 0 : index
    %get3A_1 = vector.load %arg1[%get3A, %get3A_0] : memref<1000x256xf32, #tpu.memory_space<vmem>>, vector<1000x256xf32>
    %get3A_2 = arith.constant 0 : index
    %get3A_3 = arith.constant 0 : index
    %get3A_4 = vector.load %arg2[%get3A_2, %get3A_3] : memref<256x256xf32, #tpu.memory_space<vmem>>, vector<256x256xf32>
    %dot_general3A = arith.constant dense<0.000000e+00> : vector<1000x256xf32>
    %dot_general3A_5 = tpu.matmul %get3A_1, %get3A_4, %dot_general3A {dimension_numbers = #tpu.dot_dimension_numbers<[1], [0], [0], [1], [0, 0, 1, 1], [], []>, transpose_lhs_hint = false} : vector<1000x256xf32>, vector<256x256xf32>, vector<1000x256xf32> -> vector<1000x256xf32>
    %swap3A = arith.constant 0 : index
    %swap3A_6 = arith.constant 0 : index
    %swap3A_7 = vector.load %arg3[%swap3A, %swap3A_6] : memref<1000x256xf32, #tpu.memory_space<vmem>>, vector<1000x256xf32>
    tpu.vector_store %arg3[%swap3A, %swap3A_6], %dot_general3A_5 {strides = array<i32>} : memref<1000x256xf32, #tpu.memory_space<vmem>>, vector<1000x256xf32>,
    %mul3A = arith.mulf %dot_general3A_5, %dot_general3A_5 : vector<1000x256xf32>
    %reduce_sum3A = arith.constant dense<0.000000e+00> : vector<1000xf32>
    %reduce_sum3A_8 = vector.multi_reduction <add>, %mul3A, %reduce_sum3A [1] : vector<1000x256xf32> to vector<1000xf32>
    %broadcast_in_dim3A = vector.shape_cast %reduce_sum3A_8 : vector<1000xf32> to vector<1000x1xf32>
    %sqrt3A = math.sqrt %broadcast_in_dim3A : vector<1000x1xf32>
    %div3A = arith.constant 1.000000e+00 : f32
    %div3A_9 = vector.broadcast %div3A : f32 to vector<1000x1xf32>
    %div3A_10 = arith.divf %div3A_9, %sqrt3A : vector<1000x1xf32>
    %swap3A_11 = arith.constant 0 : index
    %swap3A_12 = arith.constant 0 : index
    %swap3A_13 = vector.load %arg4[%swap3A_11, %swap3A_12] : memref<1000x1xf32, #tpu.memory_space<vmem>>, vector<1000x1xf32>
    tpu.vector_store %arg4[%swap3A_11, %swap3A_12], %div3A_10 {strides = array<i32>} : memref<1000x1xf32, #tpu.memory_space<vmem>>, vector<1000x1xf32>,
    return
  }
  func.func @transform_0(%arg0: i32) -> (i32, i32) {
    %c0_i32 = arith.constant 0 : i32
    %c0_i32_0 = arith.constant 0 : i32
    return %arg0, %c0_i32 : i32, i32
  }
  func.func @transform_1(%arg0: i32) -> (i32, i32) {
    %c0_i32 = arith.constant 0 : i32
    %c0_i32_0 = arith.constant 0 : i32
    %c0_i32_1 = arith.constant 0 : i32
    return %c0_i32, %c0_i32_0 : i32, i32
  }
  func.func @transform_2(%arg0: i32) -> (i32, i32) {
    %c0_i32 = arith.constant 0 : i32
    %c0_i32_0 = arith.constant 0 : i32
    return %arg0, %c0_i32 : i32, i32
  }
  func.func @transform_3(%arg0: i32) -> (i32, i32) {
    %c0_i32 = arith.constant 0 : i32
    %c0_i32_0 = arith.constant 0 : i32
    return %arg0, %c0_i32 : i32, i32
  }
}

module attributes {stable_mosaic.version = 14 : i64} {
  func.func @_softmax_body(%arg0: i32, %arg1: memref<16x10000xf32, #tpu.memory_space<vmem>>, %arg2: memref<16x10000xf32, #tpu.memory_space<vmem>>) attributes {dimension_semantics = [#tpu.dimension_semantics<arbitrary>], iteration_bounds = array<i64: 625>, scalar_prefetch = 0 : i64, scratch_operands = 0 : i64, tpu.core_type = #tpu.core_type<tc>, window_params = [{transform_indices = @transform_0, window_bounds = array<i64: 16, 10000>}, {transform_indices = @transform_1, window_bounds = array<i64: 16, 10000>}]} {
    %get3A = arith.constant 0 : index
    %get3A_0 = arith.constant 0 : index
    %get3A_1 = vector.load %arg1[%get3A, %get3A_0] : memref<16x10000xf32, #tpu.memory_space<vmem>>, vector<16x10000xf32>
    %ne3A = arith.constant 0.000000e+00 : f32
    %ne3A_2 = vector.broadcast %ne3A : f32 to vector<16x10000xf32>
    %ne3A_3 = arith.cmpf one, %get3A_1, %ne3A_2 : vector<16x10000xf32>
    %jit3A = arith.constant 0xFF800000 : f32
    %broadcast_in_dim3A = vector.broadcast %jit3A : f32 to vector<16x10000xf32>
    %select_n3A = arith.select %ne3A_3, %get3A_1, %broadcast_in_dim3A : vector<16x10000xi1>, vector<16x10000xf32>
    %reduce_max3A = arith.constant dense<0xFF800000> : vector<16xf32>
    %reduce_max3A_4 = vector.multi_reduction <maximumf>, %select_n3A, %reduce_max3A [1] : vector<16x10000xf32> to vector<16xf32>
    %broadcast_in_dim3A_5 = vector.shape_cast %reduce_max3A_4 : vector<16xf32> to vector<16x1xf32>
    %is_finite3A = tpu.weird %broadcast_in_dim3A_5 : vector<16x1xf32> -> vector<16x1xi1>
    %is_finite3A_6 = arith.constant dense<true> : vector<16x1xi1>
    %is_finite3A_7 = arith.xori %is_finite3A, %is_finite3A_6 : vector<16x1xi1>
    %jit3A_8 = arith.constant 0.000000e+00 : f32
    %broadcast_in_dim3A_9 = vector.broadcast %jit3A_8 : f32 to vector<16x1xf32>
    %select_n3A_10 = arith.select %is_finite3A_7, %broadcast_in_dim3A_5, %broadcast_in_dim3A_9 : vector<16x1xi1>, vector<16x1xf32>
    %sub3A = vector.broadcast %select_n3A_10 : vector<16x1xf32> to vector<16x10000xf32>
    %sub3A_11 = arith.subf %get3A_1, %sub3A : vector<16x10000xf32>
    %exp3A = math.exp %sub3A_11 : vector<16x10000xf32>
    %jit3A_12 = arith.constant 0.000000e+00 : f32
    %broadcast_in_dim3A_13 = vector.broadcast %jit3A_12 : f32 to vector<16x10000xf32>
    %select_n3A_14 = arith.select %ne3A_3, %exp3A, %broadcast_in_dim3A_13 : vector<16x10000xi1>, vector<16x10000xf32>
    %reduce_sum3A = arith.constant dense<0.000000e+00> : vector<16xf32>
    %reduce_sum3A_15 = vector.multi_reduction <add>, %select_n3A_14, %reduce_sum3A [1] : vector<16x10000xf32> to vector<16xf32>
    %broadcast_in_dim3A_16 = vector.shape_cast %reduce_sum3A_15 : vector<16xf32> to vector<16x1xf32>
    %gt3A = arith.constant 0.000000e+00 : f32
    %gt3A_17 = vector.broadcast %gt3A : f32 to vector<16x1xf32>
    %gt3A_18 = arith.cmpf ogt, %broadcast_in_dim3A_16, %gt3A_17 : vector<16x1xf32>
    %gt3A_19 = arith.constant 0.000000e+00 : f32
    %gt3A_20 = vector.broadcast %gt3A_19 : f32 to vector<16x1xf32>
    %gt3A_21 = arith.cmpf ogt, %broadcast_in_dim3A_16, %gt3A_20 : vector<16x1xf32>
    %jit3A_22 = arith.constant 1.000000e+00 : f32
    %broadcast_in_dim3A_23 = vector.broadcast %jit3A_22 : f32 to vector<16x1xf32>
    %select_n3A_24 = arith.select %gt3A_21, %broadcast_in_dim3A_16, %broadcast_in_dim3A_23 : vector<16x1xi1>, vector<16x1xf32>
    %div3A = vector.broadcast %select_n3A_24 : vector<16x1xf32> to vector<16x10000xf32>
    %div3A_25 = arith.divf %select_n3A_14, %div3A : vector<16x10000xf32>
    %jit3A_26 = arith.constant 0.000000e+00 : f32
    %broadcast_in_dim3A_27 = vector.shape_cast %gt3A_18 : vector<16x1xi1> to vector<16x1xi1>
    %broadcast_in_dim3A_28 = vector.broadcast %broadcast_in_dim3A_27 : vector<16x1xi1> to vector<16x10000xi1>
    %broadcast_in_dim3A_29 = vector.broadcast %jit3A_26 : f32 to vector<16x10000xf32>
    %select_n3A_30 = arith.select %broadcast_in_dim3A_28, %div3A_25, %broadcast_in_dim3A_29 : vector<16x10000xi1>, vector<16x10000xf32>
    %swap3A = arith.constant 0 : index
    %swap3A_31 = arith.constant 0 : index
    %swap3A_32 = vector.load %arg2[%swap3A, %swap3A_31] : memref<16x10000xf32, #tpu.memory_space<vmem>>, vector<16x10000xf32>
    tpu.vector_store %arg2[%swap3A, %swap3A_31], %select_n3A_30 {strides = array<i32>} : memref<16x10000xf32, #tpu.memory_space<vmem>>, vector<16x10000xf32>,
    return
  }
  func.func @transform_0(%arg0: i32) -> (i32, i32) {
    %c0_i32 = arith.constant 0 : i32
    %c0_i32_0 = arith.constant 0 : i32
    return %arg0, %c0_i32 : i32, i32
  }
  func.func @transform_1(%arg0: i32) -> (i32, i32) {
    %c0_i32 = arith.constant 0 : i32
    %c0_i32_0 = arith.constant 0 : i32
    return %arg0, %c0_i32 : i32, i32
  }
}

</mosaic_0001>

<sc_bundles>
// kernel: kernel.6.cloned.1.call-start
scs
__scs_entry_jumppad:
0x0: {  	(pc) =	sbr.rel $0x88, $3  }
0x1: {  	(tag) =	ssettag $0x0;
	lr =	simm.s32 $0x1  }
0x2: {  	[smem:$0x3F9D] =	sst lr;
	_ =	strace $0xD0000000  }
0x3: {  	_ = 	snop  }
0x4: {  	_ = 	snop  }
0x5: {  	_ = 	snop  }
0x6: {  	_ = 	snop  }
0x7: {  	_ = 	snop  }
__scs_overlays_trampoline_lowered:
0x8: {  	[smem:$0x3FAC] =	sst s0  }
0x9: {  	[smem:$0x3FAD] =	sst s1  }
0xa: {  	[smem:$0x3FAE] =	sst s2  }
0xb: {  	[smem:$0x3FAF] =	sst s3  }
0xc: {  	[smem:$0x3FB0] =	sst s4  }
0xd: {  	[smem:$0x3FB1] =	sst s5  }
0xe: {  	[smem:$0x3FB2] =	sst s6  }
0xf: {  	[smem:$0x3FB3] =	sst s7  }
0x10: {  	[smem:$0x3FB4] =	sst s8  }
0x11: {  	[smem:$0x3FB5] =	sst s9;
	s0 =	simm.s32 @!p0 $0x0  }
0x12: {  	s1 =	sld [smem:$0x3F9B];
	s0 =	simm.s32 @p0 $0x1  }
0x13: {  	[smem:$0x3FB6] =	sst s0;
	s0 =	simm.s32 @!p1 $0x0  }
0x14: {  	s2 =	sld [smem:$0x3F9A];
	s0 =	simm.s32 @p1 $0x1  }
0x15: {  	[smem:$0x3FB7] =	sst s0;
	s0 =	simm.s32 @!p2 $0x0  }
0x16: {  	s3 =	sld [smem:$0x3FDB];
	s0 =	simm.s32 @p2 $0x1  }
0x17: {  	s4 =	simm.s32 $0x1BF5;
	[smem:$0x3FB9] =	sst s0  }
0x18: {  	s0 =	sld [smem:$0x3F9C];
	_ =	swait.ge [sflag:s4], $0x0  }
0x19: {  	s7 =	sld [smem:$0x3F9D]  }
0x1a: {  	s8 =	sadd.s32 $0xFFFFE003, lr  }
0x1b: {  	s9 =	sadd.s32 $0xFFFFFEF7, lr;
	s5 =	simm.s32 $0xFFFFFFFF;
	p2 =	slt.u32 s8, $0xFFFFF086  }
0x1c: {  	p1 =	slt.u32 s9, $0xF7A;
	s5 =	simm.s32 @!p2 $0x0  }
0x1d: {  	s5 =	simm.s32 @p1 $0x1;
	p0 =	seq.s32 s7, s2  }
0x1e: {  	s7 =	smul.u32 @!p0 $0xF7A, s2;
	p2 =	seq.s32 @!p0 s5, $0x0  }
0x1f: {  	s9 =	smul.u32 $0xF7A, s1;
	s8 =	simm.s32 @!p0 $0x1BF5;
	p2 =	por !p2, p0  }
0x20: {  	[sflag:s8] =	ssyncset.s32 @!p0 $0xFFFFF086;
	s6 =	sadd.s32 @!p0 s3, s7;
	s7 =	simm.s32 @!p0 $0x108  }
0x21: {  	s3 =	sadd.s32 s3, s9;
	s6 =	sadd.s32 @!p0 $0x88, s6;
	s7 =	simm.s32 @p2 $0x1082  }
0x22: {  	[simem:s7], [sflag:s8] =	dma.local @!p0 [hbm:s6], $0xF7A  }
0x23: {  	s9 =	sor.u32 $0xD0000000, s2;
	s6 =	simm.s32 $0x108;
	_ =	swait.ge @!p0 [sflag:s8], $0x0  }
0x24: {  	s3 =	sadd.s32 $0x88, s3;
	s6 =	simm.s32 @!p1 $0x1082;
	[sflag:s4] =	ssyncset.s32 $0xFFFFF086  }
0x25: {  	[simem:s6], [sflag:s4] =	dma.local [hbm:s3], $0xF7A  }
0x26: {  	[smem:$0x3F9D] =	sst s1;
	(tag) =	ssettag s2;
	_ =	strace s9  }
0x27: {  	s1 =	sld [smem:$0x3FAD]  }
0x28: {  	s2 =	sld [smem:$0x3FAE]  }
0x29: {  	s4 =	sld [smem:$0x3FB0]  }
0x2a: {  	p0 =	seq.s32 s5, $0x0;
	s5 =	sld [smem:$0x3FB1]  }
0x2b: {  	s6 =	sld [smem:$0x3FB2]  }
0x2c: {  	s7 =	sld [smem:$0x3FB3]  }
0x2d: {  	s3 =	simm.s32 $0x108;
	s8 =	sld [smem:$0x3FB4]  }
0x2e: {  	s3 =	simm.s32 @!p0 $0x1082;
	s9 =	sld [smem:$0x3FB5]  }
0x2f: {  	lr =	sadd.s32 s0, s3;
	s0 =	sld [smem:$0x3FAC]  }
0x30: {  	s3 =	sld [smem:$0x3FAF]  }
0x31: {  	[smem:$0x3FB8] =	sst s10  }
0x32: {  	s10 =	sld [smem:$0x3FB6];
	_ =	sdelay $0x3  }
0x33: {  	p0 =	seq.s32 s10, $0x1;
	s10 =	sld [smem:$0x3FB8];
	_ =	sdelay $0x3  }
0x34: {  	[smem:$0x3FB8] =	sst s10  }
0x35: {  	s10 =	sld [smem:$0x3FB7];
	_ =	sdelay $0x3  }
0x36: {  	p1 =	seq.s32 s10, $0x1;
	s10 =	sld [smem:$0x3FB8];
	_ =	sdelay $0x3  }
0x37: {  	[smem:$0x3FB8] =	sst s10  }
0x38: {  	s10 =	sld [smem:$0x3FB9]  }
0x39: {  	_ = 	snop;
	(pc) =	sbr.ind lr, $3  }
0x3a: {  	_ = 	snop  }
0x3b: {  	_ = 	snop  }
0x3c: {  	p2 =	seq.s32 s10, $0x1;
	s10 =	sld [smem:$0x3FB8]  }
0x3d: {  	_ =	shalt  }
0x3e: {  	_ =	shalt  }
0x3f: {  	_ =	shalt  }
0x40: {  	_ =	shalt  }
0x41: {  	_ =	shalt  }
0x42: {  	_ =	shalt  }
0x43: {  	_ =	shalt  }
0x44: {  	_ =	shalt  }
0x45: {  	_ =	shalt  }
0x46: {  	_ =	shalt  }
0x47: {  	_ =	shalt  }
0x48: {  	_ =	shalt  }
0x49: {  	_ =	shalt  }
0x4a: {  	_ =	shalt  }
0x4b: {  	_ =	shalt  }
0x4c: {  	_ =	shalt  }
0x4d: {  	_ =	shalt  }
0x4e: {  	_ =	shalt  }
0x4f: {  	_ =	shalt  }
0x50: {  	_ =	shalt  }
0x51: {  	_ =	shalt  }
0x52: {  	_ =	shalt  }
0x53: {  	_ =	shalt  }
0x54: {  	_ =	shalt  }
0x55: {  	_ =	shalt  }
0x56: {  	_ =	shalt  }
0x57: {  	_ =	shalt  }
0x58: {  	_ =	shalt  }
0x59: {  	_ =	shalt  }
0x5a: {  	_ =	shalt  }
0x5b: {  	_ =	shalt  }
0x5c: {  	_ =	shalt  }
0x5d: {  	_ =	shalt  }
0x5e: {  	_ =	shalt  }
0x5f: {  	_ =	shalt  }
0x60: {  	_ =	shalt  }
0x61: {  	_ =	shalt  }
0x62: {  	_ =	shalt  }
0x63: {  	_ =	shalt  }
0x64: {  	_ =	shalt  }
0x65: {  	_ =	shalt  }
0x66: {  	_ =	shalt  }
0x67: {  	_ =	shalt  }
0x68: {  	_ =	shalt  }
0x69: {  	_ =	shalt  }
0x6a: {  	_ =	shalt  }
0x6b: {  	_ =	shalt  }
0x6c: {  	_ =	shalt  }
0x6d: {  	_ =	shalt  }
0x6e: {  	_ =	shalt  }
0x6f: {  	_ =	shalt  }
0x70: {  	_ =	shalt  }
0x71: {  	_ =	shalt  }
0x72: {  	_ =	shalt  }
0x73: {  	_ =	shalt  }
0x74: {  	_ =	shalt  }
0x75: {  	_ =	shalt  }
0x76: {  	_ =	shalt  }
0x77: {  	_ =	shalt  }
0x78: {  	_ =	shalt  }
0x79: {  	_ =	shalt  }
0x7a: {  	_ =	shalt  }
0x7b: {  	_ =	shalt  }
0x7c: {  	_ =	shalt  }
0x7d: {  	_ =	shalt  }
0x7e: {  	_ =	shalt  }
0x7f: {  	_ =	shalt  }
0x80: {  	_ =	shalt  }
0x81: {  	_ =	shalt  }
0x82: {  	_ =	shalt  }
0x83: {  	_ =	shalt  }
0x84: {  	_ =	shalt  }
0x85: {  	_ =	shalt  }
0x86: {  	_ =	shalt  }
0x87: {  	_ =	shalt  }
.Lfunc_end0:
.L_simem_size_0:
called_computation_lowered:
.L_overlay_start_0:
0x88: {  	s2 =	sld [smem:$0x3FD9]  }
0x89: {  	s3 =	sld [smem:$0x3FFE];
	_ =	sdelay $0x1  }
0x8a: {  	s1 =	srdreg.scid  }
0x8b: {  	s0 =	sand.u32 $0x1, s1  }
0x8c: {  	s14 =	sshll.u32 s0, $0xA;
	s2 =	sadd.s32 s3, s2  }
0x8d: {  	s2 =	sadd.s32 s2, s14  }
0x8e: {  	[smem:$0x3FC4] =	sst s2  }
0x8f: {  	_ = 	snop  }
0x90: {  	s2 =	sld [smem:$0x3FD0];
	_ =	sdelay $0x2  }
0x91: {  	s4 =	simm.s32 $0xA;
	s5 =	simm.s32 $0x10;
	s15 =	sld [smem:$0x3FC6]  }
0x92: {  	[smem:s5], [sflag:s4] =	dma.local [hbm:s2], $0x1  }
0x93: {  	_ =	swait.eq [sflag:s4], $0x1  }
0x94: {  	[sflag:s4] =	ssyncset.done $0x0  }
0x95: {  	s16 =	sld [smem:$0x10];
	[sflag:s4] =	ssyncadd.s32 $0xFFFFFFFF  }
0x96: {  	s17 =	sld [smem:$0x11];
	(tm) =	ssettm $0x1  }
0x97: {  	s18 =	sld [smem:$0x3FFB];
	_ =	sdelay $0x3  }
0x98: {  	_ =	strace s18  }
0x99: {  	s5 =	sld [smem:$0x3FFC];
	_ =	sdelay $0x3  }
0x9a: {  	_ =	strace s5  }
0x9b: {  	s5 =	sld [smem:$0x3FFD];
	_ =	sdelay $0x3  }
0x9c: {  	_ =	strace s5  }
0x9d: {  	_ =	strace $0x8FFFFFFF  }
0x9e: {  	s19 =	sld [smem:$0x3FDB];
	_ =	sdelay $0x1  }
0x9f: {  	s6 =	simm.s32 $_scs_section_size  }
0xa0: {  	s7 =	simm.s32 $_size__tile_overlayer_lowered;
	s8 =	simm.s32 $_tile_overlayer_lowered  }
0xa1: {  	s22 =	simm.s32 $0x1BFF;
	s21 =	sshll.u32 s8, $0x1;
	s5 =	sadd.s32 s6, s19  }
0xa2: {  	s9 =	simm.s32 $0x0;
	s20 =	sshll.u32 s7, $0x1;
	s7 =	sadd.s32 s21, s5  }
0xa3: {  	[timem:s9], [sflag:s22] =	dma.local [hbm:s7], s20  }
0xa4: {  	_ =	swait.ge [sflag:s22], s20  }
0xa5: {  	s6 =	ssub.s32 $0x0, s20;
	[sflag:s22] =	ssyncset.done $0x0  }
0xa6: {  	[sflag:s22] =	ssyncadd.s32 s6;
	_ =	sdelay $0x1  }
0xa7: {  	s23 =	simm.s32 $0x1B8B  }
0xa8: {  	_ =	swait.ge [sflag:s23], $0x1  }
0xa9: {  	[sflag:s23] =	ssyncset.done $0x0  }
0xaa: {  	s25 =	simm.s32 $0x1B8E;
	s24 =	sld [smem:$0x3FFE];
	[sflag:s23] =	ssyncadd.s32 $0xFFFFFFFF  }
0xab: {  	s26 =	simm.s32 $execute0_lowered;
	[smem:$0x3FD2] =	sst s25  }
0xac: {  	s7 =	sshll.u32 s26, $0x1;
	_ =	strace $0x80000046;
	[dreg:$0x1] =	wrdreg $0xFFFFFFFF  }
0xad: {  	s28 =	simm.s32 $_size_execute0_lowered;
	s5 =	sadd.s32 s5, s7;
	[dreg:$0x0] =	wrdreg $0x0  }
0xae: {  	s7 =	sshll.u32 s28, $0x1;
	[dreg:$0x2] =	wrdreg s5  }
0xaf: {  	[dreg:$0x3] =	wrdreg s7  }
0xb0: {  	[dreg:$0x4] =	wrdreg $0xC0  }
0xb1: {  	_ =	task [dreg:s9], $0x5FFFF  }
0xb2: {  	[dreg:$0x1] =	wrdreg $0xFFFFFFFF  }
0xb3: {  	[dreg:$0x0] =	wrdreg $0x60  }
0xb4: {  	[dreg:$0x2] =	wrdreg s16  }
0xb5: {  	[dreg:$0x3] =	wrdreg s17  }
0xb6: {  	[dreg:$0x4] =	wrdreg s24  }
0xb7: {  	[dreg:$0x5] =	wrdreg s15  }
0xb8: {  	[dreg:$0x6] =	wrdreg $0x9  }
0xb9: {  	_ =	task.clear_ibuf [dreg:s9], $0x7FFFF;
	_ =	strace $0x90000046  }
0xba: {  	s29 =	simm.s32 $0x9;
	_ =	strace $0x80000048  }
0xbb: {  	_ =	swait.ge [sflag:s29], $0x1  }
0xbc: {  	[sflag:s29] =	ssyncadd.s32 $0xFFFFFFFF  }
0xbd: {  	_ =	strace $0x90000048  }
0xbe: {  	_ =	sfence  }
0xbf: {  	s30 =	sld [smem:$0x0];
	_ =	sdelay $0x2  }
0xc0: {  	s31 =	sshll.u32 s1, $0xD;
	s1 =	sshrl.u32 s1, $0x2  }
0xc1: {  	s3 =	sand.u32 $0x4000, s31;
	s1 =	sadd.s32 s1, s30  }
0xc2: {  	s0 =	sor.u32 s3, s0;
	s1 =	sshll.u32 s1, $0x11  }
0xc3: {  	s0 =	sor.u32 s1, s0  }
0xc4: {  	s0 =	sadd.s32 $0x8F2B, s0  }
0xc5: {  	[sflag:s0] =	ssyncadd.remote.s32 $0x1  }
0xc6: {  	_ =	sfence.sel $0xFFFF  }
0xc7: {  	[dreg:$0x0] =	wrdreg $0xFFFFFFFF;
	(pc) =	sbr.abs _section_cstart, $3  }
0xc8: {  	[dreg:$0x1] =	wrdreg $0xFFFFFFFF  }
0xc9: {  	_ =	task.clear_ibuf [dreg:s9], $0x2FFFF;
	_ =	strace $0x9FFFFFFF  }
0xca: {  	(tm) =	ssettm $0x7FFFFFFF  }
0xcb: {  	_ =	shalt  }
tec
execute0_lowered:
.L_overlay_start_1:
0x0: {  	(tag) =	ssettag $0x1  }
0x1: {  	s1 =	rddreg [dreg:$0x0]  }
0x2: {  	s2 =	rddreg [dreg:$0x1]  }
0x3: {  	s0 =	rddreg [dreg:$0x2]  }
0x4: {  	s3 =	srdreg.scid;
	s4 =	stileid.u32  }
0x5: {  	s5 =	simm.s32 $0x0;
	s10 =	simm.s32 $0x5;
	s13 =	simm.s32 $0x2800  }
0x6: {  	s14 =	simm.s32 $0x3000;
	s15 =	simm.s32 $0x3800;
	s16 =	simm.s32 $0x4000  }
0x7: {  	s17 =	simm.s32 $0x4800;
	s18 =	simm.s32 $0x5000;
	s19 =	simm.s32 $0x5800  }
0x8: {  	v3 =	vlaneseq.u32;
	s20 =	simm.s32 $0x6000;
	s3 =	sand.u32 $0x1, s3;
	s4 =	sshll.u32 s4, $0x1  }
0x9: {  	vm0 =	vmmov $0xffff;
	s21 =	simm.s32 $0x6800;
	s22 =	simm.s32 $0x7000;
	v0 =	vmul.u32 $0x10, v3;
	s4 =	sor.u32 s3, s4  }
0xa: {  	s23 =	simm.s32 $0x28;
	v2 =	vshrl.u32 v3, $0x3;
	v1 =	vand.u32 $0x7, v3;
	v3 =	vor.u32 $0x8, v3;
	s3 =	ssub.s32 $0x2, s3;
	s4 =	smul.u32 $0x271, s4  }
0xb: {  	s24 =	simm.s32 $0x1;
	s25 =	simm.s32 $0x2;
	v2 =	vmul.u32 $0x8, v2;
	s6 =	sshrl.u32 s3, $0x1;
	v4 =	vor.u32 $0x1, v0;
	v5 =	vor.u32 $0x2, v0  }
0xc: {  	[smem:$0x7FF] =	sst s5;
	v6 =	vor.u32 $0x3, v0;
	v7 =	vor.u32 $0x4, v0;
	v8 =	vor.u32 $0x5, v0;
	s3 =	ssub.s32 s3, s6;
	s0 =	sadd.s32 s0, s4  }
0xd: {  	_ =	strace $0x80000047;
	v9 =	vor.u32 $0x6, v0;
	v10 =	vor.u32 $0x7, v0;
	v11 =	vor.u32 $0x8, v0;
	s30 =	smax.u32 s3, $0x1;
	[dreg:$0x5] =	wrdreg s0  }
0xe: {  	s26 =	simm.s32 $0x3;
	v12 =	vor.u32 $0x9, v0;
	v13 =	vor.u32 $0xA, v0;
	v14 =	vor.u32 $0xB, v0;
	s4 =	sadd.s32 $0x5000, s0;
	[dreg:$0x8] =	wrdreg s30  }
0xf: {  	s28 =	simm.s32 $0x4;
	v15 =	vor.u32 $0xC, v0;
	v16 =	vor.u32 $0xD, v0;
	v17 =	vor.u32 $0xE, v0;
	s0 =	sadd.s32 $0xA000, s0;
	[dreg:$0x6] =	wrdreg s4  }
0x10: {  	s29 =	simm.s32 $0x8D00;
	s31 =	simm.s32 $0x0;
	v18 =	vor.u32 $0xF, v0;
	v19 =	vor.u32 $0x100, v0;
	v20 =	vor.u32 $0x101, v0;
	[dreg:$0x7] =	wrdreg s0  }
.LBB2_1:
0x11: {  	s0 =	rddreg [dreg:$0x6]  }
0x12: {  	[tilespmem:s5], [sflag:$0x5] =	stream.linear.gather [hbm4b:s0+s5], $0x1388, $0x38;
	[tilespmem:$0x9180] =	vst v63  }
0x13: {  	_ =	swait.ge [sflag:s10], $0x1388  }
0x14: {  	[sflag:s10] =	ssyncset.done $0x0  }
0x15: {  	s3 =	simm.s32 $0x1400;
	s11 =	rddreg [dreg:$0x5];
	[sflag:s10] =	ssyncadd.s32 $0xFFFFEC78  }
0x16: {  	[tilespmem:s3], [sflag:$0x5] =	stream.linear.gather [hbm4b:s11+s5], $0x1388, $0x38;
	[tilespmem:$0x9180] =	vst v63  }
0x17: {  	_ =	swait.ge [sflag:s10], $0x1388  }
0x18: {  	[sflag:s10] =	ssyncset.done $0x0  }
0x19: {  	[sflag:s10] =	ssyncadd.s32 $0xFFFFEC78  }
0x1a: {  	s30 =	simm.s32 $0x9080;
	s12 =	rddreg [dreg:$0x3]  }
0x1b: {  	[tilespmem:s30], [sflag:$0x5] =	stream.linear.gather [hbm4b:s12+s5], $0x100, $0x38;
	[tilespmem:$0x9180] =	vst v63  }
0x1c: {  	_ =	swait.ge [sflag:s10], $0x100  }
0x1d: {  	[sflag:s10] =	ssyncset.done $0x0  }
0x1e: {  	[sflag:s10] =	ssyncadd.s32 $0xFFFFFF00  }
0x1f: {  	v21 =	vld [tilespmem:$0x9080]  }
0x20: {  	v23 =	vld [tilespmem:$0x90A0]  }
0x21: {  	v30 =	vld [tilespmem:$0x90F0]  }
0x22: {  	v31 =	vld [tilespmem:$0x9100]  }
0x23: {  	v32 =	vld [tilespmem:$0x9110]  }
0x24: {  	v34 =	vld [tilespmem:$0x9140]  }
0x25: {  	v37 =	vld [tilespmem:$0x9160]  }
0x26: {  	v55 =	vld [tilespmem:$0x9170];
	_ =	sdelay $0x1  }
0x27: {  	v22 =	vld [tilespmem:$0x9090]  }
0x28: {  	v24 =	vshrl.u32 v21, $0x10;
	v27 =	vshrl.u32 v23, $0x10  }
0x29: {  	v25 =	vld [tilespmem:$0x90B0];
	v33 =	vshrl.u32 v30, $0x10;
	v35 =	vshrl.u32 v31, $0x10;
	v49 =	vshrl.u32 v32, $0x10  }
0x2a: {  	v54 =	vshrl.u32 v34, $0x10;
	v56 =	vshrl.u32 v37, $0x10;
	v57 =	vshrl.u32 v55, $0x10  }
0x2b: {  	v26 =	vld [tilespmem:$0x90C0];
	v24 =	vand.u32 $0x1, v24;
	v33 =	vand.u32 $0x1, v33;
	v48 =	vand.u32 $0x1, v35  }
0x2c: {  	v28 =	vld [tilespmem:$0x90D0];
	v50 =	vand.u32 $0x1, v49;
	v21 =	vadd.s32 v24, v21;
	v24 =	vshrl.u32 v22, $0x10  }
0x2d: {  	v29 =	vld [tilespmem:$0x90E0];
	v59 =	vand.u32 $0x1, v57;
	v30 =	vadd.s32 v33, v30;
	v24 =	vand.u32 $0x1, v24  }
0x2e: {  	v22 =	vadd.s32 v24, v22;
	v24 =	vand.u32 $0x1, v27;
	v27 =	vshrl.u32 v25, $0x10  }
0x2f: {  	v31 =	vadd.s32 v48, v31;
	v23 =	vadd.s32 v24, v23;
	v24 =	vand.u32 $0x1, v27  }
0x30: {  	v32 =	vadd.s32 v50, v32;
	v24 =	vadd.s32 v24, v25;
	v25 =	vshrl.u32 v26, $0x10  }
0x31: {  	v60 =	vadd.s32 v59, v55;
	v27 =	vshrl.u32 v28, $0x10;
	v25 =	vand.u32 $0x1, v25  }
0x32: {  	v25 =	vadd.s32 v25, v26;
	v26 =	vand.u32 $0x1, v27;
	v27 =	vshrl.u32 v29, $0x10  }
0x33: {  	v21 =	vadd.s32 $0x7FFF, v21;
	v26 =	vadd.s32 v26, v28;
	v27 =	vand.u32 $0x1, v27;
	v28 =	vld [tilespmem:$0x9120]  }
0x34: {  	v30 =	vadd.s32 $0x7FFF, v30;
	v63 =	vadd.s32 $0x7FFF, v60;
	v27 =	vadd.s32 v27, v29;
	v29 =	vld [tilespmem:$0x9130]  }
0x35: {  	v21 =	vand.u32 $0xFFFF0000, v21;
	v22 =	vadd.s32 $0x7FFF, v22;
	v23 =	vadd.s32 $0x7FFF, v23  }
0x36: {  	v22 =	vand.u32 $0xFFFF0000, v22;
	v23 =	vand.u32 $0xFFFF0000, v23;
	v24 =	vadd.s32 $0x7FFF, v24  }
0x37: {  	v36 =	vld [tilespmem:$0x9150];
	v24 =	vand.u32 $0xFFFF0000, v24;
	v25 =	vadd.s32 $0x7FFF, v25;
	v26 =	vadd.s32 $0x7FFF, v26  }
0x38: {  	v25 =	vand.u32 $0xFFFF0000, v25;
	v26 =	vand.u32 $0xFFFF0000, v26;
	v51 =	vshrl.u32 v28, $0x10  }
0x39: {  	v27 =	vadd.s32 $0x7FFF, v27;
	v52 =	vand.u32 $0x1, v51;
	v53 =	vshrl.u32 v29, $0x10  }
0x3a: {  	v27 =	vand.u32 $0xFFFF0000, v27;
	v33 =	vadd.s32 v52, v28;
	v28 =	vand.u32 $0x1, v53  }
0x3b: {  	v38 =	vadd.s32 v28, v29;
	v28 =	vand.u32 $0x1, v54;
	v29 =	vadd.s32 $0x7FFF, v31  }
0x3c: {  	v31 =	vshrl.u32 v36, $0x10;
	v34 =	vadd.s32 v28, v34;
	v28 =	vand.u32 $0xFFFF0000, v30  }
0x3d: {  	v29 =	vand.u32 $0xFFFF0000, v29;
	v30 =	vand.u32 $0x1, v31;
	v31 =	vadd.s32 $0x7FFF, v32  }
0x3e: {  	v32 =	vand.u32 $0x1, v56;
	v58 =	vadd.s32 $0x7FFF, v38;
	v36 =	vadd.s32 v30, v36  }
0x3f: {  	v30 =	vand.u32 $0xFFFF0000, v31;
	v31 =	vadd.s32 $0x7FFF, v33;
	v37 =	vadd.s32 v32, v37  }
0x40: {  	v34 =	vadd.s32 $0x7FFF, v34;
	v32 =	vand.u32 $0xFFFF0000, v58;
	v31 =	vand.u32 $0xFFFF0000, v31  }
0x41: {  	v33 =	vand.u32 $0xFFFF0000, v34;
	v61 =	vadd.s32 $0x7FFF, v36;
	v62 =	vadd.s32 $0x7FFF, v37  }
0x42: {  	s3 =	simm.s32 $0x0;
	v36 =	vand.u32 $0xFFFF0000, v63;
	v34 =	vand.u32 $0xFFFF0000, v61;
	v35 =	vand.u32 $0xFFFF0000, v62  }
.LBB2_2:
0x43: {  	s0 =	smul.u32 $0x28, s3;
	_ =	sdelay $0x1  }
0x44: {  	v37 =	vld [tilespmem:s0+$0x0];
	_ =	sdelay $0x4  }
0x45: {  	v38 =	vshll.u32 v37, $0x1  }
0x46: {  	v37 =	vand.u32 $0x7, v37;
	v38 =	vand.u32 $0xFFFFFFF0, v38  }
0x47: {  	v37 =	vor.u32 v37, v38  }
0x48: {  	v38 =	vperm.xlane v37, v1;
	_ =	sdelay $0x1  }
0x49: {  	v37 =	vperm.xlane v37, v3;
	v38 =	vadd.s32 v2, v38;
	_ =	sdelay $0x1  }
0x4a: {  	v37 =	vadd.s32 v2, v37;
	_ =	sdelay $0x1  }
0x4b: {  	s4 =	simm.s32 $0x0  }
0x4c: {  	[tilespmem:s13], [sflag:$0x1] =	stream.indirect_vreg.gather [hbm4b:s1+s4], $0x80, v38, vm0, $0xb8;
	[tilespmem:$0x9180] =	vst v63  }
0x4d: {  	_ = 	snop  }
0x4e: {  	[tilespmem:s14], [sflag:$0x1] =	stream.indirect_vreg.gather [hbm4b:s1+s4], $0x80, v37, vm0, $0xb8;
	[tilespmem:$0x9180] =	vst v63  }
0x4f: {  	v37 =	vld [tilespmem:s0+$0x10];
	_ =	sdelay $0x4  }
0x50: {  	v55 =	vshll.u32 v37, $0x1  }
0x51: {  	v37 =	vand.u32 $0x7, v37;
	v38 =	vand.u32 $0xFFFFFFF0, v55  }
0x52: {  	v37 =	vor.u32 v37, v38  }
0x53: {  	v38 =	vperm.xlane v37, v1;
	_ =	sdelay $0x1  }
0x54: {  	v37 =	vperm.xlane v37, v3;
	v38 =	vadd.s32 v2, v38;
	_ =	sdelay $0x1  }
0x55: {  	v37 =	vadd.s32 v2, v37;
	_ =	sdelay $0x2  }
0x56: {  	[tilespmem:s15], [sflag:$0x1] =	stream.indirect_vreg.gather [hbm4b:s1+s4], $0x80, v38, vm0, $0xb8;
	[tilespmem:$0x9180] =	vst v63  }
0x57: {  	_ = 	snop  }
0x58: {  	[tilespmem:s16], [sflag:$0x1] =	stream.indirect_vreg.gather [hbm4b:s1+s4], $0x80, v37, vm0, $0xb8;
	[tilespmem:$0x9180] =	vst v63  }
0x59: {  	v37 =	vld.msk [tilespmem:s0+$0x20], $0xff;
	_ =	sdelay $0x4  }
0x5a: {  	v56 =	vshll.u32 v37, $0x1  }
0x5b: {  	v37 =	vand.u32 $0x7, v37;
	v38 =	vand.u32 $0xFFFFFFF0, v56  }
0x5c: {  	v37 =	vor.u32 v37, v38  }
0x5d: {  	v37 =	vperm.xlane v37, v1;
	_ =	sdelay $0x1  }
0x5e: {  	v37 =	vadd.s32 v2, v37;
	_ =	sdelay $0x4  }
0x5f: {  	[tilespmem:s17], [sflag:$0x1] =	stream.indirect_vreg.gather [hbm4b:s1+s4], $0x80, v37, vm0, $0xb8;
	[tilespmem:$0x9180] =	vst v63  }
0x60: {  	v37 =	vld [tilespmem:s0+$0x1400];
	_ =	sdelay $0x4  }
0x61: {  	v57 =	vshll.u32 v37, $0x1  }
0x62: {  	v37 =	vand.u32 $0x7, v37;
	v38 =	vand.u32 $0xFFFFFFF0, v57  }
0x63: {  	v37 =	vor.u32 v37, v38  }
0x64: {  	v38 =	vperm.xlane v37, v1;
	_ =	sdelay $0x1  }
0x65: {  	v37 =	vperm.xlane v37, v3;
	v38 =	vadd.s32 v2, v38;
	_ =	sdelay $0x1  }
0x66: {  	v37 =	vadd.s32 v2, v37;
	_ =	sdelay $0x2  }
0x67: {  	[tilespmem:s18], [sflag:$0x2] =	stream.indirect_vreg.gather [hbm4b:s1+s4], $0x80, v38, vm0, $0xb8;
	[tilespmem:$0x9180] =	vst v63  }
0x68: {  	_ = 	snop  }
0x69: {  	[tilespmem:s19], [sflag:$0x2] =	stream.indirect_vreg.gather [hbm4b:s1+s4], $0x80, v37, vm0, $0xb8;
	[tilespmem:$0x9180] =	vst v63  }
0x6a: {  	v37 =	vld [tilespmem:s0+$0x1410];
	_ =	sdelay $0x4  }
0x6b: {  	v58 =	vshll.u32 v37, $0x1  }
0x6c: {  	v37 =	vand.u32 $0x7, v37;
	v38 =	vand.u32 $0xFFFFFFF0, v58  }
0x6d: {  	v37 =	vor.u32 v37, v38  }
0x6e: {  	v38 =	vperm.xlane v37, v1;
	_ =	sdelay $0x1  }
0x6f: {  	v37 =	vperm.xlane v37, v3;
	v38 =	vadd.s32 v2, v38;
	_ =	sdelay $0x1  }
0x70: {  	v37 =	vadd.s32 v2, v37;
	_ =	sdelay $0x2  }
0x71: {  	[tilespmem:s20], [sflag:$0x2] =	stream.indirect_vreg.gather [hbm4b:s1+s4], $0x80, v38, vm0, $0xb8;
	[tilespmem:$0x9180] =	vst v63  }
0x72: {  	_ = 	snop  }
0x73: {  	[tilespmem:s21], [sflag:$0x2] =	stream.indirect_vreg.gather [hbm4b:s1+s4], $0x80, v37, vm0, $0xb8;
	[tilespmem:$0x9180] =	vst v63  }
0x74: {  	v37 =	vld.msk [tilespmem:s0+$0x1420], $0xff;
	_ =	sdelay $0x4  }
0x75: {  	v59 =	vshll.u32 v37, $0x1  }
0x76: {  	v37 =	vand.u32 $0x7, v37;
	v38 =	vand.u32 $0xFFFFFFF0, v59  }
0x77: {  	v37 =	vor.u32 v37, v38  }
0x78: {  	v37 =	vperm.xlane v37, v1;
	_ =	sdelay $0x1  }
0x79: {  	v37 =	vadd.s32 v2, v37;
	_ =	sdelay $0x4  }
0x7a: {  	[tilespmem:s22], [sflag:$0x2] =	stream.indirect_vreg.gather [hbm4b:s1+s4], $0x80, v37, vm0, $0xb8;
	[tilespmem:$0x9180] =	vst v63  }
0x7b: {  	s6 =	simm.s32 $0x7800  }
0x7c: {  	[tilespmem:s6], [sflag:$0x3] =	stream.indirect.gather [hbm4b:s2+s23], $0x1, s0, s23, $0xb8;
	[tilespmem:$0x9180] =	vst v63  }
0x7d: {  	s11 =	simm.s32 $0x7880;
	s7 =	sadd.s32 $0x1400, s0  }
0x7e: {  	[tilespmem:s11], [sflag:$0x4] =	stream.indirect.gather [hbm4b:s2+s23], $0x1, s7, s23, $0xb8;
	[tilespmem:$0x9180] =	vst v63  }
0x7f: {  	_ =	swait.ge [sflag:s24], $0x2800  }
0x80: {  	[sflag:s24] =	ssyncset.done $0x0  }
0x81: {  	[sflag:s24] =	ssyncadd.s32 $0xFFFFD800  }
0x82: {  	_ =	swait.ge [sflag:s25], $0x2800  }
0x83: {  	[sflag:s25] =	ssyncset.done $0x0  }
0x84: {  	[sflag:s25] =	ssyncadd.s32 $0xFFFFD800  }
0x85: {  	_ =	swait.ge [sflag:s26], $0x28  }
0x86: {  	[sflag:s26] =	ssyncset.done $0x0  }
0x87: {  	[sflag:s26] =	ssyncadd.s32 $0xFFFFFFD8  }
0x88: {  	_ =	swait.ge [sflag:s28], $0x28  }
0x89: {  	[sflag:s28] =	ssyncset.done $0x0  }
0x8a: {  	[sflag:s28] =	ssyncadd.s32 $0xFFFFFFD8  }
0x8b: {  	s12 =	sand.u32 $0x3800, s4;
	s8 =	sand.u32 $0x380, s4;
	v60 =	vld [tilespmem:s6+$0x0]  }
0x8c: {  	s5 =	sor.u32 s8, s12;
	v61 =	vld [tilespmem:s11+$0x0]  }
0x8d: {  	v39 =	vld [tilespmem:s5+$0x2800]  }
0x8e: {  	v40 =	vld [tilespmem:s5+$0x5030]  }
0x8f: {  	v41 =	vld [tilespmem:s5+$0x2830]  }
0x90: {  	v42 =	vld [tilespmem:s5+$0x5400]  }
0x91: {  	v62 =	vld [tilespmem:s5+$0x5410]  }
0x92: {  	v63 =	vld [tilespmem:s5+$0x2C10]  }
0x93: {  	v43 =	vld [tilespmem:s5+$0x5060]  }
0x94: {  	v44 =	vld [tilespmem:s5+$0x5420]  }
0x95: {  	v45 =	vld [tilespmem:s5+$0x2C20];
	(v2sf) =	vpush v60, $0x0  }
0x96: {  	v46 =	vld [tilespmem:s5+$0x5020];
	(v2sf) =	vpush v61, $0x0  }
0x97: {  	v47 =	vld [tilespmem:s5+$0x2820]  }
0x98: {  	v48 =	vld [tilespmem:s5+$0x2860]  }
0x99: {  	v49 =	vld [tilespmem:s5+$0x2C00]  }
0x9a: {  	v50 =	vld [tilespmem:s5+$0x5000]  }
0x9b: {  	v51 =	vld [tilespmem:s5+$0x2810]  }
0x9c: {  	v52 =	vld [tilespmem:s5+$0x5010]  }
0x9d: {  	v38 =	vld [tilespmem:s5+$0x5070]  }
0x9e: {  	v56 =	vld [tilespmem:s5+$0x5040]  }
0x9f: {  	v57 =	vld [tilespmem:s5+$0x2840]  }
0xa0: {  	v59 =	vld [tilespmem:s5+$0x5050]  }
0xa1: {  	v40 =	vmul.f32 v40, v41;
	v37 =	vmul.f32 v62, v63;
	v60 =	vld [tilespmem:s5+$0x2850]  }
0xa2: {  	v54 =	vmul.f32 v44, v45;
	v55 =	vmul.f32 v46, v47;
	v61 =	vld [tilespmem:s5+$0x2870]  }
0xa3: {  	v43 =	vmul.f32 v43, v48;
	v39 =	vmul.f32 v50, v39  }
0xa4: {  	v42 =	vmul.f32 v42, v49;
	v58 =	vmul.f32 v52, v51;
	s9 =	spop (v2sf)  }
0xa5: {  	v45 =	vmul.f32 v56, v57;
	v40 =	vmax.f32 v40, $0.0e+00;
	v37 =	vmax.f32 v37, $0.0e+00;
	s12 =	spop (v2sf)  }
0xa6: {  	v44 =	vmax.f32 v55, $0.0e+00;
	v39 =	vmax.f32 v39, $0.0e+00;
	v47 =	vmax.f32 v58, $0.0e+00;
	s30 =	smul.f32 s12, s9  }
0xa7: {  	v42 =	vmax.f32 v42, $0.0e+00;
	v48 =	vmul.f32 v59, v60;
	v38 =	vmul.f32 v38, v61  }
0xa8: {  	v45 =	vmax.f32 v45, $0.0e+00;
	v39 =	vmul.f32 s30, v39;
	v40 =	vmul.f32 s30, v40  }
0xa9: {  	v48 =	vmax.f32 v48, $0.0e+00;
	v47 =	vmul.f32 s30, v47;
	v44 =	vmul.f32 s30, v44  }
0xaa: {  	v38 =	vmax.f32 v38, $0.0e+00;
	v42 =	vmul.f32 s30, v42;
	v60 =	vmul.f32 s30, v48  }
0xab: {  	v43 =	vmax.f32 v43, $0.0e+00;
	v38 =	vmul.f32 s30, v38;
	v45 =	vmul.f32 s30, v45  }
0xac: {  	v41 =	vmax.f32 v54, $0.0e+00;
	v43 =	vmul.f32 s30, v43;
	v37 =	vmul.f32 s30, v37  }
0xad: {  	v41 =	vmul.f32 s30, v41;
	v62 =	vshrl.u32 v39, $0x10;
	v56 =	vshrl.u32 v47, $0x10  }
0xae: {  	v57 =	vshrl.u32 v44, $0x10;
	v48 =	vshrl.u32 v60, $0x10;
	v61 =	vshrl.u32 v40, $0x10  }
0xaf: {  	v54 =	vshrl.u32 v43, $0x10;
	v55 =	vshrl.u32 v42, $0x10;
	v63 =	vand.u32 $0x1, v62  }
0xb0: {  	v58 =	vand.u32 $0x1, v56;
	v59 =	vand.u32 $0x1, v57;
	v62 =	vshrl.u32 v38, $0x10  }
0xb1: {  	v48 =	vand.u32 $0x1, v48;
	v49 =	vand.u32 $0x1, v61;
	v39 =	vadd.s32 v63, v39  }
0xb2: {  	v46 =	vadd.s32 v58, v47;
	v44 =	vadd.s32 v59, v44;
	v63 =	vshrl.u32 v45, $0x10  }
0xb3: {  	v50 =	vand.u32 $0x1, v62;
	v47 =	vadd.s32 v48, v60;
	v40 =	vadd.s32 v49, v40  }
0xb4: {  	v49 =	vand.u32 $0x1, v54;
	v58 =	vshrl.u32 v37, $0x10;
	v62 =	vshrl.u32 v41, $0x10  }
0xb5: {  	v39 =	vadd.s32 $0x7FFF, v39;
	v46 =	vadd.s32 $0x7FFF, v46;
	v44 =	vadd.s32 $0x7FFF, v44  }
0xb6: {  	v51 =	vand.u32 $0x1, v63;
	v38 =	vadd.s32 v50, v38;
	v47 =	vadd.s32 $0x7FFF, v47  }
0xb7: {  	v40 =	vadd.s32 $0x7FFF, v40;
	v50 =	vand.u32 $0x1, v55;
	v43 =	vadd.s32 v49, v43  }
0xb8: {  	v53 =	vld [tilespmem:s5+$0x2C30];
	v59 =	vand.u32 $0x1, v58;
	v39 =	vand.u32 $0xFFFF0000, v39;
	v44 =	vand.u32 $0xFFFF0000, v44  }
0xb9: {  	v52 =	vld [tilespmem:s5+$0x5430];
	v46 =	vand.u32 $0xFFFF0000, v46;
	v38 =	vadd.s32 $0x7FFF, v38;
	v39 =	vmul.f32 v39, v21  }
0xba: {  	v45 =	vadd.s32 v51, v45;
	v47 =	vand.u32 $0xFFFF0000, v47;
	v40 =	vand.u32 $0xFFFF0000, v40  }
0xbb: {  	v43 =	vadd.s32 $0x7FFF, v43;
	v46 =	vmul.f32 v46, v22;
	v39 =	vadd.f32 $0.0e+00, v39  }
0xbc: {  	v56 =	vld [tilespmem:s5+$0x5450];
	v42 =	vadd.s32 v50, v42;
	v37 =	vadd.s32 v59, v37;
	v44 =	vmul.f32 v44, v23  }
0xbd: {  	v61 =	vld [tilespmem:s5+$0x2C60];
	v38 =	vand.u32 $0xFFFF0000, v38;
	v47 =	vmul.f32 v47, v26;
	v39 =	vadd.f32 v46, v39  }
0xbe: {  	v49 =	vld [tilespmem:s5+$0x5460];
	v45 =	vadd.s32 $0x7FFF, v45;
	v46 =	vmul.f32 v38, v28;
	v38 =	vmul.f32 v52, v53  }
0xbf: {  	v57 =	vld [tilespmem:s5+$0x2C50];
	v40 =	vmul.f32 v40, v24;
	v43 =	vand.u32 $0xFFFF0000, v43;
	v39 =	vadd.f32 v44, v39  }
0xc0: {  	v63 =	vld [tilespmem:s5+$0x2C70];
	v42 =	vadd.s32 $0x7FFF, v42;
	v45 =	vand.u32 $0xFFFF0000, v45;
	v38 =	vmax.f32 v38, $0.0e+00  }
0xc1: {  	v45 =	vmul.f32 v45, v25;
	v53 =	vld [tilespmem:s5+$0x5470];
	v38 =	vmul.f32 s30, v38;
	v39 =	vadd.f32 v40, v39  }
0xc2: {  	v58 =	vadd.s32 $0x7FFF, v37;
	v43 =	vmul.f32 v43, v27;
	v42 =	vand.u32 $0xFFFF0000, v42  }
0xc3: {  	v59 =	vmul.f32 v49, v61;
	v60 =	vshrl.u32 v38, $0x10;
	v45 =	vadd.f32 v45, v39  }
0xc4: {  	v54 =	vld [tilespmem:s5+$0x2C40];
	v61 =	vand.u32 $0x1, v62;
	v44 =	vmul.f32 v56, v57;
	v50 =	vand.u32 $0x1, v60  }
0xc5: {  	v62 =	vadd.s32 v61, v41;
	v38 =	vadd.s32 v50, v38;
	v50 =	vld [tilespmem:s5+$0x5440];
	v56 =	vadd.f32 v47, v45  }
0xc6: {  	v57 =	vmax.f32 v44, $0.0e+00;
	v44 =	vmax.f32 v59, $0.0e+00;
	v41 =	vmul.f32 v53, v63  }
0xc7: {  	v63 =	vadd.s32 $0x7FFF, v62;
	v38 =	vadd.s32 $0x7FFF, v38;
	v40 =	vadd.f32 v43, v56  }
0xc8: {  	v39 =	vmul.f32 v42, v29;
	v60 =	vand.u32 $0xFFFF0000, v58;
	v38 =	vand.u32 $0xFFFF0000, v38  }
0xc9: {  	s8 =	simm.s32 $0x100;
	v37 =	vmul.f32 v38, v32;
	v38 =	vmul.f32 s30, v57;
	v43 =	vadd.f32 v46, v40  }
0xca: {  	s7 =	simm.s32 $0x8D00;
	s9 =	simm.s32 $0x7801;
	s12 =	simm.s32 $0x8D00;
	v42 =	vand.u32 $0xFFFF0000, v63;
	v40 =	vmul.f32 v60, v30;
	v45 =	vmul.f32 v50, v54  }
.LBB2_3:
0xcb: {  	v39 =	vadd.f32 v39, v43;
	v43 =	vmul.f32 s30, v44;
	v41 =	vmax.f32 v41, $0.0e+00;
	s7 =	sadd.s32 $0x10, s7;
	s4 =	sadd.s32 $0x80, s4;
	s11 =	sadd.s32 $0x1, s11  }
0xcc: {  	p0 =	sne.s32 s8, $0x2700;
	s6 =	smov.u32 s8;
	s8 =	sadd.s32 $0x100, s8;
	v44 =	vmax.f32 v45, $0.0e+00;
	v41 =	vmul.f32 s30, v41  }
0xcd: {  	v42 =	vmul.f32 v42, v31;
	v44 =	vmul.f32 s30, v44;
	v45 =	vshrl.u32 v43, $0x10  }
0xce: {  	v46 =	vshrl.u32 v38, $0x10;
	v47 =	vshrl.u32 v41, $0x10  }
0xcf: {  	v46 =	vand.u32 $0x1, v46;
	v39 =	vadd.f32 v40, v39;
	v40 =	vshrl.u32 v44, $0x10  }
0xd0: {  	v38 =	vadd.s32 v46, v38;
	v45 =	vand.u32 $0x1, v45;
	v40 =	vand.u32 $0x1, v40  }
0xd1: {  	s6 =	sand.u32 $0x3800, s6;
	s30 =	sand.u32 $0x380, s4;
	v38 =	vadd.s32 $0x7FFF, v38;
	v39 =	vadd.f32 v42, v39;
	v40 =	vadd.s32 v40, v44  }
0xd2: {  	s6 =	sor.u32 s30, s6;
	v38 =	vand.u32 $0xFFFF0000, v38;
	v42 =	vand.u32 $0x1, v47;
	v40 =	vadd.s32 $0x7FFF, v40  }
0xd3: {  	v38 =	vmul.f32 v38, v34;
	v37 =	vadd.f32 v37, v39;
	v39 =	vand.u32 $0xFFFF0000, v40  }
0xd4: {  	v41 =	vadd.s32 v42, v41;
	v40 =	vadd.s32 v45, v43;
	v39 =	vmul.f32 v39, v33  }
0xd5: {  	v41 =	vadd.s32 $0x7FFF, v41;
	v40 =	vadd.s32 $0x7FFF, v40  }
0xd6: {  	v37 =	vadd.f32 v39, v37;
	v39 =	vand.u32 $0xFFFF0000, v40;
	v40 =	vand.u32 $0xFFFF0000, v41  }
0xd7: {  	v39 =	vmul.f32 v39, v35  }
0xd8: {  	v37 =	vadd.f32 v38, v37;
	_ =	sdelay $0x1  }
0xd9: {  	v38 =	vmul.f32 v40, v36;
	v37 =	vadd.f32 v39, v37;
	_ =	sdelay $0x1  }
0xda: {  	v37 =	vadd.f32 v38, v37;
	_ =	sdelay $0x1  }
0xdb: {  	[tilespmem:s12+$0x0] =	vst v37;
	s12 =	smov.u32 s7  }
0xdc: {  	v37 =	vld [tilespmem:s9+$0x0]  }
0xdd: {  	v38 =	vld [tilespmem:s11+$0x0]  }
0xde: {  	v39 =	vld [tilespmem:s6+$0x2800]  }
0xdf: {  	v40 =	vld [tilespmem:s6+$0x5030]  }
0xe0: {  	v41 =	vld [tilespmem:s6+$0x2830]  }
0xe1: {  	v42 =	vld [tilespmem:s6+$0x5400]  }
0xe2: {  	v43 =	vld [tilespmem:s6+$0x5410];
	(v2sf) =	vpush v37, $0x0  }
0xe3: {  	v37 =	vld [tilespmem:s6+$0x2C10];
	(v2sf) =	vpush v38, $0x0  }
0xe4: {  	v38 =	vld [tilespmem:s6+$0x5060]  }
0xe5: {  	v40 =	vmul.f32 v40, v41;
	v41 =	vld [tilespmem:s6+$0x5420]  }
0xe6: {  	v44 =	vld [tilespmem:s6+$0x2C20]  }
0xe7: {  	v45 =	vld [tilespmem:s6+$0x5020]  }
0xe8: {  	v46 =	vld [tilespmem:s6+$0x2820];
	v37 =	vmul.f32 v43, v37  }
0xe9: {  	v43 =	vld [tilespmem:s6+$0x2860]  }
0xea: {  	v47 =	vld [tilespmem:s6+$0x2C00]  }
0xeb: {  	v48 =	vld [tilespmem:s6+$0x5000];
	v41 =	vmul.f32 v41, v44  }
0xec: {  	v44 =	vld [tilespmem:s6+$0x2810]  }
0xed: {  	v49 =	vld [tilespmem:s6+$0x5010];
	v45 =	vmul.f32 v45, v46  }
0xee: {  	v40 =	vmax.f32 v40, $0.0e+00;
	v37 =	vmax.f32 v37, $0.0e+00;
	v38 =	vmul.f32 v38, v43  }
0xef: {  	v41 =	vmax.f32 v41, $0.0e+00;
	v43 =	vmax.f32 v45, $0.0e+00;
	v42 =	vmul.f32 v42, v47  }
0xf0: {  	v39 =	vmul.f32 v48, v39;
	v38 =	vmax.f32 v38, $0.0e+00;
	v45 =	vld [tilespmem:s6+$0x5070]  }
0xf1: {  	v46 =	vld [tilespmem:s6+$0x5040];
	v42 =	vmax.f32 v42, $0.0e+00;
	s30 =	spop (v2sf)  }
0xf2: {  	v44 =	vmul.f32 v49, v44;
	v47 =	vld [tilespmem:s6+$0x2840];
	s5 =	spop (v2sf)  }
0xf3: {  	s30 =	smul.f32 s5, s30;
	v48 =	vld [tilespmem:s6+$0x5050]  }
0xf4: {  	v39 =	vmax.f32 v39, $0.0e+00;
	v44 =	vmax.f32 v44, $0.0e+00;
	v49 =	vld [tilespmem:s6+$0x2850]  }
0xf5: {  	v39 =	vmul.f32 s30, v39;
	v40 =	vmul.f32 s30, v40;
	v50 =	vld [tilespmem:s6+$0x2870]  }
0xf6: {  	v44 =	vmul.f32 s30, v44;
	v43 =	vmul.f32 s30, v43  }
0xf7: {  	v42 =	vmul.f32 s30, v42;
	v51 =	vshrl.u32 v39, $0x10;
	v46 =	vmul.f32 v46, v47  }
0xf8: {  	v52 =	vshrl.u32 v43, $0x10;
	v47 =	vand.u32 $0x1, v51;
	v51 =	vshrl.u32 v44, $0x10  }
0xf9: {  	v39 =	vadd.s32 v47, v39;
	v47 =	vand.u32 $0x1, v51;
	v48 =	vmul.f32 v48, v49  }
0xfa: {  	v46 =	vmax.f32 v46, $0.0e+00;
	v39 =	vadd.s32 $0x7FFF, v39;
	v45 =	vmul.f32 v45, v50  }
0xfb: {  	v44 =	vadd.s32 v47, v44;
	v47 =	vand.u32 $0x1, v52;
	v39 =	vand.u32 $0xFFFF0000, v39  }
0xfc: {  	v44 =	vadd.s32 $0x7FFF, v44;
	v48 =	vmax.f32 v48, $0.0e+00;
	v39 =	vmul.f32 v39, v21  }
0xfd: {  	v43 =	vadd.s32 v47, v43;
	v47 =	vmul.f32 s30, v48;
	v45 =	vmax.f32 v45, $0.0e+00  }
0xfe: {  	v43 =	vadd.s32 $0x7FFF, v43;
	v45 =	vmul.f32 s30, v45;
	v39 =	vadd.f32 $0.0e+00, v39  }
0xff: {  	v46 =	vmul.f32 s30, v46;
	v43 =	vand.u32 $0xFFFF0000, v43;
	v48 =	vshrl.u32 v47, $0x10  }
0x100: {  	v49 =	vshrl.u32 v40, $0x10;
	v43 =	vmul.f32 v43, v23;
	v50 =	vshrl.u32 v45, $0x10  }
0x101: {  	v51 =	vshrl.u32 v46, $0x10;
	v48 =	vand.u32 $0x1, v48;
	v50 =	vand.u32 $0x1, v50  }
0x102: {  	v44 =	vand.u32 $0xFFFF0000, v44;
	v51 =	vand.u32 $0x1, v51;
	v45 =	vadd.s32 v50, v45  }
0x103: {  	v44 =	vmul.f32 v44, v22;
	v47 =	vadd.s32 v48, v47;
	v45 =	vadd.s32 $0x7FFF, v45  }
0x104: {  	v46 =	vadd.s32 v51, v46;
	v47 =	vadd.s32 $0x7FFF, v47;
	v45 =	vand.u32 $0xFFFF0000, v45;
	v48 =	vld [tilespmem:s6+$0x5430]  }
0x105: {  	v39 =	vadd.f32 v44, v39;
	v44 =	vadd.s32 $0x7FFF, v46;
	v45 =	vmul.f32 v45, v28;
	v46 =	vld [tilespmem:s6+$0x2C30]  }
0x106: {  	v38 =	vmul.f32 s30, v38;
	v49 =	vand.u32 $0x1, v49;
	v44 =	vand.u32 $0xFFFF0000, v44  }
0x107: {  	v37 =	vmul.f32 s30, v37;
	v40 =	vadd.s32 v49, v40;
	v47 =	vand.u32 $0xFFFF0000, v47  }
0x108: {  	v49 =	vshrl.u32 v38, $0x10;
	v40 =	vadd.s32 $0x7FFF, v40;
	v50 =	vshrl.u32 v42, $0x10  }
0x109: {  	v49 =	vand.u32 $0x1, v49;
	v40 =	vand.u32 $0xFFFF0000, v40;
	v50 =	vand.u32 $0x1, v50  }
0x10a: {  	v38 =	vadd.s32 v49, v38;
	v47 =	vmul.f32 v47, v26;
	v46 =	vmul.f32 v48, v46;
	v48 =	vld [tilespmem:s6+$0x5460]  }
0x10b: {  	v40 =	vmul.f32 v40, v24;
	v38 =	vadd.s32 $0x7FFF, v38;
	v44 =	vmul.f32 v44, v25;
	v49 =	vld [tilespmem:s6+$0x5450]  }
0x10c: {  	v38 =	vand.u32 $0xFFFF0000, v38;
	v39 =	vadd.f32 v43, v39;
	v43 =	vmax.f32 v46, $0.0e+00;
	v46 =	vld [tilespmem:s6+$0x2C50]  }
0x10d: {  	v38 =	vmul.f32 v38, v27;
	v42 =	vadd.s32 v50, v42;
	v43 =	vmul.f32 s30, v43;
	v50 =	vld [tilespmem:s6+$0x5440]  }
0x10e: {  	v41 =	vmul.f32 s30, v41;
	v51 =	vshrl.u32 v37, $0x10;
	v42 =	vadd.s32 $0x7FFF, v42;
	v52 =	vld [tilespmem:s6+$0x2C40]  }
0x10f: {  	v39 =	vadd.f32 v40, v39;
	v40 =	vand.u32 $0x1, v51;
	v51 =	vshrl.u32 v43, $0x10;
	v53 =	vld [tilespmem:s6+$0x2C60]  }
0x110: {  	v54 =	vshrl.u32 v41, $0x10;
	v42 =	vand.u32 $0xFFFF0000, v42;
	v51 =	vand.u32 $0x1, v51;
	v55 =	vld [tilespmem:s6+$0x5470]  }
0x111: {  	v44 =	vadd.f32 v44, v39;
	v43 =	vadd.s32 v51, v43;
	v46 =	vmul.f32 v49, v46;
	v49 =	vld [tilespmem:s6+$0x2C70]  }
0x112: {  	v37 =	vadd.s32 v40, v37;
	v39 =	vmul.f32 v42, v29;
	v40 =	vadd.s32 $0x7FFF, v43  }
0x113: {  	v42 =	vadd.f32 v47, v44;
	v40 =	vand.u32 $0xFFFF0000, v40;
	v43 =	vmax.f32 v46, $0.0e+00  }
.Ltmp0:
0x114: {  	v44 =	vadd.s32 $0x7FFF, v37;
	v37 =	vmul.f32 v40, v32;
	v40 =	vmul.f32 v48, v53;
	(pc) =	sbr.rel @p0 .LBB2_3-.Ltmp0, $4  }
0x115: {  	v42 =	vadd.f32 v38, v42;
	v38 =	vand.u32 $0x1, v54;
	v46 =	vand.u32 $0xFFFF0000, v44  }
0x116: {  	v44 =	vadd.s32 v38, v41;
	v38 =	vmul.f32 s30, v43;
	v41 =	vmul.f32 v55, v49  }
0x117: {  	v43 =	vadd.f32 v45, v42;
	v42 =	vadd.s32 $0x7FFF, v44;
	v44 =	vmax.f32 v40, $0.0e+00  }
0x118: {  	s9 =	sadd.s32 $0x1, s9;
	v45 =	vmul.f32 v50, v52;
	v42 =	vand.u32 $0xFFFF0000, v42;
	v40 =	vmul.f32 v46, v30  }
0x119: {  	_ = 	snop  }
0x11a: {  	v45 =	vmax.f32 v45, $0.0e+00  }
0x11b: {  	v45 =	vmul.f32 s30, v45  }
0x11c: {  	v39 =	vadd.f32 v39, v43;
	v60 =	vmul.f32 s30, v44;
	v41 =	vmax.f32 v41, $0.0e+00  }
0x11d: {  	v42 =	vmul.f32 v42, v31;
	v63 =	vshrl.u32 v38, $0x10;
	v61 =	vshrl.u32 v45, $0x10  }
0x11e: {  	v41 =	vmul.f32 s30, v41;
	v39 =	vadd.f32 v40, v39;
	v62 =	vand.u32 $0x1, v61  }
0x11f: {  	v44 =	vand.u32 $0x1, v63;
	v46 =	vshrl.u32 v60, $0x10;
	v40 =	vadd.s32 v62, v45  }
0x120: {  	v47 =	vshrl.u32 v41, $0x10;
	v39 =	vadd.f32 v42, v39;
	v40 =	vadd.s32 $0x7FFF, v40  }
0x121: {  	v46 =	vand.u32 $0x1, v46;
	v45 =	vadd.s32 v44, v38;
	v40 =	vand.u32 $0xFFFF0000, v40  }
0x122: {  	v37 =	vadd.f32 v37, v39;
	v38 =	vadd.s32 $0x7FFF, v45;
	v48 =	vmul.f32 v40, v33  }
0x123: {  	v49 =	vand.u32 $0x1, v47;
	v42 =	vadd.s32 v46, v60;
	v38 =	vand.u32 $0xFFFF0000, v38  }
0x124: {  	v42 =	vadd.s32 $0x7FFF, v42;
	v38 =	vmul.f32 v38, v34;
	v37 =	vadd.f32 v48, v37  }
0x125: {  	v50 =	vadd.s32 v49, v41;
	v51 =	vand.u32 $0xFFFF0000, v42  }
0x126: {  	v39 =	vadd.s32 $0x7FFF, v50;
	v40 =	vmul.f32 v51, v35;
	v37 =	vadd.f32 v38, v37  }
0x127: {  	v52 =	vand.u32 $0xFFFF0000, v39  }
0x128: {  	v38 =	vmul.f32 v52, v36;
	v37 =	vadd.f32 v40, v37;
	_ =	sdelay $0x1  }
0x129: {  	v37 =	vadd.f32 v38, v37;
	_ =	sdelay $0x1  }
0x12a: {  	[tilespmem:s12+$0x0] =	vst v37  }
0x12b: {  	v37 =	vld.idx.msk [tilespmem:v0+s29+$0x0], $0xffff;
	_ =	sdelay $0x1  }
0x12c: {  	v53 =	vld.idx.msk [tilespmem:v4+s29+$0x0], $0xffff;
	_ =	sdelay $0x1  }
0x12d: {  	v54 =	vld.idx.msk [tilespmem:v5+s29+$0x0], $0xffff  }
0x12e: {  	v37 =	vadd.f32 $0.0e+00, v37  }
0x12f: {  	v55 =	vld.idx.msk [tilespmem:v6+s29+$0x0], $0xffff  }
0x130: {  	v37 =	vadd.f32 v53, v37  }
0x131: {  	v56 =	vld.idx.msk [tilespmem:v7+s29+$0x0], $0xffff  }
0x132: {  	v37 =	vadd.f32 v54, v37  }
0x133: {  	v57 =	vld.idx.msk [tilespmem:v8+s29+$0x0], $0xffff  }
0x134: {  	v37 =	vadd.f32 v55, v37  }
0x135: {  	v58 =	vld.idx.msk [tilespmem:v9+s29+$0x0], $0xffff  }
0x136: {  	v37 =	vadd.f32 v56, v37  }
0x137: {  	v59 =	vld.idx.msk [tilespmem:v10+s29+$0x0], $0xffff  }
0x138: {  	v37 =	vadd.f32 v57, v37  }
0x139: {  	v60 =	vld.idx.msk [tilespmem:v11+s29+$0x0], $0xffff  }
0x13a: {  	v37 =	vadd.f32 v58, v37  }
0x13b: {  	v61 =	vld.idx.msk [tilespmem:v12+s29+$0x0], $0xffff  }
0x13c: {  	v37 =	vadd.f32 v59, v37  }
0x13d: {  	v62 =	vld.idx.msk [tilespmem:v13+s29+$0x0], $0xffff  }
0x13e: {  	v37 =	vadd.f32 v60, v37  }
0x13f: {  	v63 =	vld.idx.msk [tilespmem:v14+s29+$0x0], $0xffff  }
0x140: {  	v37 =	vadd.f32 v61, v37  }
0x141: {  	v44 =	vld.idx.msk [tilespmem:v15+s29+$0x0], $0xffff  }
0x142: {  	v37 =	vadd.f32 v62, v37  }
0x143: {  	v45 =	vld.idx.msk [tilespmem:v16+s29+$0x0], $0xffff  }
0x144: {  	v37 =	vadd.f32 v63, v37  }
0x145: {  	v46 =	vld.idx.msk [tilespmem:v17+s29+$0x0], $0xffff  }
0x146: {  	v37 =	vadd.f32 v44, v37  }
0x147: {  	v47 =	vld.idx.msk [tilespmem:v18+s29+$0x0], $0xffff  }
0x148: {  	v37 =	vadd.f32 v45, v37;
	_ =	sdelay $0x1  }
0x149: {  	v37 =	vadd.f32 v46, v37;
	_ =	sdelay $0x1  }
0x14a: {  	v37 =	vadd.f32 v47, v37;
	_ =	sdelay $0x1  }
0x14b: {  	vm1 =	vgt.f32 v37, $0.0e+00  }
0x14c: {  	v37 =	vnsel vm1, $0xD9FFCB9E, v37  }
0x14d: {  	v48 =	vor.u32 $0x102, v0;
	[tilespmem:s0+$0x7900] =	vst v37  }
0x14e: {  	v49 =	vld.idx.msk [tilespmem:v19+s29+$0x0], $0xffff  }
0x14f: {  	v50 =	vor.u32 $0x103, v0  }
0x150: {  	v51 =	vld.idx.msk [tilespmem:v20+s29+$0x0], $0xffff  }
0x151: {  	v52 =	vor.u32 $0x104, v0  }
0x152: {  	v37 =	vld.idx.msk [tilespmem:v48+s29+$0x0], $0xffff  }
0x153: {  	v53 =	vor.u32 $0x105, v0;
	v38 =	vadd.f32 $0.0e+00, v49  }
0x154: {  	v39 =	vld.idx.msk [tilespmem:v50+s29+$0x0], $0xffff  }
0x155: {  	v54 =	vor.u32 $0x106, v0;
	v38 =	vadd.f32 v51, v38  }
0x156: {  	v41 =	vld.idx.msk [tilespmem:v52+s29+$0x0], $0xffff  }
0x157: {  	v55 =	vor.u32 $0x107, v0;
	v37 =	vadd.f32 v37, v38  }
0x158: {  	v42 =	vld.idx.msk [tilespmem:v53+s29+$0x0], $0xffff  }
0x159: {  	v56 =	vor.u32 $0x108, v0;
	v37 =	vadd.f32 v39, v37  }
0x15a: {  	v40 =	vld.idx.msk [tilespmem:v54+s29+$0x0], $0xffff  }
0x15b: {  	v57 =	vor.u32 $0x109, v0;
	v37 =	vadd.f32 v41, v37  }
0x15c: {  	v38 =	vld.idx.msk [tilespmem:v55+s29+$0x0], $0xffff  }
0x15d: {  	v58 =	vor.u32 $0x10A, v0;
	v37 =	vadd.f32 v42, v37  }
0x15e: {  	v39 =	vld.idx.msk [tilespmem:v56+s29+$0x0], $0xffff  }
0x15f: {  	v59 =	vor.u32 $0x10B, v0;
	v37 =	vadd.f32 v40, v37  }
0x160: {  	v41 =	vld.idx.msk [tilespmem:v57+s29+$0x0], $0xffff  }
0x161: {  	v60 =	vor.u32 $0x10C, v0;
	v37 =	vadd.f32 v38, v37  }
0x162: {  	v42 =	vld.idx.msk [tilespmem:v58+s29+$0x0], $0xffff  }
0x163: {  	v61 =	vor.u32 $0x10D, v0;
	v37 =	vadd.f32 v39, v37  }
0x164: {  	v40 =	vld.idx.msk [tilespmem:v59+s29+$0x0], $0xffff  }
0x165: {  	v62 =	vor.u32 $0x10E, v0;
	v37 =	vadd.f32 v41, v37  }
0x166: {  	v38 =	vld.idx.msk [tilespmem:v60+s29+$0x0], $0xffff  }
0x167: {  	v63 =	vor.u32 $0x10F, v0;
	v37 =	vadd.f32 v42, v37  }
0x168: {  	v39 =	vld.idx.msk [tilespmem:v61+s29+$0x0], $0xffff  }
0x169: {  	v37 =	vadd.f32 v40, v37  }
0x16a: {  	v44 =	vld.idx.msk [tilespmem:v62+s29+$0x0], $0xffff  }
0x16b: {  	v37 =	vadd.f32 v38, v37  }
0x16c: {  	v45 =	vld.idx.msk [tilespmem:v63+s29+$0x0], $0xffff  }
0x16d: {  	v37 =	vadd.f32 v39, v37;
	_ =	sdelay $0x1  }
0x16e: {  	v37 =	vadd.f32 v44, v37;
	_ =	sdelay $0x1  }
0x16f: {  	v46 =	vor.u32 $0x200, v0;
	v37 =	vadd.f32 v45, v37;
	_ =	sdelay $0x1  }
0x170: {  	v47 =	vor.u32 $0x201, v0;
	vm1 =	vgt.f32 v37, $0.0e+00  }
0x171: {  	v37 =	vnsel vm1, $0xD9FFCB9E, v37  }
0x172: {  	v48 =	vor.u32 $0x202, v0;
	[tilespmem:s0+$0x7910] =	vst v37  }
0x173: {  	v38 =	vld.idx.msk [tilespmem:v46+s29+$0x0], $0xffff  }
0x174: {  	v49 =	vor.u32 $0x203, v0  }
0x175: {  	v39 =	vld.idx.msk [tilespmem:v47+s29+$0x0], $0xffff  }
0x176: {  	v50 =	vor.u32 $0x204, v0  }
0x177: {  	v37 =	vld.idx.msk [tilespmem:v48+s29+$0x0], $0xffff  }
0x178: {  	v51 =	vor.u32 $0x205, v0;
	v38 =	vadd.f32 $0.0e+00, v38  }
0x179: {  	v40 =	vld.idx.msk [tilespmem:v49+s29+$0x0], $0xffff  }
0x17a: {  	v52 =	vor.u32 $0x206, v0;
	v38 =	vadd.f32 v39, v38  }
0x17b: {  	v41 =	vld.idx.msk [tilespmem:v50+s29+$0x0], $0xffff  }
0x17c: {  	v53 =	vor.u32 $0x207, v0;
	v37 =	vadd.f32 v37, v38  }
0x17d: {  	v42 =	vld.idx.msk [tilespmem:v51+s29+$0x0], $0xffff  }
0x17e: {  	v54 =	vor.u32 $0x208, v0;
	v37 =	vadd.f32 v40, v37  }
0x17f: {  	v39 =	vld.idx.msk [tilespmem:v52+s29+$0x0], $0xffff  }
0x180: {  	v55 =	vor.u32 $0x209, v0;
	v37 =	vadd.f32 v41, v37  }
0x181: {  	v38 =	vld.idx.msk [tilespmem:v53+s29+$0x0], $0xffff  }
0x182: {  	v56 =	vor.u32 $0x20A, v0;
	v37 =	vadd.f32 v42, v37  }
0x183: {  	v40 =	vld.idx.msk [tilespmem:v54+s29+$0x0], $0xffff  }
0x184: {  	v57 =	vor.u32 $0x20B, v0;
	v37 =	vadd.f32 v39, v37  }
0x185: {  	v41 =	vld.idx.msk [tilespmem:v55+s29+$0x0], $0xffff  }
0x186: {  	v58 =	vor.u32 $0x20C, v0;
	v37 =	vadd.f32 v38, v37  }
0x187: {  	v42 =	vld.idx.msk [tilespmem:v56+s29+$0x0], $0xffff  }
0x188: {  	v59 =	vor.u32 $0x20D, v0;
	v37 =	vadd.f32 v40, v37  }
0x189: {  	v39 =	vld.idx.msk [tilespmem:v57+s29+$0x0], $0xffff  }
0x18a: {  	v60 =	vor.u32 $0x20E, v0;
	v37 =	vadd.f32 v41, v37  }
0x18b: {  	v38 =	vld.idx.msk [tilespmem:v58+s29+$0x0], $0xffff  }
0x18c: {  	v61 =	vor.u32 $0x20F, v0;
	v37 =	vadd.f32 v42, v37  }
0x18d: {  	v40 =	vld.idx.msk [tilespmem:v59+s29+$0x0], $0xffff  }
0x18e: {  	v37 =	vadd.f32 v39, v37  }
0x18f: {  	v62 =	vld.idx.msk [tilespmem:v60+s29+$0x0], $0xffff  }
0x190: {  	v37 =	vadd.f32 v38, v37  }
0x191: {  	v63 =	vld.idx.msk [tilespmem:v61+s29+$0x0], $0xffff  }
0x192: {  	v37 =	vadd.f32 v40, v37;
	_ =	sdelay $0x1  }
0x193: {  	s3 =	sadd.s32 $0x1, s3;
	v37 =	vadd.f32 v62, v37  }
0x194: {  	p0 =	sne.s32 s3, $0x7D  }
.Ltmp1:
0x195: {  	v37 =	vadd.f32 v63, v37;
	(pc) =	sbr.rel @p0 .LBB2_2-.Ltmp1, $4  }
0x196: {  	_ = 	snop  }
0x197: {  	vm1 =	vgt.f32 v37, $0.0e+00  }
0x198: {  	v37 =	vnsel vm1, $0xD9FFCB9E, v37  }
0x199: {  	[tilespmem:s0+$0x7920] =	vst v37  }
0x19a: {  	s5 =	simm.s32 $0x0;
	s0 =	rddreg [dreg:$0x7];
	s3 =	simm.s32 $0x7900  }
0x19b: {  	[hbm4b:s0+s5] =	stream.linear.scatter [tilespmem:s3], [sflag:$0x5], $0x1388, $0x38;
	[tilespmem:$0x9180] =	vst v63  }
0x19c: {  	_ =	swait.ge [sflag:s10], $0x1388  }
0x19d: {  	s31 =	sadd.s32 $0x1, s31;
	s30 =	rddreg [dreg:$0x8]  }
0x19e: {  	p0 =	sne.s32 s31, s30  }
.Ltmp2:
0x19f: {  	_ = 	snop;
	(pc) =	sbr.rel @p0 .LBB2_1-.Ltmp2, $3  }
0x1a0: {  	_ =	sdelay $0x1  }
0x1a1: {  	[sflag:s10] =	ssyncset.done $0x0  }
0x1a2: {  	[sflag:s10] =	ssyncadd.s32 $0xFFFFEC78  }
0x1a3: {  	_ =	sfence.sel $0x180000  }
0x1a4: {  	[bflag:$0x0] =	sbarrier.arrive $0xFFFF  }
0x1a5: {  	_ =	strace $0x90000047  }
0x1a6: {  	s0 =	stileid.u32;
	[bflag:$0x2] =	sbarrier.arrive $0xFFFF  }
0x1a7: {  	p0 =	sne.s32 s0, $0x0;
	s0 =	rddreg [dreg:$0x4]  }
0x1a8: {  	s0 =	sadd.s32 @!p0 $0x100000, s0  }
0x1a9: {  	[sflag:s0] =	ssyncadd.tile.s32 @!p0 $0x1;
	_ =	shalt  }
.Lfunc_end2:
_tile_overlayer_lowered:
.L_overlay_start_2:
0x1aa: {  	(tag) =	ssettag $0x2  }
0x1ab: {  	s0 =	rddreg [dreg:$0x0];
	s2 =	stileid.u32  }
0x1ac: {  	s1 =	rddreg [dreg:$0x1];
	p0 =	sne.s32 s2, $0x0  }
0x1ad: {  	s3 =	rddreg [dreg:$0x2];
	[bflag:$0x3] =	sbarrier.arrive $0xFFFF;
	s2 =	simm.s32 @!p0 $0x1C05  }
0x1ae: {  	[timem:s3], [sflag:s2] =	dma.local @!p0 [hbm:s0], s1  }
0x1af: {  	s0 =	simm.s32 @!p0 $0x5  }
0x1b0: {  	_ =	swait.ge @!p0 [sflag:s0], s1  }
0x1b1: {  	s1 =	ssub.s32 @!p0 $0x0, s1;
	[sflag:s0] =	ssyncset.done @!p0 $0x0  }
0x1b2: {  	[sflag:s0] =	ssyncadd.s32 @!p0 s1  }
0x1b3: {  	[bflag:$0x3] =	sbarrier.arrive $0xFFFF  }
0x1b4: {  	_ =	shalt  }

// kernel: kernel.9.cloned.1.call-start
scs
__scs_entry_jumppad:
0x0: {  	(pc) =	sbr.rel $0x88, $3  }
0x1: {  	(tag) =	ssettag $0x0;
	lr =	simm.s32 $0x1  }
0x2: {  	[smem:$0x3F9D] =	sst lr;
	_ =	strace $0xD0000000  }
0x3: {  	_ = 	snop  }
0x4: {  	_ = 	snop  }
0x5: {  	_ = 	snop  }
0x6: {  	_ = 	snop  }
0x7: {  	_ = 	snop  }
__scs_overlays_trampoline_lowered:
0x8: {  	[smem:$0x3FAC] =	sst s0  }
0x9: {  	[smem:$0x3FAD] =	sst s1  }
0xa: {  	[smem:$0x3FAE] =	sst s2  }
0xb: {  	[smem:$0x3FAF] =	sst s3  }
0xc: {  	[smem:$0x3FB0] =	sst s4  }
0xd: {  	[smem:$0x3FB1] =	sst s5  }
0xe: {  	[smem:$0x3FB2] =	sst s6  }
0xf: {  	[smem:$0x3FB3] =	sst s7  }
0x10: {  	[smem:$0x3FB4] =	sst s8  }
0x11: {  	[smem:$0x3FB5] =	sst s9;
	s0 =	simm.s32 @!p0 $0x0  }
0x12: {  	s1 =	sld [smem:$0x3F9B];
	s0 =	simm.s32 @p0 $0x1  }
0x13: {  	[smem:$0x3FB6] =	sst s0;
	s0 =	simm.s32 @!p1 $0x0  }
0x14: {  	s2 =	sld [smem:$0x3F9A];
	s0 =	simm.s32 @p1 $0x1  }
0x15: {  	[smem:$0x3FB7] =	sst s0;
	s0 =	simm.s32 @!p2 $0x0  }
0x16: {  	s3 =	sld [smem:$0x3FDB];
	s0 =	simm.s32 @p2 $0x1  }
0x17: {  	s4 =	simm.s32 $0x1BF5;
	[smem:$0x3FB9] =	sst s0  }
0x18: {  	s0 =	sld [smem:$0x3F9C];
	_ =	swait.ge [sflag:s4], $0x0  }
0x19: {  	s7 =	sld [smem:$0x3F9D]  }
0x1a: {  	s8 =	sadd.s32 $0xFFFFE003, lr  }
0x1b: {  	s9 =	sadd.s32 $0xFFFFFEF7, lr;
	s5 =	simm.s32 $0xFFFFFFFF;
	p2 =	slt.u32 s8, $0xFFFFF086  }
0x1c: {  	p1 =	slt.u32 s9, $0xF7A;
	s5 =	simm.s32 @!p2 $0x0  }
0x1d: {  	s5 =	simm.s32 @p1 $0x1;
	p0 =	seq.s32 s7, s2  }
0x1e: {  	s7 =	smul.u32 @!p0 $0xF7A, s2;
	p2 =	seq.s32 @!p0 s5, $0x0  }
0x1f: {  	s9 =	smul.u32 $0xF7A, s1;
	s8 =	simm.s32 @!p0 $0x1BF5;
	p2 =	por !p2, p0  }
0x20: {  	[sflag:s8] =	ssyncset.s32 @!p0 $0xFFFFF086;
	s6 =	sadd.s32 @!p0 s3, s7;
	s7 =	simm.s32 @!p0 $0x108  }
0x21: {  	s3 =	sadd.s32 s3, s9;
	s6 =	sadd.s32 @!p0 $0x88, s6;
	s7 =	simm.s32 @p2 $0x1082  }
0x22: {  	[simem:s7], [sflag:s8] =	dma.local @!p0 [hbm:s6], $0xF7A  }
0x23: {  	s9 =	sor.u32 $0xD0000000, s2;
	s6 =	simm.s32 $0x108;
	_ =	swait.ge @!p0 [sflag:s8], $0x0  }
0x24: {  	s3 =	sadd.s32 $0x88, s3;
	s6 =	simm.s32 @!p1 $0x1082;
	[sflag:s4] =	ssyncset.s32 $0xFFFFF086  }
0x25: {  	[simem:s6], [sflag:s4] =	dma.local [hbm:s3], $0xF7A  }
0x26: {  	[smem:$0x3F9D] =	sst s1;
	(tag) =	ssettag s2;
	_ =	strace s9  }
0x27: {  	s1 =	sld [smem:$0x3FAD]  }
0x28: {  	s2 =	sld [smem:$0x3FAE]  }
0x29: {  	s4 =	sld [smem:$0x3FB0]  }
0x2a: {  	p0 =	seq.s32 s5, $0x0;
	s5 =	sld [smem:$0x3FB1]  }
0x2b: {  	s6 =	sld [smem:$0x3FB2]  }
0x2c: {  	s7 =	sld [smem:$0x3FB3]  }
0x2d: {  	s3 =	simm.s32 $0x108;
	s8 =	sld [smem:$0x3FB4]  }
0x2e: {  	s3 =	simm.s32 @!p0 $0x1082;
	s9 =	sld [smem:$0x3FB5]  }
0x2f: {  	lr =	sadd.s32 s0, s3;
	s0 =	sld [smem:$0x3FAC]  }
0x30: {  	s3 =	sld [smem:$0x3FAF]  }
0x31: {  	[smem:$0x3FB8] =	sst s10  }
0x32: {  	s10 =	sld [smem:$0x3FB6];
	_ =	sdelay $0x3  }
0x33: {  	p0 =	seq.s32 s10, $0x1;
	s10 =	sld [smem:$0x3FB8];
	_ =	sdelay $0x3  }
0x34: {  	[smem:$0x3FB8] =	sst s10  }
0x35: {  	s10 =	sld [smem:$0x3FB7];
	_ =	sdelay $0x3  }
0x36: {  	p1 =	seq.s32 s10, $0x1;
	s10 =	sld [smem:$0x3FB8];
	_ =	sdelay $0x3  }
0x37: {  	[smem:$0x3FB8] =	sst s10  }
0x38: {  	s10 =	sld [smem:$0x3FB9]  }
0x39: {  	_ = 	snop;
	(pc) =	sbr.ind lr, $3  }
0x3a: {  	_ = 	snop  }
0x3b: {  	_ = 	snop  }
0x3c: {  	p2 =	seq.s32 s10, $0x1;
	s10 =	sld [smem:$0x3FB8]  }
0x3d: {  	_ =	shalt  }
0x3e: {  	_ =	shalt  }
0x3f: {  	_ =	shalt  }
0x40: {  	_ =	shalt  }
0x41: {  	_ =	shalt  }
0x42: {  	_ =	shalt  }
0x43: {  	_ =	shalt  }
0x44: {  	_ =	shalt  }
0x45: {  	_ =	shalt  }
0x46: {  	_ =	shalt  }
0x47: {  	_ =	shalt  }
0x48: {  	_ =	shalt  }
0x49: {  	_ =	shalt  }
0x4a: {  	_ =	shalt  }
0x4b: {  	_ =	shalt  }
0x4c: {  	_ =	shalt  }
0x4d: {  	_ =	shalt  }
0x4e: {  	_ =	shalt  }
0x4f: {  	_ =	shalt  }
0x50: {  	_ =	shalt  }
0x51: {  	_ =	shalt  }
0x52: {  	_ =	shalt  }
0x53: {  	_ =	shalt  }
0x54: {  	_ =	shalt  }
0x55: {  	_ =	shalt  }
0x56: {  	_ =	shalt  }
0x57: {  	_ =	shalt  }
0x58: {  	_ =	shalt  }
0x59: {  	_ =	shalt  }
0x5a: {  	_ =	shalt  }
0x5b: {  	_ =	shalt  }
0x5c: {  	_ =	shalt  }
0x5d: {  	_ =	shalt  }
0x5e: {  	_ =	shalt  }
0x5f: {  	_ =	shalt  }
0x60: {  	_ =	shalt  }
0x61: {  	_ =	shalt  }
0x62: {  	_ =	shalt  }
0x63: {  	_ =	shalt  }
0x64: {  	_ =	shalt  }
0x65: {  	_ =	shalt  }
0x66: {  	_ =	shalt  }
0x67: {  	_ =	shalt  }
0x68: {  	_ =	shalt  }
0x69: {  	_ =	shalt  }
0x6a: {  	_ =	shalt  }
0x6b: {  	_ =	shalt  }
0x6c: {  	_ =	shalt  }
0x6d: {  	_ =	shalt  }
0x6e: {  	_ =	shalt  }
0x6f: {  	_ =	shalt  }
0x70: {  	_ =	shalt  }
0x71: {  	_ =	shalt  }
0x72: {  	_ =	shalt  }
0x73: {  	_ =	shalt  }
0x74: {  	_ =	shalt  }
0x75: {  	_ =	shalt  }
0x76: {  	_ =	shalt  }
0x77: {  	_ =	shalt  }
0x78: {  	_ =	shalt  }
0x79: {  	_ =	shalt  }
0x7a: {  	_ =	shalt  }
0x7b: {  	_ =	shalt  }
0x7c: {  	_ =	shalt  }
0x7d: {  	_ =	shalt  }
0x7e: {  	_ =	shalt  }
0x7f: {  	_ =	shalt  }
0x80: {  	_ =	shalt  }
0x81: {  	_ =	shalt  }
0x82: {  	_ =	shalt  }
0x83: {  	_ =	shalt  }
0x84: {  	_ =	shalt  }
0x85: {  	_ =	shalt  }
0x86: {  	_ =	shalt  }
0x87: {  	_ =	shalt  }
.Lfunc_end0:
.L_simem_size_0:
called_computation.1_lowered:
.L_overlay_start_0:
0x88: {  	s2 =	sld [smem:$0x3FD9]  }
0x89: {  	s3 =	sld [smem:$0x3FFE];
	_ =	sdelay $0x1  }
0x8a: {  	s1 =	srdreg.scid  }
0x8b: {  	s0 =	sand.u32 $0x1, s1  }
0x8c: {  	s14 =	sshll.u32 s0, $0xA;
	s2 =	sadd.s32 s3, s2  }
0x8d: {  	s2 =	sadd.s32 s2, s14  }
0x8e: {  	[smem:$0x3FC4] =	sst s2  }
0x8f: {  	_ = 	snop  }
0x90: {  	s2 =	sld [smem:$0x3FD0];
	_ =	sdelay $0x2  }
0x91: {  	s15 =	simm.s32 $0xA;
	s4 =	simm.s32 $0x10  }
0x92: {  	[smem:s4], [sflag:s15] =	dma.local [hbm:s2], $0x1  }
0x93: {  	_ =	swait.eq [sflag:s15], $0x1  }
0x94: {  	[sflag:s15] =	ssyncset.done $0x0  }
0x95: {  	[sflag:s15] =	ssyncadd.s32 $0xFFFFFFFF  }
0x96: {  	s16 =	sld [smem:$0x11];
	(tm) =	ssettm $0x1  }
0x97: {  	s17 =	sld [smem:$0x3FFB];
	_ =	sdelay $0x3  }
0x98: {  	_ =	strace s17  }
0x99: {  	s3 =	sld [smem:$0x3FFC];
	_ =	sdelay $0x3  }
0x9a: {  	_ =	strace s3  }
0x9b: {  	s3 =	sld [smem:$0x3FFD];
	_ =	sdelay $0x3  }
0x9c: {  	_ =	strace s3  }
0x9d: {  	_ =	strace $0x8FFFFFFF  }
0x9e: {  	s18 =	sld [smem:$0x3FDB];
	_ =	sdelay $0x1  }
0x9f: {  	s19 =	simm.s32 $_scs_section_size  }
0xa0: {  	s5 =	simm.s32 $_size__tile_overlayer_lowered;
	s6 =	simm.s32 $_tile_overlayer_lowered  }
0xa1: {  	s22 =	simm.s32 $0x1BFF;
	s21 =	sshll.u32 s6, $0x1;
	s3 =	sadd.s32 s19, s18  }
0xa2: {  	s7 =	simm.s32 $0x0;
	s20 =	sshll.u32 s5, $0x1;
	s5 =	sadd.s32 s21, s3  }
0xa3: {  	[timem:s7], [sflag:s22] =	dma.local [hbm:s5], s20  }
0xa4: {  	_ =	swait.ge [sflag:s22], s20  }
0xa5: {  	s4 =	ssub.s32 $0x0, s20;
	[sflag:s22] =	ssyncset.done $0x0  }
0xa6: {  	[sflag:s22] =	ssyncadd.s32 s4;
	_ =	sdelay $0x1  }
0xa7: {  	s23 =	simm.s32 $0x1B8B  }
0xa8: {  	_ =	swait.ge [sflag:s23], $0x1  }
0xa9: {  	[sflag:s23] =	ssyncset.done $0x0  }
0xaa: {  	s25 =	simm.s32 $0x1B8E;
	s24 =	sld [smem:$0x3FFE];
	[sflag:s23] =	ssyncadd.s32 $0xFFFFFFFF  }
0xab: {  	s26 =	simm.s32 $execute0_lowered;
	[smem:$0x3FD2] =	sst s25  }
0xac: {  	s5 =	sshll.u32 s26, $0x1;
	_ =	strace $0x80000049;
	[dreg:$0x1] =	wrdreg $0xFFFFFFFF  }
0xad: {  	s28 =	simm.s32 $_size_execute0_lowered;
	s3 =	sadd.s32 s3, s5;
	[dreg:$0x0] =	wrdreg $0x0  }
0xae: {  	s5 =	sshll.u32 s28, $0x1;
	[dreg:$0x2] =	wrdreg s3  }
0xaf: {  	[dreg:$0x3] =	wrdreg s5  }
0xb0: {  	[dreg:$0x4] =	wrdreg $0xC0  }
0xb1: {  	_ =	task [dreg:s7], $0x5FFFF  }
0xb2: {  	[dreg:$0x1] =	wrdreg $0xFFFFFFFF  }
0xb3: {  	[dreg:$0x0] =	wrdreg $0x60  }
0xb4: {  	[dreg:$0x2] =	wrdreg s24  }
0xb5: {  	[dreg:$0x3] =	wrdreg s16  }
0xb6: {  	[dreg:$0x4] =	wrdreg $0xDC000  }
0xb7: {  	[dreg:$0x5] =	wrdreg $0x9  }
0xb8: {  	_ =	task.clear_ibuf [dreg:s7], $0x6FFFF;
	_ =	strace $0x90000049  }
0xb9: {  	s29 =	simm.s32 $0x9;
	_ =	strace $0x8000004B  }
0xba: {  	_ =	swait.ge [sflag:s29], $0x1  }
0xbb: {  	[sflag:s29] =	ssyncadd.s32 $0xFFFFFFFF  }
0xbc: {  	_ =	strace $0x9000004B  }
0xbd: {  	_ =	sfence  }
0xbe: {  	s30 =	sld [smem:$0x0];
	_ =	sdelay $0x2  }
0xbf: {  	s31 =	sshll.u32 s1, $0xD;
	s1 =	sshrl.u32 s1, $0x2  }
0xc0: {  	s3 =	sand.u32 $0x4000, s31;
	s1 =	sadd.s32 s1, s30  }
0xc1: {  	s0 =	sor.u32 s3, s0;
	s1 =	sshll.u32 s1, $0x11  }
0xc2: {  	s0 =	sor.u32 s1, s0  }
0xc3: {  	s0 =	sadd.s32 $0x8F2B, s0  }
0xc4: {  	[sflag:s0] =	ssyncadd.remote.s32 $0x1  }
0xc5: {  	_ =	sfence.sel $0xFFFF  }
0xc6: {  	[dreg:$0x0] =	wrdreg $0xFFFFFFFF;
	(pc) =	sbr.abs _section_cstart, $3  }
0xc7: {  	[dreg:$0x1] =	wrdreg $0xFFFFFFFF  }
0xc8: {  	_ =	task.clear_ibuf [dreg:s7], $0x2FFFF;
	_ =	strace $0x9FFFFFFF  }
0xc9: {  	(tm) =	ssettm $0x7FFFFFFF  }
tec
execute0_lowered:
.L_overlay_start_1:
0x0: {  	(tag) =	ssettag $0x1  }
0x1: {  	s0 =	rddreg [dreg:$0x0]  }
0x2: {  	s2 =	rddreg [dreg:$0x1]  }
0x3: {  	s3 =	rddreg [dreg:$0x2]  }
0x4: {  	s1 =	srdreg.scid;
	s6 =	stileid.u32;
	s4 =	simm.s32 $0x0  }
0x5: {  	s12 =	simm.s32 $0xB400;
	s5 =	sand.u32 $0x1, s1;
	s18 =	smul.u32 $0x4E2, s6  }
0x6: {  	[smem:$0x7FF] =	sst s4;
	s8 =	smul.u32 $0x30D60, s6;
	s7 =	ssub.s32 $0x2, s5  }
0x7: {  	s6 =	smul.u32 $0xC350, s6;
	_ =	strace $0x8000004A;
	s9 =	sshrl.u32 s7, $0x1  }
0x8: {  	s19 =	sshrl.u32 s8, $0x2;
	s11 =	ssub.s32 s7, s9;
	s7 =	sadd.s32 s0, s18  }
0x9: {  	s10 =	sadd.s32 s6, s3;
	s8 =	simm.s32 $0x80;
	s1 =	sadd.s32 $0x5000, s7  }
0xa: {  	s9 =	sadd.s32 s19, s3;
	s20 =	sadd.s32 $0xA000, s7;
	[dreg:$0x4] =	wrdreg s1  }
0xb: {  	s13 =	sadd.s32 $0x1388, s10;
	s21 =	sadd.s32 $0xB010, s9;
	[dreg:$0x5] =	wrdreg s20  }
0xc: {  	s14 =	sadd.s32 $0x2710, s10;
	s22 =	smax.u32 s11, $0x1;
	[dreg:$0x6] =	wrdreg s21  }
0xd: {  	s15 =	sadd.s32 $0x3A98, s10;
	s23 =	sadd.s32 $0x1390, s9;
	[dreg:$0x7] =	wrdreg s22  }
0xe: {  	s16 =	sadd.s32 $0x4E20, s10;
	s24 =	sadd.s32 $0x2720, s9;
	[dreg:$0x8] =	wrdreg s23  }
0xf: {  	s17 =	sadd.s32 $0x61A8, s10;
	s25 =	sadd.s32 $0x3AB0, s9;
	[dreg:$0x9] =	wrdreg s24  }
0x10: {  	s18 =	sadd.s32 $0x7530, s10;
	s26 =	sadd.s32 $0x4E40, s9;
	[dreg:$0xa] =	wrdreg s25  }
0x11: {  	s19 =	sadd.s32 $0x88B8, s10;
	s28 =	sadd.s32 $0x61D0, s9;
	[dreg:$0xb] =	wrdreg s26  }
0x12: {  	s0 =	simm.s32 $0x3;
	s29 =	sadd.s32 $0x7560, s9;
	[dreg:$0xc] =	wrdreg s28  }
0x13: {  	v0 =	vimm.s32 $0xFFFFFFFF;
	v9 =	vlaneseq.u32;
	s30 =	sadd.s32 $0x88F0, s9;
	s31 =	sadd.s32 $0x9C80, s9;
	[dreg:$0xd] =	wrdreg s29  }
0x14: {  	v1 =	vimm.f32 $0.0e+00;
	v2 =	vor.u32 $0xC3500, v9;
	v3 =	vor.u32 $0xC3510, v9;
	s11 =	simm.s32 $0x1;
	s20 =	sadd.s32 $0x9C40, s10;
	[dreg:$0xe] =	wrdreg s30  }
0x15: {  	v4 =	vor.u32 $0xC3520, v9;
	v5 =	vor.u32 $0xC3530, v9;
	v6 =	vor.u32 $0xC3540, v9;
	s21 =	sadd.s32 $0xAFC8, s10;
	[dreg:$0xf] =	wrdreg s31;
	s1 =	simm.s32 $0xA000  }
0x16: {  	v7 =	vor.u32 $0xC3550, v9;
	v8 =	vor.u32 $0xC3560, v9;
	v9 =	vor.u32 $0xC3570, v9;
	s22 =	simm.s32 $0xC800;
	s23 =	simm.s32 $0x2;
	s24 =	simm.s32 $0x0  }
.LBB2_1:
0x17: {  	s25 =	rddreg [dreg:$0x4]  }
0x18: {  	[tilespmem:s4], [sflag:$0x3] =	stream.linear.gather [hbm4b:s25+s4], $0x2710, $0x38;
	[tilespmem:$0x19F58] =	vst v63  }
0x19: {  	_ =	swait.ge [sflag:s0], $0x2710  }
0x1a: {  	[sflag:s0] =	ssyncset.done $0x0  }
0x1b: {  	s30 =	simm.s32 $0x2800;
	[sflag:s0] =	ssyncadd.s32 $0xFFFFD8F0  }
0x1c: {  	[tilespmem:s30], [sflag:$0x3] =	stream.linear.gather [hbm4b:s7+s4], $0x2710, $0x38;
	[tilespmem:$0x19F58] =	vst v63  }
0x1d: {  	_ =	swait.ge [sflag:s0], $0x2710  }
0x1e: {  	[sflag:s0] =	ssyncset.done $0x0  }
0x1f: {  	s26 =	simm.s32 $0x5000;
	s31 =	rddreg [dreg:$0x5];
	[sflag:s0] =	ssyncadd.s32 $0xFFFFD8F0  }
0x20: {  	[tilespmem:s26], [sflag:$0x3] =	stream.linear.gather [hbm4b:s31+s4], $0x2710, $0x38;
	[tilespmem:$0x19F58] =	vst v63  }
0x21: {  	_ =	swait.ge [sflag:s0], $0x2710  }
0x22: {  	[sflag:s0] =	ssyncset.done $0x0  }
0x23: {  	s25 =	simm.s32 $0x0;
	s26 =	simm.s32 $0x40;
	[sflag:s0] =	ssyncadd.s32 $0xFFFFD8F0  }
.LBB2_2:
0x24: {  	p0 =	sne.s32 s26, $0x9C00;
	v10 =	vld [tilespmem:s25+$0x0];
	_ =	sdelay $0x1  }
0x25: {  	v11 =	vld [tilespmem:s25+$0x2800];
	_ =	sdelay $0x1  }
.Ltmp0:
0x26: {  	(pc) =	sbr.rel @p0 .LBB2_2-.Ltmp0, $3  }
0x27: {  	v10 =	vmul.u32 $0x2710, v10;
	_ =	sdelay $0x1  }
0x28: {  	v10 =	vadd.s32 v11, v10  }
0x29: {  	[tilespmem:s25+$0x0] =	vst v10;
	s25 =	sshra.s32 s26, $0x2;
	s26 =	sadd.s32 $0x40, s26  }
0x2a: {  	v10 =	vld [tilespmem:s25+$0x0];
	_ =	sdelay $0x1  }
0x2b: {  	v11 =	vld [tilespmem:s25+$0x2800];
	_ =	sdelay $0x2  }
0x2c: {  	v10 =	vmul.u32 $0x2710, v10;
	_ =	sdelay $0x1  }
0x2d: {  	v10 =	vadd.s32 v11, v10  }
0x2e: {  	[tilespmem:s25+$0x0] =	vst v10  }
0x2f: {  	[tilespmem:$0x2710] =	vst v0  }
0x30: {  	[tilespmem:$0x2720] =	vst v0  }
0x31: {  	[tilespmem:$0x2730] =	vst v0  }
0x32: {  	[tilespmem:$0x2740] =	vst v0  }
0x33: {  	[tilespmem:$0x2750] =	vst v0  }
0x34: {  	[tilespmem:$0x2760] =	vst v0  }
0x35: {  	[tilespmem:$0x2770] =	vst v0  }
0x36: {  	[tilespmem:$0x2780] =	vst v0  }
0x37: {  	[tilespmem:$0x2790] =	vst v0  }
0x38: {  	[tilespmem:$0x27A0] =	vst v0  }
0x39: {  	[tilespmem:$0x27B0] =	vst v0  }
0x3a: {  	[tilespmem:$0x27C0] =	vst v0  }
0x3b: {  	[tilespmem:$0x27D0] =	vst v0  }
0x3c: {  	[tilespmem:$0x27E0] =	vst v0  }
0x3d: {  	s26 =	simm.s32 $0x0;
	s25 =	simm.s32 $0x40;
	[tilespmem:$0x27F0] =	vst v0  }
.LBB2_4:
0x3e: {  	p0 =	sne.s32 s25, $0x4FC0;
	[tilespmem:s26+$0xA000] =	vst v1;
	s26 =	smov.u32 s25;
	s25 =	sadd.s32 $0x40, s25  }
.Ltmp1:
0x3f: {  	(pc) =	sbr.rel @p0 .LBB2_4-.Ltmp1, $2  }
0x40: {  	_ =	sdelay $0x2  }
0x41: {  	s26 =	sshra.s32 s26, $0x2  }
0x42: {  	[tilespmem:s26+$0xA000] =	vst v1  }
0x43: {  	[spmem:s9] =	stream.linear.scatter [tilespmem:s1], [sflag:$0x3], $0x1390, $0x38;
	[tilespmem:$0x19F58] =	vst v63  }
0x44: {  	_ =	swait.ge [sflag:s0], $0x1390  }
0x45: {  	[sflag:s0] =	ssyncset.done $0x0  }
0x46: {  	s25 =	rddreg [dreg:$0x8];
	[sflag:s0] =	ssyncadd.s32 $0xFFFFEC70  }
0x47: {  	[spmem:s25] =	stream.linear.scatter [tilespmem:s1], [sflag:$0x3], $0x1390, $0x38;
	[tilespmem:$0x19F58] =	vst v63  }
0x48: {  	_ =	swait.ge [sflag:s0], $0x1390  }
0x49: {  	[sflag:s0] =	ssyncset.done $0x0  }
0x4a: {  	s29 =	rddreg [dreg:$0x9];
	[sflag:s0] =	ssyncadd.s32 $0xFFFFEC70  }
0x4b: {  	[spmem:s29] =	stream.linear.scatter [tilespmem:s1], [sflag:$0x3], $0x1390, $0x38;
	[tilespmem:$0x19F58] =	vst v63  }
0x4c: {  	_ =	swait.ge [sflag:s0], $0x1390  }
0x4d: {  	[sflag:s0] =	ssyncset.done $0x0  }
0x4e: {  	s30 =	rddreg [dreg:$0xa];
	[sflag:s0] =	ssyncadd.s32 $0xFFFFEC70  }
0x4f: {  	[spmem:s30] =	stream.linear.scatter [tilespmem:s1], [sflag:$0x3], $0x1390, $0x38;
	[tilespmem:$0x19F58] =	vst v63  }
0x50: {  	_ =	swait.ge [sflag:s0], $0x1390  }
0x51: {  	[sflag:s0] =	ssyncset.done $0x0  }
0x52: {  	s31 =	rddreg [dreg:$0xb];
	[sflag:s0] =	ssyncadd.s32 $0xFFFFEC70  }
0x53: {  	[spmem:s31] =	stream.linear.scatter [tilespmem:s1], [sflag:$0x3], $0x1390, $0x38;
	[tilespmem:$0x19F58] =	vst v63  }
0x54: {  	_ =	swait.ge [sflag:s0], $0x1390  }
0x55: {  	[sflag:s0] =	ssyncset.done $0x0  }
0x56: {  	s26 =	rddreg [dreg:$0xc];
	[sflag:s0] =	ssyncadd.s32 $0xFFFFEC70  }
0x57: {  	[spmem:s26] =	stream.linear.scatter [tilespmem:s1], [sflag:$0x3], $0x1390, $0x38;
	[tilespmem:$0x19F58] =	vst v63  }
0x58: {  	_ =	swait.ge [sflag:s0], $0x1390  }
0x59: {  	[sflag:s0] =	ssyncset.done $0x0  }
0x5a: {  	s28 =	rddreg [dreg:$0xd];
	[sflag:s0] =	ssyncadd.s32 $0xFFFFEC70  }
0x5b: {  	[spmem:s28] =	stream.linear.scatter [tilespmem:s1], [sflag:$0x3], $0x1390, $0x38;
	[tilespmem:$0x19F58] =	vst v63  }
0x5c: {  	_ =	swait.ge [sflag:s0], $0x1390  }
0x5d: {  	[sflag:s0] =	ssyncset.done $0x0  }
0x5e: {  	s29 =	rddreg [dreg:$0xe];
	[sflag:s0] =	ssyncadd.s32 $0xFFFFEC70  }
0x5f: {  	[spmem:s29] =	stream.linear.scatter [tilespmem:s1], [sflag:$0x3], $0x1390, $0x38;
	[tilespmem:$0x19F58] =	vst v63  }
0x60: {  	_ =	swait.ge [sflag:s0], $0x1390  }
0x61: {  	[sflag:s0] =	ssyncset.done $0x0  }
0x62: {  	s30 =	rddreg [dreg:$0xf];
	[sflag:s0] =	ssyncadd.s32 $0xFFFFEC70  }
0x63: {  	[spmem:s30] =	stream.linear.scatter [tilespmem:s1], [sflag:$0x3], $0x1390, $0x38;
	[tilespmem:$0x19F58] =	vst v63  }
0x64: {  	_ =	swait.ge [sflag:s0], $0x1390  }
0x65: {  	[sflag:s0] =	ssyncset.done $0x0  }
0x66: {  	s31 =	rddreg [dreg:$0x6];
	[sflag:s0] =	ssyncadd.s32 $0xFFFFEC70  }
0x67: {  	[spmem:s31] =	stream.linear.scatter [tilespmem:s1], [sflag:$0x3], $0x1348, $0x38;
	[tilespmem:$0x19F58] =	vst v63  }
0x68: {  	_ =	swait.ge [sflag:s0], $0x1348  }
0x69: {  	[sflag:s0] =	ssyncset.done $0x0  }
0x6a: {  	[sflag:s0] =	ssyncadd.s32 $0xFFFFECB8  }
0x6b: {  	s25 =	simm.s32 $0x0;
	[bflag:$0x0] =	sbarrier.arrive $0xFFFF  }
.LBB2_6:
0x6c: {  	s29 =	simm.s32 $0x0  }
0x6d: {  	v18 =	vld [tilespmem:s29+$0x70]  }
0x6e: {  	v12 =	vld [tilespmem:s29+$0x0]  }
0x6f: {  	s26 =	sshll.u32 s25, $0x1;
	v13 =	vld [tilespmem:s29+$0x10]  }
0x70: {  	s28 =	sor.u32 s5, s26;
	v14 =	vld [tilespmem:s29+$0x20]  }
0x71: {  	v15 =	vld [tilespmem:s29+$0x30];
	s26 =	smul.u32 $0xC3500, s28  }
0x72: {  	v16 =	vld [tilespmem:s29+$0x40]  }
0x73: {  	s30 =	smin.u32 s26, $0x5E9AC00  }
0x74: {  	v10 =	vmov s26;
	s30 =	sadd.s32 $0xC3500, s30  }
0x75: {  	v11 =	vmov s30;
	vm0 =	vge.s32 v18, v10;
	vm2 =	vge.s32 v12, v10  }
0x76: {  	v17 =	vld [tilespmem:s29+$0x50];
	v19 =	vsub.s32 v18, v10;
	vm3 =	vge.s32 v13, v10;
	vm4 =	vge.s32 v14, v10  }
0x77: {  	vm6 =	vge.s32 v15, v10;
	vm8 =	vge.s32 v16, v10;
	vm1 =	vlt.s32 v18, v11;
	v18 =	vld [tilespmem:s29+$0x60]  }
0x78: {  	vm5 =	vlt.s32 v14, v11;
	vm7 =	vlt.s32 v15, v11;
	vm0 =	vmand vm0, vm1  }
0x79: {  	vm9 =	vlt.s32 v16, v11;
	vm1 =	vlt.s32 v12, v11;
	v19 =	vsel vm0, v19, v9  }
0x7a: {  	vm0 =	vlt.s32 v13, v11;
	vm1 =	vmand vm2, vm1;
	vm2 =	vmand vm4, vm5  }
0x7b: {  	vm4 =	vge.s32 v17, v10;
	vm5 =	vlt.s32 v17, v11;
	vm0 =	vmand vm3, vm0  }
0x7c: {  	vm3 =	vmand vm6, vm7;
	vm7 =	vge.s32 v18, v10;
	vm10 =	vlt.s32 v18, v11  }
0x7d: {  	s31 =	simm.s32 $0x400;
	s30 =	simm.s32 $0x80;
	[tilespmem:s29+$0x7870] =	vst v19;
	vm6 =	vmand vm8, vm9;
	vm4 =	vmand vm4, vm5;
	vm5 =	vmand vm7, vm10  }
.LBB2_7:
0x7e: {  	p0 =	sne.s32 s31, $0x9E00;
	v19 =	vld [tilespmem:s30+$0x70];
	v20 =	vsub.s32 v12, v10;
	v21 =	vsub.s32 v13, v10;
	v22 =	vsub.s32 v14, v10  }
0x7f: {  	v15 =	vsub.s32 v15, v10;
	v16 =	vsub.s32 v16, v10;
	v17 =	vsub.s32 v17, v10;
	v12 =	vld [tilespmem:s30+$0x0]  }
0x80: {  	v18 =	vsub.s32 v18, v10;
	v20 =	vsel vm1, v20, v2;
	v21 =	vsel vm0, v21, v3;
	v13 =	vld [tilespmem:s30+$0x10]  }
0x81: {  	v23 =	vsel vm6, v16, v6;
	v14 =	vld [tilespmem:s30+$0x20];
	[tilespmem:s29+$0x7800] =	vst v20;
	v20 =	vsel vm2, v22, v4;
	v22 =	vsel vm3, v15, v5  }
0x82: {  	v24 =	vsel vm5, v18, v8;
	v15 =	vld [tilespmem:s30+$0x30];
	[tilespmem:s29+$0x7810] =	vst v21;
	v21 =	vsel vm4, v17, v7  }
0x83: {  	v16 =	vld [tilespmem:s30+$0x40];
	vm0 =	vge.s32 v19, v10;
	vm1 =	vlt.s32 v19, v11;
	[tilespmem:s29+$0x7820] =	vst v20  }
0x84: {  	v19 =	vsub.s32 v19, v10;
	vm2 =	vge.s32 v12, v10;
	v17 =	vld [tilespmem:s30+$0x50];
	vm0 =	vmand vm0, vm1;
	[tilespmem:s29+$0x7830] =	vst v22  }
0x85: {  	vm1 =	vlt.s32 v12, v11;
	vm3 =	vge.s32 v13, v10;
	v18 =	vld [tilespmem:s30+$0x60];
	v19 =	vsel vm0, v19, v9;
	[tilespmem:s29+$0x7840] =	vst v23  }
0x86: {  	vm0 =	vlt.s32 v13, v11;
	vm4 =	vge.s32 v14, v10;
	vm5 =	vlt.s32 v14, v11;
	[tilespmem:s30+$0x7870] =	vst v19  }
.Ltmp2:
0x87: {  	vm1 =	vmand vm2, vm1;
	vm6 =	vge.s32 v15, v10;
	vm7 =	vlt.s32 v15, v11;
	[tilespmem:s29+$0x7850] =	vst v21;
	(pc) =	sbr.rel @p0 .LBB2_7-.Ltmp2, $4  }
0x88: {  	vm0 =	vmand vm3, vm0;
	vm8 =	vge.s32 v16, v10;
	vm9 =	vlt.s32 v16, v11;
	[tilespmem:s29+$0x7860] =	vst v24;
	s29 =	smov.u32 s30  }
0x89: {  	vm2 =	vmand vm4, vm5;
	vm4 =	vge.s32 v17, v10;
	vm5 =	vlt.s32 v17, v11  }
0x8a: {  	vm3 =	vmand vm6, vm7;
	vm7 =	vge.s32 v18, v10;
	vm10 =	vlt.s32 v18, v11  }
0x8b: {  	s30 =	sshra.s32 s31, $0x2;
	s31 =	sadd.s32 $0x200, s31;
	vm6 =	vmand vm8, vm9;
	vm4 =	vmand vm4, vm5;
	vm5 =	vmand vm7, vm10  }
0x8c: {  	v19 =	vld [tilespmem:s30+$0x70]  }
0x8d: {  	v20 =	vld [tilespmem:s30+$0x0];
	v12 =	vsub.s32 v12, v10;
	v13 =	vsub.s32 v13, v10  }
0x8e: {  	v21 =	vld [tilespmem:s30+$0x10];
	v14 =	vsub.s32 v14, v10;
	v15 =	vsub.s32 v15, v10;
	v50 =	vsub.s32 v16, v10  }
0x8f: {  	v22 =	vld [tilespmem:s30+$0x20];
	v51 =	vsub.s32 v17, v10;
	v18 =	vsub.s32 v18, v10;
	v12 =	vsel vm1, v12, v2  }
0x90: {  	v13 =	vsel vm0, v13, v3;
	v14 =	vsel vm2, v14, v4;
	v15 =	vsel vm3, v15, v5  }
0x91: {  	v53 =	vsel vm4, v51, v7;
	v54 =	vsel vm5, v18, v8;
	[tilespmem:s29+$0x7800] =	vst v12;
	v12 =	vsel vm6, v50, v6  }
0x92: {  	vm13 =	vge.s32 v19, v10;
	vm14 =	vlt.s32 v19, v11;
	vm15 =	vge.s32 v20, v10  }
0x93: {  	v52 =	vld [tilespmem:s30+$0x30];
	[tilespmem:s29+$0x7810] =	vst v13;
	v19 =	vsub.s32 v19, v10;
	vm8 =	vlt.s32 v20, v11;
	vm9 =	vge.s32 v21, v10  }
0x94: {  	v55 =	vld [tilespmem:s30+$0x40];
	[tilespmem:s29+$0x7820] =	vst v14;
	vm10 =	vlt.s32 v21, v11;
	vm11 =	vge.s32 v22, v10;
	vm12 =	vlt.s32 v22, v11  }
0x95: {  	v14 =	vld [tilespmem:s30+$0x50];
	[tilespmem:s29+$0x7830] =	vst v15;
	v58 =	vsub.s32 v20, v10;
	v59 =	vsub.s32 v21, v10;
	vm0 =	vmand vm13, vm14  }
0x96: {  	v60 =	vsub.s32 v22, v10;
	v57 =	vld [tilespmem:s30+$0x60];
	vm1 =	vmand vm15, vm8;
	[tilespmem:s29+$0x7840] =	vst v12;
	v56 =	vsel vm0, v19, v9  }
0x97: {  	vm4 =	vmand vm11, vm12;
	vm0 =	vmand vm9, vm10;
	v12 =	vsel vm1, v58, v2;
	[tilespmem:s30+$0x7870] =	vst v56  }
0x98: {  	v61 =	vsel vm4, v60, v4;
	vm13 =	vge.s32 v52, v10;
	vm14 =	vlt.s32 v52, v11;
	[tilespmem:s29+$0x7850] =	vst v53  }
0x99: {  	v13 =	vsel vm0, v59, v3;
	vm15 =	vge.s32 v55, v10;
	vm7 =	vlt.s32 v55, v11;
	[tilespmem:s29+$0x7860] =	vst v54  }
0x9a: {  	vm2 =	vmand vm13, vm14;
	v62 =	vsub.s32 v55, v10;
	vm12 =	vge.s32 v14, v10;
	[tilespmem:s30+$0x7800] =	vst v12  }
0x9b: {  	vm8 =	vlt.s32 v14, v11;
	[tilespmem:s30+$0x7810] =	vst v13;
	vm3 =	vmand vm15, vm7;
	v63 =	vsub.s32 v14, v10  }
0x9c: {  	[tilespmem:s30+$0x7820] =	vst v61;
	vm14 =	vlt.s32 v57, v11;
	v11 =	vsub.s32 v52, v10;
	v13 =	vsel vm3, v62, v6  }
0x9d: {  	vm13 =	vge.s32 v57, v10;
	vm15 =	vmand vm12, vm8;
	v11 =	vsel vm2, v11, v5;
	[tilespmem:s30+$0x7840] =	vst v13  }
0x9e: {  	v10 =	vsub.s32 v57, v10;
	vm0 =	vmand vm13, vm14;
	[tilespmem:s30+$0x7830] =	vst v11;
	v11 =	vsel vm15, v63, v7  }
0x9f: {  	v10 =	vsel vm0, v10, v8;
	[tilespmem:s30+$0x7850] =	vst v11  }
0xa0: {  	s29 =	simm.s32 $0x0;
	[tilespmem:s30+$0x7860] =	vst v10  }
.LBB2_9:
0xa1: {  	p0 =	sne.s32 s29, $0x9E00  }
.Ltmp3:
0xa2: {  	_ = 	snop;
	(pc) =	sbr.rel @p0 .LBB2_9-.Ltmp3, $4  }
0xa3: {  	_ = 	snop  }
0xa4: {  	s30 =	sshra.s32 s29, $0x2  }
0xa5: {  	s29 =	sadd.s32 $0x200, s29;
	s31 =	sadd.s32 $0x5000, s30;
	s30 =	sadd.s32 $0x7800, s30  }
0xa6: {  	[spmem:s3] =	stream.indirect.scatter.add.f32 [tilespmem:s31], [sflag:$0x1], $0x1, s30, s8, $0xb8;
	[tilespmem:$0x19F58] =	vst v63  }
0xa7: {  	_ =	swait.ge [sflag:s11], $0x80  }
0xa8: {  	s29 =	simm.s32 $0x4F;
	[sflag:s11] =	ssyncset.done $0x0  }
.LBB2_11:
0xa9: {  	p0 =	sne.s32 s29, $0x1;
	s29 =	sadd.s32 $0xFFFFFFFF, s29;
	[sflag:s11] =	ssyncadd.s32 $0xFFFFFF80  }
.Ltmp4:
0xaa: {  	(pc) =	sbr.rel @p0 .LBB2_11-.Ltmp4, $3  }
0xab: {  	_ =	sdelay $0x1  }
0xac: {  	_ =	swait.ge [sflag:s11], $0x80  }
0xad: {  	[sflag:s11] =	ssyncset.done $0x0  }
0xae: {  	p0 =	sgt.u32 s28, $0x7C  }
.Ltmp5:
0xaf: {  	_ = 	snop;
	(pc) =	sbr.rel @p0 .LBB2_14-.Ltmp5, $3  }
0xb0: {  	_ = 	snop  }
0xb1: {  	[sflag:s11] =	ssyncadd.s32 $0xFFFFFF80  }
0xb2: {  	[bflag:$0x0] =	sbarrier.arrive $0xFFFF;
	_ =	sdelay $0x1  }
0xb3: {  	[tilespmem:s12], [sflag:$0x3] =	stream.linear.gather [spmem:s10], $0x1388, $0x38;
	[tilespmem:$0x19F58] =	vst v63  }
0xb4: {  	s26 =	sadd.s32 s6, s26;
	_ =	swait.ge [sflag:s0], $0x1388  }
0xb5: {  	s28 =	sshrl.u32 s26, $0x3;
	[sflag:s0] =	ssyncset.done $0x0  }
0xb6: {  	s28 =	sadd.s32 s2, s28;
	[sflag:s0] =	ssyncadd.s32 $0xFFFFEC78  }
0xb7: {  	[hbm4b:s28+s4] =	stream.linear.scatter [tilespmem:s12], [sflag:$0x1], $0x1388, $0x38;
	[tilespmem:$0x19F58] =	vst v63  }
0xb8: {  	_ = 	snop  }
0xb9: {  	[tilespmem:s22], [sflag:$0x3] =	stream.linear.gather [spmem:s13], $0x1388, $0x38;
	[tilespmem:$0x19F58] =	vst v63  }
0xba: {  	s29 =	sadd.s32 $0x1388, s26;
	_ =	swait.ge [sflag:s0], $0x1388  }
0xbb: {  	s29 =	sshrl.u32 s29, $0x3;
	[sflag:s0] =	ssyncset.done $0x0  }
0xbc: {  	s29 =	sadd.s32 s2, s29;
	[sflag:s0] =	ssyncadd.s32 $0xFFFFEC78  }
0xbd: {  	[hbm4b:s29+s4] =	stream.linear.scatter [tilespmem:s22], [sflag:$0x2], $0x1388, $0x38;
	[tilespmem:$0x19F58] =	vst v63  }
0xbe: {  	_ =	swait.ge [sflag:s11], $0x1388  }
0xbf: {  	[sflag:s11] =	ssyncset.done $0x0  }
0xc0: {  	[sflag:s11] =	ssyncadd.s32 $0xFFFFEC78  }
0xc1: {  	[tilespmem:s12], [sflag:$0x3] =	stream.linear.gather [spmem:s14], $0x1388, $0x38;
	[tilespmem:$0x19F58] =	vst v63  }
0xc2: {  	_ =	swait.ge [sflag:s0], $0x1388  }
0xc3: {  	[sflag:s0] =	ssyncset.done $0x0  }
0xc4: {  	s30 =	sadd.s32 $0x4E2, s28;
	[sflag:s0] =	ssyncadd.s32 $0xFFFFEC78  }
0xc5: {  	[hbm4b:s30+s4] =	stream.linear.scatter [tilespmem:s12], [sflag:$0x1], $0x1388, $0x38;
	[tilespmem:$0x19F58] =	vst v63  }
0xc6: {  	_ =	swait.ge [sflag:s23], $0x1388  }
0xc7: {  	[sflag:s23] =	ssyncset.done $0x0  }
0xc8: {  	[sflag:s23] =	ssyncadd.s32 $0xFFFFEC78  }
0xc9: {  	[tilespmem:s22], [sflag:$0x3] =	stream.linear.gather [spmem:s15], $0x1388, $0x38;
	[tilespmem:$0x19F58] =	vst v63  }
0xca: {  	s31 =	sadd.s32 $0x3A98, s26;
	_ =	swait.ge [sflag:s0], $0x1388  }
0xcb: {  	s29 =	sshrl.u32 s31, $0x3;
	[sflag:s0] =	ssyncset.done $0x0  }
0xcc: {  	s29 =	sadd.s32 s2, s29;
	[sflag:s0] =	ssyncadd.s32 $0xFFFFEC78  }
0xcd: {  	[hbm4b:s29+s4] =	stream.linear.scatter [tilespmem:s22], [sflag:$0x2], $0x1388, $0x38;
	[tilespmem:$0x19F58] =	vst v63  }
0xce: {  	_ =	swait.ge [sflag:s11], $0x1388  }
0xcf: {  	[sflag:s11] =	ssyncset.done $0x0  }
0xd0: {  	[sflag:s11] =	ssyncadd.s32 $0xFFFFEC78  }
0xd1: {  	[tilespmem:s12], [sflag:$0x3] =	stream.linear.gather [spmem:s16], $0x1388, $0x38;
	[tilespmem:$0x19F58] =	vst v63  }
0xd2: {  	_ =	swait.ge [sflag:s0], $0x1388  }
0xd3: {  	[sflag:s0] =	ssyncset.done $0x0  }
0xd4: {  	s30 =	sadd.s32 $0x9C4, s28;
	[sflag:s0] =	ssyncadd.s32 $0xFFFFEC78  }
0xd5: {  	[hbm4b:s30+s4] =	stream.linear.scatter [tilespmem:s12], [sflag:$0x1], $0x1388, $0x38;
	[tilespmem:$0x19F58] =	vst v63  }
0xd6: {  	_ =	swait.ge [sflag:s23], $0x1388  }
0xd7: {  	[sflag:s23] =	ssyncset.done $0x0  }
0xd8: {  	[sflag:s23] =	ssyncadd.s32 $0xFFFFEC78  }
0xd9: {  	[tilespmem:s22], [sflag:$0x3] =	stream.linear.gather [spmem:s17], $0x1388, $0x38;
	[tilespmem:$0x19F58] =	vst v63  }
0xda: {  	s31 =	sadd.s32 $0x61A8, s26;
	_ =	swait.ge [sflag:s0], $0x1388  }
0xdb: {  	s29 =	sshrl.u32 s31, $0x3;
	[sflag:s0] =	ssyncset.done $0x0  }
0xdc: {  	s29 =	sadd.s32 s2, s29;
	[sflag:s0] =	ssyncadd.s32 $0xFFFFEC78  }
0xdd: {  	[hbm4b:s29+s4] =	stream.linear.scatter [tilespmem:s22], [sflag:$0x2], $0x1388, $0x38;
	[tilespmem:$0x19F58] =	vst v63  }
0xde: {  	_ =	swait.ge [sflag:s11], $0x1388  }
0xdf: {  	[sflag:s11] =	ssyncset.done $0x0  }
0xe0: {  	[sflag:s11] =	ssyncadd.s32 $0xFFFFEC78  }
0xe1: {  	[tilespmem:s12], [sflag:$0x3] =	stream.linear.gather [spmem:s18], $0x1388, $0x38;
	[tilespmem:$0x19F58] =	vst v63  }
0xe2: {  	_ =	swait.ge [sflag:s0], $0x1388  }
0xe3: {  	[sflag:s0] =	ssyncset.done $0x0  }
0xe4: {  	s30 =	sadd.s32 $0xEA6, s28;
	[sflag:s0] =	ssyncadd.s32 $0xFFFFEC78  }
0xe5: {  	[hbm4b:s30+s4] =	stream.linear.scatter [tilespmem:s12], [sflag:$0x1], $0x1388, $0x38;
	[tilespmem:$0x19F58] =	vst v63  }
0xe6: {  	_ =	swait.ge [sflag:s23], $0x1388  }
0xe7: {  	[sflag:s23] =	ssyncset.done $0x0  }
0xe8: {  	[sflag:s23] =	ssyncadd.s32 $0xFFFFEC78  }
0xe9: {  	[tilespmem:s22], [sflag:$0x3] =	stream.linear.gather [spmem:s19], $0x1388, $0x38;
	[tilespmem:$0x19F58] =	vst v63  }
0xea: {  	s31 =	sadd.s32 $0x88B8, s26;
	_ =	swait.ge [sflag:s0], $0x1388  }
0xeb: {  	s29 =	sshrl.u32 s31, $0x3;
	[sflag:s0] =	ssyncset.done $0x0  }
0xec: {  	s29 =	sadd.s32 s2, s29;
	[sflag:s0] =	ssyncadd.s32 $0xFFFFEC78  }
0xed: {  	[hbm4b:s29+s4] =	stream.linear.scatter [tilespmem:s22], [sflag:$0x2], $0x1388, $0x38;
	[tilespmem:$0x19F58] =	vst v63  }
0xee: {  	_ =	swait.ge [sflag:s11], $0x1388  }
0xef: {  	[sflag:s11] =	ssyncset.done $0x0  }
0xf0: {  	[sflag:s11] =	ssyncadd.s32 $0xFFFFEC78  }
0xf1: {  	[tilespmem:s12], [sflag:$0x3] =	stream.linear.gather [spmem:s20], $0x1388, $0x38;
	[tilespmem:$0x19F58] =	vst v63  }
0xf2: {  	_ =	swait.ge [sflag:s0], $0x1388  }
0xf3: {  	[sflag:s0] =	ssyncset.done $0x0  }
0xf4: {  	s28 =	sadd.s32 $0x1388, s28;
	[sflag:s0] =	ssyncadd.s32 $0xFFFFEC78  }
0xf5: {  	[hbm4b:s28+s4] =	stream.linear.scatter [tilespmem:s12], [sflag:$0x1], $0x1388, $0x38;
	[tilespmem:$0x19F58] =	vst v63  }
0xf6: {  	_ =	swait.ge [sflag:s23], $0x1388  }
0xf7: {  	[sflag:s23] =	ssyncset.done $0x0  }
0xf8: {  	[sflag:s23] =	ssyncadd.s32 $0xFFFFEC78  }
0xf9: {  	[tilespmem:s22], [sflag:$0x3] =	stream.linear.gather [spmem:s21], $0x1388, $0x38;
	[tilespmem:$0x19F58] =	vst v63  }
0xfa: {  	s26 =	sadd.s32 $0xAFC8, s26;
	_ =	swait.ge [sflag:s0], $0x1388  }
0xfb: {  	s26 =	sshrl.u32 s26, $0x3;
	[sflag:s0] =	ssyncset.done $0x0  }
0xfc: {  	s26 =	sadd.s32 s2, s26;
	[sflag:s0] =	ssyncadd.s32 $0xFFFFEC78  }
0xfd: {  	[hbm4b:s26+s4] =	stream.linear.scatter [tilespmem:s22], [sflag:$0x2], $0x1388, $0x38;
	[tilespmem:$0x19F58] =	vst v63  }
0xfe: {  	_ =	swait.ge [sflag:s11], $0x1388  }
0xff: {  	[sflag:s11] =	ssyncset.done $0x0  }
0x100: {  	[sflag:s11] =	ssyncadd.s32 $0xFFFFEC78  }
0x101: {  	_ =	swait.ge [sflag:s23], $0x1388  }
0x102: {  	[sflag:s23] =	ssyncset.done $0x0  }
0x103: {  	[sflag:s23] =	ssyncadd.s32 $0xFFFFEC78  }
.LBB2_14:
0x104: {  	[bflag:$0x0] =	sbarrier.arrive $0xFFFF;
	s26 =	simm.s32 $0x0  }
.LBB2_15:
0x105: {  	p0 =	sne.s32 s26, $0x9E00  }
.Ltmp6:
0x106: {  	_ = 	snop;
	(pc) =	sbr.rel @p0 .LBB2_15-.Ltmp6, $4  }
0x107: {  	_ = 	snop  }
0x108: {  	s28 =	sshra.s32 s26, $0x2  }
0x109: {  	s26 =	sadd.s32 $0x200, s26;
	s28 =	sadd.s32 $0x7800, s28  }
0x10a: {  	[spmem:s3] =	stream.indirect.scatter [tilespmem:s1], [sflag:$0x2], $0x1, s28, s8, $0xb8;
	[tilespmem:$0x19F58] =	vst v63  }
0x10b: {  	_ =	swait.ge [sflag:s23], $0x80  }
0x10c: {  	s26 =	simm.s32 $0x4F;
	[sflag:s23] =	ssyncset.done $0x0  }
.LBB2_17:
0x10d: {  	p0 =	sne.s32 s26, $0x1;
	s26 =	sadd.s32 $0xFFFFFFFF, s26;
	[sflag:s23] =	ssyncadd.s32 $0xFFFFFF80  }
.Ltmp7:
0x10e: {  	(pc) =	sbr.rel @p0 .LBB2_17-.Ltmp7, $3  }
0x10f: {  	_ =	sdelay $0x1  }
0x110: {  	_ =	swait.ge [sflag:s23], $0x80  }
0x111: {  	[sflag:s23] =	ssyncset.done $0x0  }
0x112: {  	s25 =	sadd.s32 $0x1, s25  }
0x113: {  	p0 =	sne.s32 s25, $0x3F  }
.Ltmp8:
0x114: {  	_ = 	snop;
	(pc) =	sbr.rel @p0 .LBB2_6-.Ltmp8, $3  }
0x115: {  	_ = 	snop  }
0x116: {  	[sflag:s23] =	ssyncadd.s32 $0xFFFFFF80  }
0x117: {  	[bflag:$0x0] =	sbarrier.arrive $0xFFFF;
	_ =	sdelay $0x1  }
0x118: {  	s24 =	sadd.s32 $0x1, s24;
	s25 =	rddreg [dreg:$0x7]  }
0x119: {  	p0 =	sne.s32 s24, s25  }
.Ltmp9:
0x11a: {  	_ = 	snop;
	(pc) =	sbr.rel @p0 .LBB2_1-.Ltmp9, $1  }
0x11b: {  	_ =	sdelay $0x3  }
0x11c: {  	_ =	sfence.sel $0x180000  }
0x11d: {  	[bflag:$0x0] =	sbarrier.arrive $0xFFFF  }
0x11e: {  	_ =	strace $0x9000004A  }
0x11f: {  	s0 =	stileid.u32;
	[bflag:$0x2] =	sbarrier.arrive $0xFFFF  }
0x120: {  	p0 =	sne.s32 s0, $0x0;
	s0 =	rddreg [dreg:$0x3]  }
0x121: {  	s0 =	sadd.s32 @!p0 $0x100000, s0  }
0x122: {  	[sflag:s0] =	ssyncadd.tile.s32 @!p0 $0x1;
	_ =	shalt  }
.Lfunc_end2:
_tile_overlayer_lowered:
.L_overlay_start_2:
0x123: {  	(tag) =	ssettag $0x2  }
0x124: {  	s0 =	rddreg [dreg:$0x0];
	s2 =	stileid.u32  }
0x125: {  	s1 =	rddreg [dreg:$0x1];
	p0 =	sne.s32 s2, $0x0  }
0x126: {  	s3 =	rddreg [dreg:$0x2];
	[bflag:$0x3] =	sbarrier.arrive $0xFFFF;
	s2 =	simm.s32 @!p0 $0x1C03  }
0x127: {  	[timem:s3], [sflag:s2] =	dma.local @!p0 [hbm:s0], s1  }
0x128: {  	s0 =	simm.s32 @!p0 $0x3  }
0x129: {  	_ =	swait.ge @!p0 [sflag:s0], s1  }
0x12a: {  	s1 =	ssub.s32 @!p0 $0x0, s1;
	[sflag:s0] =	ssyncset.done @!p0 $0x0  }
0x12b: {  	[sflag:s0] =	ssyncadd.s32 @!p0 s1  }
0x12c: {  	[bflag:$0x3] =	sbarrier.arrive $0xFFFF  }
0x12d: {  	_ =	shalt  }

</sc_bundles>
